<compile_context>
chip_gen: v7x
topology: tpu7x:2x2x1
jax: 0.10.2.dev20260603
libtpu: 0.0.44.dev20260713+nightly
codegen_flags: <defaults>
</compile_context>

<pallas_src>
import functools

import jax
import jax.numpy as jnp
from jax import lax
from jax.experimental import pallas as pl
from jax.experimental.pallas import tpu as pltpu
from jax.experimental.pallas import tpu_sc as plsc

NC = 2
NS = 16
L = 16
S = 32
D = 128
C = 4
BP = 10240
NVREG = D // L
BPW0 = 608
BPW1 = 32
NCH0 = BPW0 // C
NCH1 = BPW1 // C


@functools.partial(
    pl.kernel,
    out_type=jax.ShapeDtypeStruct((BP, D), jnp.float32),
    mesh=plsc.VectorSubcoreMesh(
        core_axis_name="c", subcore_axis_name="s",
        num_cores=NC, num_subcores=NS),
    scratch_types=[
        pltpu.VMEM((NCH0, C * S), jnp.int32),
        pltpu.VMEM((C * S, D), jnp.float32),
        pltpu.VMEM((C * S, D), jnp.float32),
        pltpu.VMEM((BPW0, D), jnp.float32),
        pltpu.SemaphoreType.DMA,
        pltpu.SemaphoreType.DMA,
    ],
)
def _mean_agg(idx_hbm, table_hbm, out_hbm, idx_v, buf0, buf1, out_v,
              sem0, sem1):
    cid = lax.axis_index("c")
    sid = lax.axis_index("s")

    bufs = (buf0, buf1)
    sems = (sem0, sem1)

    def compute(c, buf):
        for r in range(C):
            def body(s_, carry):
                row = r * S + s_
                return tuple(
                    a + buf[row, pl.ds(v * L, L)]
                    for v, a in enumerate(carry))
            acc = lax.fori_loop(
                0, S, body,
                tuple(jnp.zeros((L,), jnp.float32) for _ in range(NVREG)))
            orow = c * C + r
            for v in range(NVREG):
                out_v[orow, pl.ds(v * L, L)] = acc[v] * (1.0 / S)

    def run(nch, out_base, idx_base):
        pltpu.sync_copy(idx_hbm.at[pl.ds(idx_base, nch)],
                        idx_v.at[pl.ds(0, nch)])
        pltpu.async_copy(table_hbm.at[idx_v.at[0]], buf0, sem0)
        pltpu.async_copy(table_hbm.at[idx_v.at[1]], buf1, sem1)

        def outer(g, carry):
            for b in range(2):
                c = g * 2 + b
                pltpu.make_async_copy(
                    table_hbm.at[idx_v.at[0]], bufs[b], sems[b]).wait()
                compute(c, bufs[b])

                @pl.when(c + 2 < nch)
                def _():
                    pltpu.async_copy(
                        table_hbm.at[idx_v.at[c + 2]], bufs[b], sems[b])
            return carry

        lax.fori_loop(0, nch // 2, outer, 0)
        pltpu.sync_copy(out_v.at[pl.ds(0, nch * C)],
                        out_hbm.at[pl.ds(out_base, nch * C)])

    @pl.when(cid == 0)
    def _():
        run(NCH0, sid * BPW0, sid * NCH0)

    @pl.when(cid == 1)
    def _():
        run(NCH1, NS * BPW0 + sid * BPW1, NS * NCH0 + sid * NCH1)


def kernel(nodes, to_neighs, features_table):
    del nodes
    b = to_neighs.shape[0]
    idx = jnp.pad(to_neighs.astype(jnp.int32), ((0, BP - b), (0, 0)))
    idx2d = idx.reshape(BP * S // (C * S), C * S)
    out = _mean_agg(idx2d, features_table)
    return out[:b]

# --- scband reference (transcript-rebuilt; emitter-appended) ---
"""Pipeline reference for scband-mean-aggregator-2018634629566 (READ-ONLY COPY).

The authoritative reference and input builder live on the scoring server;
editing this copy changes nothing except your own understanding.
"""

import jax, jax.numpy as jnp
import numpy as np

N_NODES = 100000
BATCH = 10000
NUM_SAMPLE = 32
D_FEAT = 128


def setup_inputs(seed: int = 0) -> dict:
    key = jax.random.key(seed)
    k1, k2, k3 = jax.random.split(key, 3)
    nodes = jax.random.randint(k1, (BATCH,), 0, N_NODES, dtype=jnp.int64 if jax.config.jax_enable_x64 else jnp.int32)
    to_neighs = jax.random.randint(k2, (BATCH, NUM_SAMPLE), 0, N_NODES, dtype=jnp.int64 if jax.config.jax_enable_x64 else jnp.int32)
    # 'features' in the torch module is a callable mapping node ids -> feature rows;
    # materialize it as an embedding table (the learned parameter).
    features_table = jax.random.normal(k3, (N_NODES, D_FEAT), dtype=jnp.float32)
    return {"nodes": nodes, "to_neighs": to_neighs, "features_table": features_table}


def reference(nodes, to_neighs, features_table):
    # Original: build a normalized 0/1 mask over sampled neighbor sets and compute
    # mask.mm(embed_matrix), i.e. the mean of each node's sampled neighbors'
    # feature vectors (gcn=False, so no self-loop is added; `nodes` only feeds
    # the gcn branch / debug prints).
    # Faithful dense equivalent with fixed-size neighbor sampling:
    #   gather neighbor embeddings then mean over the sample axis.
    neigh_embeds = jnp.take(features_table, to_neighs, axis=0)  # [B, S, d] gather
    to_feats = neigh_embeds.mean(axis=1)                        # [B, d]
    return to_feats

if __name__ == "__main__":
    import jax
    _d = setup_inputs()
    print(jax.jit(kernel)(*tuple(_d.values())))

</pallas_src>

<mosaic_0001>
#map = affine_map<(d0, d1) -> (0, 0)>
module attributes {stable_mosaic.version = 14 : i64} {
  func.func @_mean_agg(%arg0: i32, %arg1: i32, %arg2: memref<2560x128xi32, #tpu.memory_space<hbm>>, %arg3: memref<100000x128xf32, #tpu.memory_space<hbm>>, %arg4: memref<10240x128xf32, #tpu.memory_space<hbm>>, %arg5: memref<152x128xi32, #tpu.memory_space<vmem>>, %arg6: memref<128x128xf32, #tpu.memory_space<vmem>>, %arg7: memref<128x128xf32, #tpu.memory_space<vmem>>, %arg8: memref<608x128xf32, #tpu.memory_space<vmem>>, %arg9: memref<!tpu.dma_semaphore, #tpu.memory_space<semaphore_mem>>, %arg10: memref<!tpu.dma_semaphore, #tpu.memory_space<semaphore_mem>>) attributes {dimension_semantics = [#tpu.dimension_semantics<core_parallel>, #tpu.dimension_semantics<subcore_parallel>], iteration_bounds = array<i64: 2, 16>, scalar_prefetch = 0 : i64, scratch_operands = 6 : i64, tpu.core_type = #tpu.core_type<sc_vector_subcore>, window_params = [{transform_indices = #map}, {transform_indices = #map}, {transform_indices = #map}]} {
    %eq3A = arith.constant 0 : i32
    %eq3A_0 = arith.cmpi eq, %arg0, %eq3A : i32
    %convert_element_type3A = arith.extui %eq3A_0 : i1 to i32
    %cond3A = arith.constant 0 : i32
    %cond3A_1 = arith.cmpi ne, %convert_element_type3A, %cond3A : i32
    scf.if %cond3A_1 {
      %mul3A = arith.constant 608 : i32
      %mul3A_7 = arith.muli %arg1, %mul3A : i32
      %mul3A_8 = arith.constant 152 : i32
      %mul3A_9 = arith.muli %arg1, %mul3A_8 : i32
      "tpu.region"() ({
        %run_scoped3A = tpu.sem_alloc : memref<!tpu.dma_semaphore, #tpu.memory_space<semaphore_mem>>
        %dma_start3A_28 = arith.constant 0 : i32
        %dma_start3A_29 = arith.constant 0 : i32
        %dma_start3A_30 = tpu.memref_slice %arg5[%dma_start3A_28, %dma_start3A_29] : memref<152x128xi32, #tpu.memory_space<vmem>> -> memref<152x128xi32, #tpu.memory_space<vmem>>
        %dma_start3A_31 = arith.constant 0 : i32
        %dma_start3A_32 = tpu.memref_slice %arg2[%mul3A_9, %dma_start3A_31] : memref<2560x128xi32, #tpu.memory_space<hbm>> -> memref<152x128xi32, #tpu.memory_space<hbm>>
        %dma_start3A_33 = arith.constant 0 : i32
        %dma_start3A_34 = arith.constant 0 : i32
        %dma_start3A_35 = tpu.memref_slice %arg5[%dma_start3A_33, %dma_start3A_34] : memref<152x128xi32, #tpu.memory_space<vmem>> -> memref<152x128xi32, #tpu.memory_space<vmem>>
        %dma_start3A_36 = arith.constant 0 : i32
        %dma_start3A_37 = tpu.memref_slice %arg2[%mul3A_9, %dma_start3A_36] : memref<2560x128xi32, #tpu.memory_space<hbm>> -> memref<152x128xi32, #tpu.memory_space<hbm>>
        tpu.enqueue_dma source(%dma_start3A_37 : memref<152x128xi32, #tpu.memory_space<hbm>>) target(%dma_start3A_35 : memref<152x128xi32, #tpu.memory_space<vmem>>) target_semaphore(%run_scoped3A : memref<!tpu.dma_semaphore, #tpu.memory_space<semaphore_mem>>)
        %dma_wait3A = arith.constant 0 : i32
        %dma_wait3A_38 = arith.constant 0 : i32
        %dma_wait3A_39 = tpu.memref_slice %arg5[%dma_wait3A, %dma_wait3A_38] : memref<152x128xi32, #tpu.memory_space<vmem>> -> memref<152x128xi32, #tpu.memory_space<vmem>>
        %dma_wait3A_40 = arith.constant 0 : i32
        %dma_wait3A_41 = tpu.memref_slice %arg2[%mul3A_9, %dma_wait3A_40] : memref<2560x128xi32, #tpu.memory_space<hbm>> -> memref<152x128xi32, #tpu.memory_space<hbm>>
        %dma_wait3A_42 = arith.constant 0 : i32
        %dma_wait3A_43 = arith.constant 0 : i32
        %dma_wait3A_44 = tpu.memref_slice %arg5[%dma_wait3A_42, %dma_wait3A_43] : memref<152x128xi32, #tpu.memory_space<vmem>> -> memref<152x128xi32, #tpu.memory_space<vmem>>
        %dma_wait3A_45 = arith.constant 0 : i32
        %dma_wait3A_46 = tpu.memref_slice %arg2[%mul3A_9, %dma_wait3A_45] : memref<2560x128xi32, #tpu.memory_space<hbm>> -> memref<152x128xi32, #tpu.memory_space<hbm>>
        tpu.wait_dma2 semaphore(%run_scoped3A : memref<!tpu.dma_semaphore, #tpu.memory_space<semaphore_mem>>) src(%dma_wait3A_46 : memref<152x128xi32, #tpu.memory_space<hbm>>) dst(%dma_wait3A_44 : memref<152x128xi32, #tpu.memory_space<vmem>>)
        tpu.yield
      }) : () -> ()
      %dma_start3A = arith.constant 0 : i32
      %dma_start3A_10 = arith.constant 0 : i32
      %dma_start3A_11 = tpu.memref_slice %arg5[%dma_start3A, %dma_start3A_10] : memref<152x128xi32, #tpu.memory_space<vmem>> -> memref<1x128xi32, #tpu.memory_space<vmem>>
      %dma_start3A_12 = tpu.memref_squeeze %dma_start3A_11 : memref<1x128xi32, #tpu.memory_space<vmem>> -> memref<128xi32, #tpu.memory_space<vmem>>
      %dma_start3A_13 = arith.constant 0 : i32
      %dma_start3A_14 = arith.constant 0 : i32
      %dma_start3A_15 = tpu.memref_slice %arg3[%dma_start3A_13, %dma_start3A_14] : memref<100000x128xf32, #tpu.memory_space<hbm>> -> memref<100000x128xf32, #tpu.memory_space<hbm>>
      tpu.enqueue_indirect_dma source(%dma_start3A_15 : memref<100000x128xf32, #tpu.memory_space<hbm>>) target(%arg6 : memref<128x128xf32, #tpu.memory_space<vmem>>) offsets(%dma_start3A_12 : memref<128xi32, #tpu.memory_space<vmem>>) semaphore(%arg9 : memref<!tpu.dma_semaphore, #tpu.memory_space<semaphore_mem>>)
      %dma_start3A_16 = arith.constant 1 : i32
      %dma_start3A_17 = arith.constant 0 : i32
      %dma_start3A_18 = tpu.memref_slice %arg5[%dma_start3A_16, %dma_start3A_17] : memref<152x128xi32, #tpu.memory_space<vmem>> -> memref<1x128xi32, #tpu.memory_space<vmem>>
      %dma_start3A_19 = tpu.memref_squeeze %dma_start3A_18 : memref<1x128xi32, #tpu.memory_space<vmem>> -> memref<128xi32, #tpu.memory_space<vmem>>
      %dma_start3A_20 = arith.constant 0 : i32
      %dma_start3A_21 = arith.constant 0 : i32
      %dma_start3A_22 = tpu.memref_slice %arg3[%dma_start3A_20, %dma_start3A_21] : memref<100000x128xf32, #tpu.memory_space<hbm>> -> memref<100000x128xf32, #tpu.memory_space<hbm>>
      tpu.enqueue_indirect_dma source(%dma_start3A_22 : memref<100000x128xf32, #tpu.memory_space<hbm>>) target(%arg7 : memref<128x128xf32, #tpu.memory_space<vmem>>) offsets(%dma_start3A_19 : memref<128xi32, #tpu.memory_space<vmem>>) semaphore(%arg10 : memref<!tpu.dma_semaphore, #tpu.memory_space<semaphore_mem>>)
      %scan3A = arith.constant 0 : i32
      %scan3A_23 = arith.constant 0 : i32
      %scan3A_24 = arith.constant 76 : i32
      %scan3A_25 = arith.addi %scan3A_23, %scan3A_24 : i32
      %scan3A_26 = arith.constant 1 : i32
      scf.for %scan3A_28 = %scan3A_23 to %scan3A_25 step %scan3A_26  : i32 {
        %mul3A_29 = arith.constant 2 : i32
        %mul3A_30 = arith.muli %scan3A_28, %mul3A_29 : i32
        %add3A = arith.constant 0 : i32
        %add3A_31 = arith.addi %mul3A_30, %add3A : i32
        %dma_wait3A = arith.constant 0 : i32
        %dma_wait3A_32 = arith.constant 0 : i32
        %dma_wait3A_33 = tpu.memref_slice %arg5[%dma_wait3A, %dma_wait3A_32] : memref<152x128xi32, #tpu.memory_space<vmem>> -> memref<1x128xi32, #tpu.memory_space<vmem>>
        %dma_wait3A_34 = tpu.memref_squeeze %dma_wait3A_33 : memref<1x128xi32, #tpu.memory_space<vmem>> -> memref<128xi32, #tpu.memory_space<vmem>>
        %dma_wait3A_35 = arith.constant 0 : i32
        %dma_wait3A_36 = arith.constant 0 : i32
        %dma_wait3A_37 = tpu.memref_slice %arg3[%dma_wait3A_35, %dma_wait3A_36] : memref<100000x128xf32, #tpu.memory_space<hbm>> -> memref<100000x128xf32, #tpu.memory_space<hbm>>
        tpu.wait_indirect_dma semaphore(%arg9 : memref<!tpu.dma_semaphore, #tpu.memory_space<semaphore_mem>>) src(%dma_wait3A_37 : memref<100000x128xf32, #tpu.memory_space<hbm>>) dst(%arg6 : memref<128x128xf32, #tpu.memory_space<vmem>>)
        %broadcast_in_dim3A = arith.constant 0.000000e+00 : f32
        %broadcast_in_dim3A_38 = vector.broadcast %broadcast_in_dim3A : f32 to vector<16xf32>
        %broadcast_in_dim3A_39 = arith.constant 0.000000e+00 : f32
        %broadcast_in_dim3A_40 = vector.broadcast %broadcast_in_dim3A_39 : f32 to vector<16xf32>
        %broadcast_in_dim3A_41 = arith.constant 0.000000e+00 : f32
        %broadcast_in_dim3A_42 = vector.broadcast %broadcast_in_dim3A_41 : f32 to vector<16xf32>
        %broadcast_in_dim3A_43 = arith.constant 0.000000e+00 : f32
        %broadcast_in_dim3A_44 = vector.broadcast %broadcast_in_dim3A_43 : f32 to vector<16xf32>
        %broadcast_in_dim3A_45 = arith.constant 0.000000e+00 : f32
        %broadcast_in_dim3A_46 = vector.broadcast %broadcast_in_dim3A_45 : f32 to vector<16xf32>
        %broadcast_in_dim3A_47 = arith.constant 0.000000e+00 : f32
        %broadcast_in_dim3A_48 = vector.broadcast %broadcast_in_dim3A_47 : f32 to vector<16xf32>
        %broadcast_in_dim3A_49 = arith.constant 0.000000e+00 : f32
        %broadcast_in_dim3A_50 = vector.broadcast %broadcast_in_dim3A_49 : f32 to vector<16xf32>
        %broadcast_in_dim3A_51 = arith.constant 0.000000e+00 : f32
        %broadcast_in_dim3A_52 = vector.broadcast %broadcast_in_dim3A_51 : f32 to vector<16xf32>
        %scan3A_53 = arith.constant 0 : i32
        %scan3A_54 = arith.constant 32 : i32
        %scan3A_55 = arith.addi %scan3A_53, %scan3A_54 : i32
        %scan3A_56 = arith.constant 1 : i32
        %scan3A_57:8 = scf.for %scan3A_780 = %scan3A_53 to %scan3A_55 step %scan3A_56 iter_args(%scan3A_781 = %broadcast_in_dim3A_38, %scan3A_782 = %broadcast_in_dim3A_40, %scan3A_783 = %broadcast_in_dim3A_42, %scan3A_784 = %broadcast_in_dim3A_44, %scan3A_785 = %broadcast_in_dim3A_46, %scan3A_786 = %broadcast_in_dim3A_48, %scan3A_787 = %broadcast_in_dim3A_50, %scan3A_788 = %broadcast_in_dim3A_52) -> (vector<16xf32>, vector<16xf32>, vector<16xf32>, vector<16xf32>, vector<16xf32>, vector<16xf32>, vector<16xf32>, vector<16xf32>)  : i32 {
          %add3A_789 = arith.constant 0 : i32
          %add3A_790 = arith.addi %add3A_789, %scan3A_780 : i32
          %get3A = arith.index_cast %add3A_790 : i32 to index
          %get3A_791 = arith.constant 0 : index
          %get3A_792 = tpu.vector_load %arg6[%get3A, %get3A_791] {strides = array<i32>} : memref<128x128xf32, #tpu.memory_space<vmem>>, vector<1x16xf32>,
          %get3A_793 = vector.shape_cast %get3A_792 : vector<1x16xf32> to vector<16xf32>
          %add3A_794 = arith.addf %scan3A_781, %get3A_793 : vector<16xf32>
          %get3A_795 = arith.index_cast %add3A_790 : i32 to index
          %get3A_796 = arith.constant 16 : index
          %get3A_797 = tpu.vector_load %arg6[%get3A_795, %get3A_796] {strides = array<i32>} : memref<128x128xf32, #tpu.memory_space<vmem>>, vector<1x16xf32>,
          %get3A_798 = vector.shape_cast %get3A_797 : vector<1x16xf32> to vector<16xf32>
          %add3A_799 = arith.addf %scan3A_782, %get3A_798 : vector<16xf32>
          %get3A_800 = arith.index_cast %add3A_790 : i32 to index
          %get3A_801 = arith.constant 32 : index
          %get3A_802 = tpu.vector_load %arg6[%get3A_800, %get3A_801] {strides = array<i32>} : memref<128x128xf32, #tpu.memory_space<vmem>>, vector<1x16xf32>,
          %get3A_803 = vector.shape_cast %get3A_802 : vector<1x16xf32> to vector<16xf32>
          %add3A_804 = arith.addf %scan3A_783, %get3A_803 : vector<16xf32>
          %get3A_805 = arith.index_cast %add3A_790 : i32 to index
          %get3A_806 = arith.constant 48 : index
          %get3A_807 = tpu.vector_load %arg6[%get3A_805, %get3A_806] {strides = array<i32>} : memref<128x128xf32, #tpu.memory_space<vmem>>, vector<1x16xf32>,
          %get3A_808 = vector.shape_cast %get3A_807 : vector<1x16xf32> to vector<16xf32>
          %add3A_809 = arith.addf %scan3A_784, %get3A_808 : vector<16xf32>
          %get3A_810 = arith.index_cast %add3A_790 : i32 to index
          %get3A_811 = arith.constant 64 : index
          %get3A_812 = tpu.vector_load %arg6[%get3A_810, %get3A_811] {strides = array<i32>} : memref<128x128xf32, #tpu.memory_space<vmem>>, vector<1x16xf32>,
          %get3A_813 = vector.shape_cast %get3A_812 : vector<1x16xf32> to vector<16xf32>
          %add3A_814 = arith.addf %scan3A_785, %get3A_813 : vector<16xf32>
          %get3A_815 = arith.index_cast %add3A_790 : i32 to index
          %get3A_816 = arith.constant 80 : index
          %get3A_817 = tpu.vector_load %arg6[%get3A_815, %get3A_816] {strides = array<i32>} : memref<128x128xf32, #tpu.memory_space<vmem>>, vector<1x16xf32>,
          %get3A_818 = vector.shape_cast %get3A_817 : vector<1x16xf32> to vector<16xf32>
          %add3A_819 = arith.addf %scan3A_786, %get3A_818 : vector<16xf32>
          %get3A_820 = arith.index_cast %add3A_790 : i32 to index
          %get3A_821 = arith.constant 96 : index
          %get3A_822 = tpu.vector_load %arg6[%get3A_820, %get3A_821] {strides = array<i32>} : memref<128x128xf32, #tpu.memory_space<vmem>>, vector<1x16xf32>,
          %get3A_823 = vector.shape_cast %get3A_822 : vector<1x16xf32> to vector<16xf32>
          %add3A_824 = arith.addf %scan3A_787, %get3A_823 : vector<16xf32>
          %get3A_825 = arith.index_cast %add3A_790 : i32 to index
          %get3A_826 = arith.constant 112 : index
          %get3A_827 = tpu.vector_load %arg6[%get3A_825, %get3A_826] {strides = array<i32>} : memref<128x128xf32, #tpu.memory_space<vmem>>, vector<1x16xf32>,
          %get3A_828 = vector.shape_cast %get3A_827 : vector<1x16xf32> to vector<16xf32>
          %add3A_829 = arith.addf %scan3A_788, %get3A_828 : vector<16xf32>
          scf.yield %add3A_794, %add3A_799, %add3A_804, %add3A_809, %add3A_814, %add3A_819, %add3A_824, %add3A_829 : vector<16xf32>, vector<16xf32>, vector<16xf32>, vector<16xf32>, vector<16xf32>, vector<16xf32>, vector<16xf32>, vector<16xf32>
        }
        %scan3A_58 = arith.constant 32 : i32
        %mul3A_59 = arith.constant 4 : i32
        %mul3A_60 = arith.muli %add3A_31, %mul3A_59 : i32
        %add3A_61 = arith.constant 0 : i32
        %add3A_62 = arith.addi %mul3A_60, %add3A_61 : i32
        %mul3A_63 = arith.constant 3.125000e-02 : f32
        %mul3A_64 = vector.broadcast %mul3A_63 : f32 to vector<16xf32>
        %mul3A_65 = arith.mulf %scan3A_57#0, %mul3A_64 : vector<16xf32>
        %swap3A = arith.index_cast %add3A_62 : i32 to index
        %swap3A_66 = arith.constant 0 : index
        %swap3A_67 = tpu.vector_load %arg8[%swap3A, %swap3A_66] {strides = array<i32>} : memref<608x128xf32, #tpu.memory_space<vmem>>, vector<1x16xf32>,
        %swap3A_68 = vector.shape_cast %swap3A_67 : vector<1x16xf32> to vector<16xf32>
        %swap3A_69 = vector.shape_cast %mul3A_65 : vector<16xf32> to vector<1x16xf32>
        tpu.vector_store %arg8[%swap3A, %swap3A_66], %swap3A_69 {strides = array<i32>} : memref<608x128xf32, #tpu.memory_space<vmem>>, vector<1x16xf32>,
        %mul3A_70 = arith.constant 3.125000e-02 : f32
        %mul3A_71 = vector.broadcast %mul3A_70 : f32 to vector<16xf32>
        %mul3A_72 = arith.mulf %scan3A_57#1, %mul3A_71 : vector<16xf32>
        %swap3A_73 = arith.index_cast %add3A_62 : i32 to index
        %swap3A_74 = arith.constant 16 : index
        %swap3A_75 = tpu.vector_load %arg8[%swap3A_73, %swap3A_74] {strides = array<i32>} : memref<608x128xf32, #tpu.memory_space<vmem>>, vector<1x16xf32>,
        %swap3A_76 = vector.shape_cast %swap3A_75 : vector<1x16xf32> to vector<16xf32>
        %swap3A_77 = vector.shape_cast %mul3A_72 : vector<16xf32> to vector<1x16xf32>
        tpu.vector_store %arg8[%swap3A_73, %swap3A_74], %swap3A_77 {strides = array<i32>} : memref<608x128xf32, #tpu.memory_space<vmem>>, vector<1x16xf32>,
        %mul3A_78 = arith.constant 3.125000e-02 : f32
        %mul3A_79 = vector.broadcast %mul3A_78 : f32 to vector<16xf32>
        %mul3A_80 = arith.mulf %scan3A_57#2, %mul3A_79 : vector<16xf32>
        %swap3A_81 = arith.index_cast %add3A_62 : i32 to index
        %swap3A_82 = arith.constant 32 : index
        %swap3A_83 = tpu.vector_load %arg8[%swap3A_81, %swap3A_82] {strides = array<i32>} : memref<608x128xf32, #tpu.memory_space<vmem>>, vector<1x16xf32>,
        %swap3A_84 = vector.shape_cast %swap3A_83 : vector<1x16xf32> to vector<16xf32>
        %swap3A_85 = vector.shape_cast %mul3A_80 : vector<16xf32> to vector<1x16xf32>
        tpu.vector_store %arg8[%swap3A_81, %swap3A_82], %swap3A_85 {strides = array<i32>} : memref<608x128xf32, #tpu.memory_space<vmem>>, vector<1x16xf32>,
        %mul3A_86 = arith.constant 3.125000e-02 : f32
        %mul3A_87 = vector.broadcast %mul3A_86 : f32 to vector<16xf32>
        %mul3A_88 = arith.mulf %scan3A_57#3, %mul3A_87 : vector<16xf32>
        %swap3A_89 = arith.index_cast %add3A_62 : i32 to index
        %swap3A_90 = arith.constant 48 : index
        %swap3A_91 = tpu.vector_load %arg8[%swap3A_89, %swap3A_90] {strides = array<i32>} : memref<608x128xf32, #tpu.memory_space<vmem>>, vector<1x16xf32>,
        %swap3A_92 = vector.shape_cast %swap3A_91 : vector<1x16xf32> to vector<16xf32>
        %swap3A_93 = vector.shape_cast %mul3A_88 : vector<16xf32> to vector<1x16xf32>
        tpu.vector_store %arg8[%swap3A_89, %swap3A_90], %swap3A_93 {strides = array<i32>} : memref<608x128xf32, #tpu.memory_space<vmem>>, vector<1x16xf32>,
        %mul3A_94 = arith.constant 3.125000e-02 : f32
        %mul3A_95 = vector.broadcast %mul3A_94 : f32 to vector<16xf32>
        %mul3A_96 = arith.mulf %scan3A_57#4, %mul3A_95 : vector<16xf32>
        %swap3A_97 = arith.index_cast %add3A_62 : i32 to index
        %swap3A_98 = arith.constant 64 : index
        %swap3A_99 = tpu.vector_load %arg8[%swap3A_97, %swap3A_98] {strides = array<i32>} : memref<608x128xf32, #tpu.memory_space<vmem>>, vector<1x16xf32>,
        %swap3A_100 = vector.shape_cast %swap3A_99 : vector<1x16xf32> to vector<16xf32>
        %swap3A_101 = vector.shape_cast %mul3A_96 : vector<16xf32> to vector<1x16xf32>
        tpu.vector_store %arg8[%swap3A_97, %swap3A_98], %swap3A_101 {strides = array<i32>} : memref<608x128xf32, #tpu.memory_space<vmem>>, vector<1x16xf32>,
        %mul3A_102 = arith.constant 3.125000e-02 : f32
        %mul3A_103 = vector.broadcast %mul3A_102 : f32 to vector<16xf32>
        %mul3A_104 = arith.mulf %scan3A_57#5, %mul3A_103 : vector<16xf32>
        %swap3A_105 = arith.index_cast %add3A_62 : i32 to index
        %swap3A_106 = arith.constant 80 : index
        %swap3A_107 = tpu.vector_load %arg8[%swap3A_105, %swap3A_106] {strides = array<i32>} : memref<608x128xf32, #tpu.memory_space<vmem>>, vector<1x16xf32>,
        %swap3A_108 = vector.shape_cast %swap3A_107 : vector<1x16xf32> to vector<16xf32>
        %swap3A_109 = vector.shape_cast %mul3A_104 : vector<16xf32> to vector<1x16xf32>
        tpu.vector_store %arg8[%swap3A_105, %swap3A_106], %swap3A_109 {strides = array<i32>} : memref<608x128xf32, #tpu.memory_space<vmem>>, vector<1x16xf32>,
        %mul3A_110 = arith.constant 3.125000e-02 : f32
        %mul3A_111 = vector.broadcast %mul3A_110 : f32 to vector<16xf32>
        %mul3A_112 = arith.mulf %scan3A_57#6, %mul3A_111 : vector<16xf32>
        %swap3A_113 = arith.index_cast %add3A_62 : i32 to index
        %swap3A_114 = arith.constant 96 : index
        %swap3A_115 = tpu.vector_load %arg8[%swap3A_113, %swap3A_114] {strides = array<i32>} : memref<608x128xf32, #tpu.memory_space<vmem>>, vector<1x16xf32>,
        %swap3A_116 = vector.shape_cast %swap3A_115 : vector<1x16xf32> to vector<16xf32>
        %swap3A_117 = vector.shape_cast %mul3A_112 : vector<16xf32> to vector<1x16xf32>
        tpu.vector_store %arg8[%swap3A_113, %swap3A_114], %swap3A_117 {strides = array<i32>} : memref<608x128xf32, #tpu.memory_space<vmem>>, vector<1x16xf32>,
        %mul3A_118 = arith.constant 3.125000e-02 : f32
        %mul3A_119 = vector.broadcast %mul3A_118 : f32 to vector<16xf32>
        %mul3A_120 = arith.mulf %scan3A_57#7, %mul3A_119 : vector<16xf32>
        %swap3A_121 = arith.index_cast %add3A_62 : i32 to index
        %swap3A_122 = arith.constant 112 : index
        %swap3A_123 = tpu.vector_load %arg8[%swap3A_121, %swap3A_122] {strides = array<i32>} : memref<608x128xf32, #tpu.memory_space<vmem>>, vector<1x16xf32>,
        %swap3A_124 = vector.shape_cast %swap3A_123 : vector<1x16xf32> to vector<16xf32>
        %swap3A_125 = vector.shape_cast %mul3A_120 : vector<16xf32> to vector<1x16xf32>
        tpu.vector_store %arg8[%swap3A_121, %swap3A_122], %swap3A_125 {strides = array<i32>} : memref<608x128xf32, #tpu.memory_space<vmem>>, vector<1x16xf32>,
        %broadcast_in_dim3A_126 = arith.constant 0.000000e+00 : f32
        %broadcast_in_dim3A_127 = vector.broadcast %broadcast_in_dim3A_126 : f32 to vector<16xf32>
        %broadcast_in_dim3A_128 = arith.constant 0.000000e+00 : f32
        %broadcast_in_dim3A_129 = vector.broadcast %broadcast_in_dim3A_128 : f32 to vector<16xf32>
        %broadcast_in_dim3A_130 = arith.constant 0.000000e+00 : f32
        %broadcast_in_dim3A_131 = vector.broadcast %broadcast_in_dim3A_130 : f32 to vector<16xf32>
        %broadcast_in_dim3A_132 = arith.constant 0.000000e+00 : f32
        %broadcast_in_dim3A_133 = vector.broadcast %broadcast_in_dim3A_132 : f32 to vector<16xf32>
        %broadcast_in_dim3A_134 = arith.constant 0.000000e+00 : f32
        %broadcast_in_dim3A_135 = vector.broadcast %broadcast_in_dim3A_134 : f32 to vector<16xf32>
        %broadcast_in_dim3A_136 = arith.constant 0.000000e+00 : f32
        %broadcast_in_dim3A_137 = vector.broadcast %broadcast_in_dim3A_136 : f32 to vector<16xf32>
        %broadcast_in_dim3A_138 = arith.constant 0.000000e+00 : f32
        %broadcast_in_dim3A_139 = vector.broadcast %broadcast_in_dim3A_138 : f32 to vector<16xf32>
        %broadcast_in_dim3A_140 = arith.constant 0.000000e+00 : f32
        %broadcast_in_dim3A_141 = vector.broadcast %broadcast_in_dim3A_140 : f32 to vector<16xf32>
        %scan3A_142 = arith.constant 0 : i32
        %scan3A_143 = arith.constant 32 : i32
        %scan3A_144 = arith.addi %scan3A_142, %scan3A_143 : i32
        %scan3A_145 = arith.constant 1 : i32
        %scan3A_146:8 = scf.for %scan3A_780 = %scan3A_142 to %scan3A_144 step %scan3A_145 iter_args(%scan3A_781 = %broadcast_in_dim3A_127, %scan3A_782 = %broadcast_in_dim3A_129, %scan3A_783 = %broadcast_in_dim3A_131, %scan3A_784 = %broadcast_in_dim3A_133, %scan3A_785 = %broadcast_in_dim3A_135, %scan3A_786 = %broadcast_in_dim3A_137, %scan3A_787 = %broadcast_in_dim3A_139, %scan3A_788 = %broadcast_in_dim3A_141) -> (vector<16xf32>, vector<16xf32>, vector<16xf32>, vector<16xf32>, vector<16xf32>, vector<16xf32>, vector<16xf32>, vector<16xf32>)  : i32 {
          %add3A_789 = arith.constant 32 : i32
          %add3A_790 = arith.addi %add3A_789, %scan3A_780 : i32
          %get3A = arith.index_cast %add3A_790 : i32 to index
          %get3A_791 = arith.constant 0 : index
          %get3A_792 = tpu.vector_load %arg6[%get3A, %get3A_791] {strides = array<i32>} : memref<128x128xf32, #tpu.memory_space<vmem>>, vector<1x16xf32>,
          %get3A_793 = vector.shape_cast %get3A_792 : vector<1x16xf32> to vector<16xf32>
          %add3A_794 = arith.addf %scan3A_781, %get3A_793 : vector<16xf32>
          %get3A_795 = arith.index_cast %add3A_790 : i32 to index
          %get3A_796 = arith.constant 16 : index
          %get3A_797 = tpu.vector_load %arg6[%get3A_795, %get3A_796] {strides = array<i32>} : memref<128x128xf32, #tpu.memory_space<vmem>>, vector<1x16xf32>,
          %get3A_798 = vector.shape_cast %get3A_797 : vector<1x16xf32> to vector<16xf32>
          %add3A_799 = arith.addf %scan3A_782, %get3A_798 : vector<16xf32>
          %get3A_800 = arith.index_cast %add3A_790 : i32 to index
          %get3A_801 = arith.constant 32 : index
          %get3A_802 = tpu.vector_load %arg6[%get3A_800, %get3A_801] {strides = array<i32>} : memref<128x128xf32, #tpu.memory_space<vmem>>, vector<1x16xf32>,
          %get3A_803 = vector.shape_cast %get3A_802 : vector<1x16xf32> to vector<16xf32>
          %add3A_804 = arith.addf %scan3A_783, %get3A_803 : vector<16xf32>
          %get3A_805 = arith.index_cast %add3A_790 : i32 to index
          %get3A_806 = arith.constant 48 : index
          %get3A_807 = tpu.vector_load %arg6[%get3A_805, %get3A_806] {strides = array<i32>} : memref<128x128xf32, #tpu.memory_space<vmem>>, vector<1x16xf32>,
          %get3A_808 = vector.shape_cast %get3A_807 : vector<1x16xf32> to vector<16xf32>
          %add3A_809 = arith.addf %scan3A_784, %get3A_808 : vector<16xf32>
          %get3A_810 = arith.index_cast %add3A_790 : i32 to index
          %get3A_811 = arith.constant 64 : index
          %get3A_812 = tpu.vector_load %arg6[%get3A_810, %get3A_811] {strides = array<i32>} : memref<128x128xf32, #tpu.memory_space<vmem>>, vector<1x16xf32>,
          %get3A_813 = vector.shape_cast %get3A_812 : vector<1x16xf32> to vector<16xf32>
          %add3A_814 = arith.addf %scan3A_785, %get3A_813 : vector<16xf32>
          %get3A_815 = arith.index_cast %add3A_790 : i32 to index
          %get3A_816 = arith.constant 80 : index
          %get3A_817 = tpu.vector_load %arg6[%get3A_815, %get3A_816] {strides = array<i32>} : memref<128x128xf32, #tpu.memory_space<vmem>>, vector<1x16xf32>,
          %get3A_818 = vector.shape_cast %get3A_817 : vector<1x16xf32> to vector<16xf32>
          %add3A_819 = arith.addf %scan3A_786, %get3A_818 : vector<16xf32>
          %get3A_820 = arith.index_cast %add3A_790 : i32 to index
          %get3A_821 = arith.constant 96 : index
          %get3A_822 = tpu.vector_load %arg6[%get3A_820, %get3A_821] {strides = array<i32>} : memref<128x128xf32, #tpu.memory_space<vmem>>, vector<1x16xf32>,
          %get3A_823 = vector.shape_cast %get3A_822 : vector<1x16xf32> to vector<16xf32>
          %add3A_824 = arith.addf %scan3A_787, %get3A_823 : vector<16xf32>
          %get3A_825 = arith.index_cast %add3A_790 : i32 to index
          %get3A_826 = arith.constant 112 : index
          %get3A_827 = tpu.vector_load %arg6[%get3A_825, %get3A_826] {strides = array<i32>} : memref<128x128xf32, #tpu.memory_space<vmem>>, vector<1x16xf32>,
          %get3A_828 = vector.shape_cast %get3A_827 : vector<1x16xf32> to vector<16xf32>
          %add3A_829 = arith.addf %scan3A_788, %get3A_828 : vector<16xf32>
          scf.yield %add3A_794, %add3A_799, %add3A_804, %add3A_809, %add3A_814, %add3A_819, %add3A_824, %add3A_829 : vector<16xf32>, vector<16xf32>, vector<16xf32>, vector<16xf32>, vector<16xf32>, vector<16xf32>, vector<16xf32>, vector<16xf32>
        }
        %scan3A_147 = arith.constant 32 : i32
        %mul3A_148 = arith.constant 4 : i32
        %mul3A_149 = arith.muli %add3A_31, %mul3A_148 : i32
        %add3A_150 = arith.constant 1 : i32
        %add3A_151 = arith.addi %mul3A_149, %add3A_150 : i32
        %mul3A_152 = arith.constant 3.125000e-02 : f32
        %mul3A_153 = vector.broadcast %mul3A_152 : f32 to vector<16xf32>
        %mul3A_154 = arith.mulf %scan3A_146#0, %mul3A_153 : vector<16xf32>
        %swap3A_155 = arith.index_cast %add3A_151 : i32 to index
        %swap3A_156 = arith.constant 0 : index
        %swap3A_157 = tpu.vector_load %arg8[%swap3A_155, %swap3A_156] {strides = array<i32>} : memref<608x128xf32, #tpu.memory_space<vmem>>, vector<1x16xf32>,
        %swap3A_158 = vector.shape_cast %swap3A_157 : vector<1x16xf32> to vector<16xf32>
        %swap3A_159 = vector.shape_cast %mul3A_154 : vector<16xf32> to vector<1x16xf32>
        tpu.vector_store %arg8[%swap3A_155, %swap3A_156], %swap3A_159 {strides = array<i32>} : memref<608x128xf32, #tpu.memory_space<vmem>>, vector<1x16xf32>,
        %mul3A_160 = arith.constant 3.125000e-02 : f32
        %mul3A_161 = vector.broadcast %mul3A_160 : f32 to vector<16xf32>
        %mul3A_162 = arith.mulf %scan3A_146#1, %mul3A_161 : vector<16xf32>
        %swap3A_163 = arith.index_cast %add3A_151 : i32 to index
        %swap3A_164 = arith.constant 16 : index
        %swap3A_165 = tpu.vector_load %arg8[%swap3A_163, %swap3A_164] {strides = array<i32>} : memref<608x128xf32, #tpu.memory_space<vmem>>, vector<1x16xf32>,
        %swap3A_166 = vector.shape_cast %swap3A_165 : vector<1x16xf32> to vector<16xf32>
        %swap3A_167 = vector.shape_cast %mul3A_162 : vector<16xf32> to vector<1x16xf32>
        tpu.vector_store %arg8[%swap3A_163, %swap3A_164], %swap3A_167 {strides = array<i32>} : memref<608x128xf32, #tpu.memory_space<vmem>>, vector<1x16xf32>,
        %mul3A_168 = arith.constant 3.125000e-02 : f32
        %mul3A_169 = vector.broadcast %mul3A_168 : f32 to vector<16xf32>
        %mul3A_170 = arith.mulf %scan3A_146#2, %mul3A_169 : vector<16xf32>
        %swap3A_171 = arith.index_cast %add3A_151 : i32 to index
        %swap3A_172 = arith.constant 32 : index
        %swap3A_173 = tpu.vector_load %arg8[%swap3A_171, %swap3A_172] {strides = array<i32>} : memref<608x128xf32, #tpu.memory_space<vmem>>, vector<1x16xf32>,
        %swap3A_174 = vector.shape_cast %swap3A_173 : vector<1x16xf32> to vector<16xf32>
        %swap3A_175 = vector.shape_cast %mul3A_170 : vector<16xf32> to vector<1x16xf32>
        tpu.vector_store %arg8[%swap3A_171, %swap3A_172], %swap3A_175 {strides = array<i32>} : memref<608x128xf32, #tpu.memory_space<vmem>>, vector<1x16xf32>,
        %mul3A_176 = arith.constant 3.125000e-02 : f32
        %mul3A_177 = vector.broadcast %mul3A_176 : f32 to vector<16xf32>
        %mul3A_178 = arith.mulf %scan3A_146#3, %mul3A_177 : vector<16xf32>
        %swap3A_179 = arith.index_cast %add3A_151 : i32 to index
        %swap3A_180 = arith.constant 48 : index
        %swap3A_181 = tpu.vector_load %arg8[%swap3A_179, %swap3A_180] {strides = array<i32>} : memref<608x128xf32, #tpu.memory_space<vmem>>, vector<1x16xf32>,
        %swap3A_182 = vector.shape_cast %swap3A_181 : vector<1x16xf32> to vector<16xf32>
        %swap3A_183 = vector.shape_cast %mul3A_178 : vector<16xf32> to vector<1x16xf32>
        tpu.vector_store %arg8[%swap3A_179, %swap3A_180], %swap3A_183 {strides = array<i32>} : memref<608x128xf32, #tpu.memory_space<vmem>>, vector<1x16xf32>,
        %mul3A_184 = arith.constant 3.125000e-02 : f32
        %mul3A_185 = vector.broadcast %mul3A_184 : f32 to vector<16xf32>
        %mul3A_186 = arith.mulf %scan3A_146#4, %mul3A_185 : vector<16xf32>
        %swap3A_187 = arith.index_cast %add3A_151 : i32 to index
        %swap3A_188 = arith.constant 64 : index
        %swap3A_189 = tpu.vector_load %arg8[%swap3A_187, %swap3A_188] {strides = array<i32>} : memref<608x128xf32, #tpu.memory_space<vmem>>, vector<1x16xf32>,
        %swap3A_190 = vector.shape_cast %swap3A_189 : vector<1x16xf32> to vector<16xf32>
        %swap3A_191 = vector.shape_cast %mul3A_186 : vector<16xf32> to vector<1x16xf32>
        tpu.vector_store %arg8[%swap3A_187, %swap3A_188], %swap3A_191 {strides = array<i32>} : memref<608x128xf32, #tpu.memory_space<vmem>>, vector<1x16xf32>,
        %mul3A_192 = arith.constant 3.125000e-02 : f32
        %mul3A_193 = vector.broadcast %mul3A_192 : f32 to vector<16xf32>
        %mul3A_194 = arith.mulf %scan3A_146#5, %mul3A_193 : vector<16xf32>
        %swap3A_195 = arith.index_cast %add3A_151 : i32 to index
        %swap3A_196 = arith.constant 80 : index
        %swap3A_197 = tpu.vector_load %arg8[%swap3A_195, %swap3A_196] {strides = array<i32>} : memref<608x128xf32, #tpu.memory_space<vmem>>, vector<1x16xf32>,
        %swap3A_198 = vector.shape_cast %swap3A_197 : vector<1x16xf32> to vector<16xf32>
        %swap3A_199 = vector.shape_cast %mul3A_194 : vector<16xf32> to vector<1x16xf32>
        tpu.vector_store %arg8[%swap3A_195, %swap3A_196], %swap3A_199 {strides = array<i32>} : memref<608x128xf32, #tpu.memory_space<vmem>>, vector<1x16xf32>,
        %mul3A_200 = arith.constant 3.125000e-02 : f32
        %mul3A_201 = vector.broadcast %mul3A_200 : f32 to vector<16xf32>
        %mul3A_202 = arith.mulf %scan3A_146#6, %mul3A_201 : vector<16xf32>
        %swap3A_203 = arith.index_cast %add3A_151 : i32 to index
        %swap3A_204 = arith.constant 96 : index
        %swap3A_205 = tpu.vector_load %arg8[%swap3A_203, %swap3A_204] {strides = array<i32>} : memref<608x128xf32, #tpu.memory_space<vmem>>, vector<1x16xf32>,
        %swap3A_206 = vector.shape_cast %swap3A_205 : vector<1x16xf32> to vector<16xf32>
        %swap3A_207 = vector.shape_cast %mul3A_202 : vector<16xf32> to vector<1x16xf32>
        tpu.vector_store %arg8[%swap3A_203, %swap3A_204], %swap3A_207 {strides = array<i32>} : memref<608x128xf32, #tpu.memory_space<vmem>>, vector<1x16xf32>,
        %mul3A_208 = arith.constant 3.125000e-02 : f32
        %mul3A_209 = vector.broadcast %mul3A_208 : f32 to vector<16xf32>
        %mul3A_210 = arith.mulf %scan3A_146#7, %mul3A_209 : vector<16xf32>
        %swap3A_211 = arith.index_cast %add3A_151 : i32 to index
        %swap3A_212 = arith.constant 112 : index
        %swap3A_213 = tpu.vector_load %arg8[%swap3A_211, %swap3A_212] {strides = array<i32>} : memref<608x128xf32, #tpu.memory_space<vmem>>, vector<1x16xf32>,
        %swap3A_214 = vector.shape_cast %swap3A_213 : vector<1x16xf32> to vector<16xf32>
        %swap3A_215 = vector.shape_cast %mul3A_210 : vector<16xf32> to vector<1x16xf32>
        tpu.vector_store %arg8[%swap3A_211, %swap3A_212], %swap3A_215 {strides = array<i32>} : memref<608x128xf32, #tpu.memory_space<vmem>>, vector<1x16xf32>,
        %broadcast_in_dim3A_216 = arith.constant 0.000000e+00 : f32
        %broadcast_in_dim3A_217 = vector.broadcast %broadcast_in_dim3A_216 : f32 to vector<16xf32>
        %broadcast_in_dim3A_218 = arith.constant 0.000000e+00 : f32
        %broadcast_in_dim3A_219 = vector.broadcast %broadcast_in_dim3A_218 : f32 to vector<16xf32>
        %broadcast_in_dim3A_220 = arith.constant 0.000000e+00 : f32
        %broadcast_in_dim3A_221 = vector.broadcast %broadcast_in_dim3A_220 : f32 to vector<16xf32>
        %broadcast_in_dim3A_222 = arith.constant 0.000000e+00 : f32
        %broadcast_in_dim3A_223 = vector.broadcast %broadcast_in_dim3A_222 : f32 to vector<16xf32>
        %broadcast_in_dim3A_224 = arith.constant 0.000000e+00 : f32
        %broadcast_in_dim3A_225 = vector.broadcast %broadcast_in_dim3A_224 : f32 to vector<16xf32>
        %broadcast_in_dim3A_226 = arith.constant 0.000000e+00 : f32
        %broadcast_in_dim3A_227 = vector.broadcast %broadcast_in_dim3A_226 : f32 to vector<16xf32>
        %broadcast_in_dim3A_228 = arith.constant 0.000000e+00 : f32
        %broadcast_in_dim3A_229 = vector.broadcast %broadcast_in_dim3A_228 : f32 to vector<16xf32>
        %broadcast_in_dim3A_230 = arith.constant 0.000000e+00 : f32
        %broadcast_in_dim3A_231 = vector.broadcast %broadcast_in_dim3A_230 : f32 to vector<16xf32>
        %scan3A_232 = arith.constant 0 : i32
        %scan3A_233 = arith.constant 32 : i32
        %scan3A_234 = arith.addi %scan3A_232, %scan3A_233 : i32
        %scan3A_235 = arith.constant 1 : i32
        %scan3A_236:8 = scf.for %scan3A_780 = %scan3A_232 to %scan3A_234 step %scan3A_235 iter_args(%scan3A_781 = %broadcast_in_dim3A_217, %scan3A_782 = %broadcast_in_dim3A_219, %scan3A_783 = %broadcast_in_dim3A_221, %scan3A_784 = %broadcast_in_dim3A_223, %scan3A_785 = %broadcast_in_dim3A_225, %scan3A_786 = %broadcast_in_dim3A_227, %scan3A_787 = %broadcast_in_dim3A_229, %scan3A_788 = %broadcast_in_dim3A_231) -> (vector<16xf32>, vector<16xf32>, vector<16xf32>, vector<16xf32>, vector<16xf32>, vector<16xf32>, vector<16xf32>, vector<16xf32>)  : i32 {
          %add3A_789 = arith.constant 64 : i32
          %add3A_790 = arith.addi %add3A_789, %scan3A_780 : i32
          %get3A = arith.index_cast %add3A_790 : i32 to index
          %get3A_791 = arith.constant 0 : index
          %get3A_792 = tpu.vector_load %arg6[%get3A, %get3A_791] {strides = array<i32>} : memref<128x128xf32, #tpu.memory_space<vmem>>, vector<1x16xf32>,
          %get3A_793 = vector.shape_cast %get3A_792 : vector<1x16xf32> to vector<16xf32>
          %add3A_794 = arith.addf %scan3A_781, %get3A_793 : vector<16xf32>
          %get3A_795 = arith.index_cast %add3A_790 : i32 to index
          %get3A_796 = arith.constant 16 : index
          %get3A_797 = tpu.vector_load %arg6[%get3A_795, %get3A_796] {strides = array<i32>} : memref<128x128xf32, #tpu.memory_space<vmem>>, vector<1x16xf32>,
          %get3A_798 = vector.shape_cast %get3A_797 : vector<1x16xf32> to vector<16xf32>
          %add3A_799 = arith.addf %scan3A_782, %get3A_798 : vector<16xf32>
          %get3A_800 = arith.index_cast %add3A_790 : i32 to index
          %get3A_801 = arith.constant 32 : index
          %get3A_802 = tpu.vector_load %arg6[%get3A_800, %get3A_801] {strides = array<i32>} : memref<128x128xf32, #tpu.memory_space<vmem>>, vector<1x16xf32>,
          %get3A_803 = vector.shape_cast %get3A_802 : vector<1x16xf32> to vector<16xf32>
          %add3A_804 = arith.addf %scan3A_783, %get3A_803 : vector<16xf32>
          %get3A_805 = arith.index_cast %add3A_790 : i32 to index
          %get3A_806 = arith.constant 48 : index
          %get3A_807 = tpu.vector_load %arg6[%get3A_805, %get3A_806] {strides = array<i32>} : memref<128x128xf32, #tpu.memory_space<vmem>>, vector<1x16xf32>,
          %get3A_808 = vector.shape_cast %get3A_807 : vector<1x16xf32> to vector<16xf32>
          %add3A_809 = arith.addf %scan3A_784, %get3A_808 : vector<16xf32>
          %get3A_810 = arith.index_cast %add3A_790 : i32 to index
          %get3A_811 = arith.constant 64 : index
          %get3A_812 = tpu.vector_load %arg6[%get3A_810, %get3A_811] {strides = array<i32>} : memref<128x128xf32, #tpu.memory_space<vmem>>, vector<1x16xf32>,
          %get3A_813 = vector.shape_cast %get3A_812 : vector<1x16xf32> to vector<16xf32>
          %add3A_814 = arith.addf %scan3A_785, %get3A_813 : vector<16xf32>
          %get3A_815 = arith.index_cast %add3A_790 : i32 to index
          %get3A_816 = arith.constant 80 : index
          %get3A_817 = tpu.vector_load %arg6[%get3A_815, %get3A_816] {strides = array<i32>} : memref<128x128xf32, #tpu.memory_space<vmem>>, vector<1x16xf32>,
          %get3A_818 = vector.shape_cast %get3A_817 : vector<1x16xf32> to vector<16xf32>
          %add3A_819 = arith.addf %scan3A_786, %get3A_818 : vector<16xf32>
          %get3A_820 = arith.index_cast %add3A_790 : i32 to index
          %get3A_821 = arith.constant 96 : index
          %get3A_822 = tpu.vector_load %arg6[%get3A_820, %get3A_821] {strides = array<i32>} : memref<128x128xf32, #tpu.memory_space<vmem>>, vector<1x16xf32>,
          %get3A_823 = vector.shape_cast %get3A_822 : vector<1x16xf32> to vector<16xf32>
          %add3A_824 = arith.addf %scan3A_787, %get3A_823 : vector<16xf32>
          %get3A_825 = arith.index_cast %add3A_790 : i32 to index
          %get3A_826 = arith.constant 112 : index
          %get3A_827 = tpu.vector_load %arg6[%get3A_825, %get3A_826] {strides = array<i32>} : memref<128x128xf32, #tpu.memory_space<vmem>>, vector<1x16xf32>,
          %get3A_828 = vector.shape_cast %get3A_827 : vector<1x16xf32> to vector<16xf32>
          %add3A_829 = arith.addf %scan3A_788, %get3A_828 : vector<16xf32>
          scf.yield %add3A_794, %add3A_799, %add3A_804, %add3A_809, %add3A_814, %add3A_819, %add3A_824, %add3A_829 : vector<16xf32>, vector<16xf32>, vector<16xf32>, vector<16xf32>, vector<16xf32>, vector<16xf32>, vector<16xf32>, vector<16xf32>
        }
        %scan3A_237 = arith.constant 32 : i32
        %mul3A_238 = arith.constant 4 : i32
        %mul3A_239 = arith.muli %add3A_31, %mul3A_238 : i32
        %add3A_240 = arith.constant 2 : i32
        %add3A_241 = arith.addi %mul3A_239, %add3A_240 : i32
        %mul3A_242 = arith.constant 3.125000e-02 : f32
        %mul3A_243 = vector.broadcast %mul3A_242 : f32 to vector<16xf32>
        %mul3A_244 = arith.mulf %scan3A_236#0, %mul3A_243 : vector<16xf32>
        %swap3A_245 = arith.index_cast %add3A_241 : i32 to index
        %swap3A_246 = arith.constant 0 : index
        %swap3A_247 = tpu.vector_load %arg8[%swap3A_245, %swap3A_246] {strides = array<i32>} : memref<608x128xf32, #tpu.memory_space<vmem>>, vector<1x16xf32>,
        %swap3A_248 = vector.shape_cast %swap3A_247 : vector<1x16xf32> to vector<16xf32>
        %swap3A_249 = vector.shape_cast %mul3A_244 : vector<16xf32> to vector<1x16xf32>
        tpu.vector_store %arg8[%swap3A_245, %swap3A_246], %swap3A_249 {strides = array<i32>} : memref<608x128xf32, #tpu.memory_space<vmem>>, vector<1x16xf32>,
        %mul3A_250 = arith.constant 3.125000e-02 : f32
        %mul3A_251 = vector.broadcast %mul3A_250 : f32 to vector<16xf32>
        %mul3A_252 = arith.mulf %scan3A_236#1, %mul3A_251 : vector<16xf32>
        %swap3A_253 = arith.index_cast %add3A_241 : i32 to index
        %swap3A_254 = arith.constant 16 : index
        %swap3A_255 = tpu.vector_load %arg8[%swap3A_253, %swap3A_254] {strides = array<i32>} : memref<608x128xf32, #tpu.memory_space<vmem>>, vector<1x16xf32>,
        %swap3A_256 = vector.shape_cast %swap3A_255 : vector<1x16xf32> to vector<16xf32>
        %swap3A_257 = vector.shape_cast %mul3A_252 : vector<16xf32> to vector<1x16xf32>
        tpu.vector_store %arg8[%swap3A_253, %swap3A_254], %swap3A_257 {strides = array<i32>} : memref<608x128xf32, #tpu.memory_space<vmem>>, vector<1x16xf32>,
        %mul3A_258 = arith.constant 3.125000e-02 : f32
        %mul3A_259 = vector.broadcast %mul3A_258 : f32 to vector<16xf32>
        %mul3A_260 = arith.mulf %scan3A_236#2, %mul3A_259 : vector<16xf32>
        %swap3A_261 = arith.index_cast %add3A_241 : i32 to index
        %swap3A_262 = arith.constant 32 : index
        %swap3A_263 = tpu.vector_load %arg8[%swap3A_261, %swap3A_262] {strides = array<i32>} : memref<608x128xf32, #tpu.memory_space<vmem>>, vector<1x16xf32>,
        %swap3A_264 = vector.shape_cast %swap3A_263 : vector<1x16xf32> to vector<16xf32>
        %swap3A_265 = vector.shape_cast %mul3A_260 : vector<16xf32> to vector<1x16xf32>
        tpu.vector_store %arg8[%swap3A_261, %swap3A_262], %swap3A_265 {strides = array<i32>} : memref<608x128xf32, #tpu.memory_space<vmem>>, vector<1x16xf32>,
        %mul3A_266 = arith.constant 3.125000e-02 : f32
        %mul3A_267 = vector.broadcast %mul3A_266 : f32 to vector<16xf32>
        %mul3A_268 = arith.mulf %scan3A_236#3, %mul3A_267 : vector<16xf32>
        %swap3A_269 = arith.index_cast %add3A_241 : i32 to index
        %swap3A_270 = arith.constant 48 : index
        %swap3A_271 = tpu.vector_load %arg8[%swap3A_269, %swap3A_270] {strides = array<i32>} : memref<608x128xf32, #tpu.memory_space<vmem>>, vector<1x16xf32>,
        %swap3A_272 = vector.shape_cast %swap3A_271 : vector<1x16xf32> to vector<16xf32>
        %swap3A_273 = vector.shape_cast %mul3A_268 : vector<16xf32> to vector<1x16xf32>
        tpu.vector_store %arg8[%swap3A_269, %swap3A_270], %swap3A_273 {strides = array<i32>} : memref<608x128xf32, #tpu.memory_space<vmem>>, vector<1x16xf32>,
        %mul3A_274 = arith.constant 3.125000e-02 : f32
        %mul3A_275 = vector.broadcast %mul3A_274 : f32 to vector<16xf32>
        %mul3A_276 = arith.mulf %scan3A_236#4, %mul3A_275 : vector<16xf32>
        %swap3A_277 = arith.index_cast %add3A_241 : i32 to index
        %swap3A_278 = arith.constant 64 : index
        %swap3A_279 = tpu.vector_load %arg8[%swap3A_277, %swap3A_278] {strides = array<i32>} : memref<608x128xf32, #tpu.memory_space<vmem>>, vector<1x16xf32>,
        %swap3A_280 = vector.shape_cast %swap3A_279 : vector<1x16xf32> to vector<16xf32>
        %swap3A_281 = vector.shape_cast %mul3A_276 : vector<16xf32> to vector<1x16xf32>
        tpu.vector_store %arg8[%swap3A_277, %swap3A_278], %swap3A_281 {strides = array<i32>} : memref<608x128xf32, #tpu.memory_space<vmem>>, vector<1x16xf32>,
        %mul3A_282 = arith.constant 3.125000e-02 : f32
        %mul3A_283 = vector.broadcast %mul3A_282 : f32 to vector<16xf32>
        %mul3A_284 = arith.mulf %scan3A_236#5, %mul3A_283 : vector<16xf32>
        %swap3A_285 = arith.index_cast %add3A_241 : i32 to index
        %swap3A_286 = arith.constant 80 : index
        %swap3A_287 = tpu.vector_load %arg8[%swap3A_285, %swap3A_286] {strides = array<i32>} : memref<608x128xf32, #tpu.memory_space<vmem>>, vector<1x16xf32>,
        %swap3A_288 = vector.shape_cast %swap3A_287 : vector<1x16xf32> to vector<16xf32>
        %swap3A_289 = vector.shape_cast %mul3A_284 : vector<16xf32> to vector<1x16xf32>
        tpu.vector_store %arg8[%swap3A_285, %swap3A_286], %swap3A_289 {strides = array<i32>} : memref<608x128xf32, #tpu.memory_space<vmem>>, vector<1x16xf32>,
        %mul3A_290 = arith.constant 3.125000e-02 : f32
        %mul3A_291 = vector.broadcast %mul3A_290 : f32 to vector<16xf32>
        %mul3A_292 = arith.mulf %scan3A_236#6, %mul3A_291 : vector<16xf32>
        %swap3A_293 = arith.index_cast %add3A_241 : i32 to index
        %swap3A_294 = arith.constant 96 : index
        %swap3A_295 = tpu.vector_load %arg8[%swap3A_293, %swap3A_294] {strides = array<i32>} : memref<608x128xf32, #tpu.memory_space<vmem>>, vector<1x16xf32>,
        %swap3A_296 = vector.shape_cast %swap3A_295 : vector<1x16xf32> to vector<16xf32>
        %swap3A_297 = vector.shape_cast %mul3A_292 : vector<16xf32> to vector<1x16xf32>
        tpu.vector_store %arg8[%swap3A_293, %swap3A_294], %swap3A_297 {strides = array<i32>} : memref<608x128xf32, #tpu.memory_space<vmem>>, vector<1x16xf32>,
        %mul3A_298 = arith.constant 3.125000e-02 : f32
        %mul3A_299 = vector.broadcast %mul3A_298 : f32 to vector<16xf32>
        %mul3A_300 = arith.mulf %scan3A_236#7, %mul3A_299 : vector<16xf32>
        %swap3A_301 = arith.index_cast %add3A_241 : i32 to index
        %swap3A_302 = arith.constant 112 : index
        %swap3A_303 = tpu.vector_load %arg8[%swap3A_301, %swap3A_302] {strides = array<i32>} : memref<608x128xf32, #tpu.memory_space<vmem>>, vector<1x16xf32>,
        %swap3A_304 = vector.shape_cast %swap3A_303 : vector<1x16xf32> to vector<16xf32>
        %swap3A_305 = vector.shape_cast %mul3A_300 : vector<16xf32> to vector<1x16xf32>
        tpu.vector_store %arg8[%swap3A_301, %swap3A_302], %swap3A_305 {strides = array<i32>} : memref<608x128xf32, #tpu.memory_space<vmem>>, vector<1x16xf32>,
        %broadcast_in_dim3A_306 = arith.constant 0.000000e+00 : f32
        %broadcast_in_dim3A_307 = vector.broadcast %broadcast_in_dim3A_306 : f32 to vector<16xf32>
        %broadcast_in_dim3A_308 = arith.constant 0.000000e+00 : f32
        %broadcast_in_dim3A_309 = vector.broadcast %broadcast_in_dim3A_308 : f32 to vector<16xf32>
        %broadcast_in_dim3A_310 = arith.constant 0.000000e+00 : f32
        %broadcast_in_dim3A_311 = vector.broadcast %broadcast_in_dim3A_310 : f32 to vector<16xf32>
        %broadcast_in_dim3A_312 = arith.constant 0.000000e+00 : f32
        %broadcast_in_dim3A_313 = vector.broadcast %broadcast_in_dim3A_312 : f32 to vector<16xf32>
        %broadcast_in_dim3A_314 = arith.constant 0.000000e+00 : f32
        %broadcast_in_dim3A_315 = vector.broadcast %broadcast_in_dim3A_314 : f32 to vector<16xf32>
        %broadcast_in_dim3A_316 = arith.constant 0.000000e+00 : f32
        %broadcast_in_dim3A_317 = vector.broadcast %broadcast_in_dim3A_316 : f32 to vector<16xf32>
        %broadcast_in_dim3A_318 = arith.constant 0.000000e+00 : f32
        %broadcast_in_dim3A_319 = vector.broadcast %broadcast_in_dim3A_318 : f32 to vector<16xf32>
        %broadcast_in_dim3A_320 = arith.constant 0.000000e+00 : f32
        %broadcast_in_dim3A_321 = vector.broadcast %broadcast_in_dim3A_320 : f32 to vector<16xf32>
        %scan3A_322 = arith.constant 0 : i32
        %scan3A_323 = arith.constant 32 : i32
        %scan3A_324 = arith.addi %scan3A_322, %scan3A_323 : i32
        %scan3A_325 = arith.constant 1 : i32
        %scan3A_326:8 = scf.for %scan3A_780 = %scan3A_322 to %scan3A_324 step %scan3A_325 iter_args(%scan3A_781 = %broadcast_in_dim3A_307, %scan3A_782 = %broadcast_in_dim3A_309, %scan3A_783 = %broadcast_in_dim3A_311, %scan3A_784 = %broadcast_in_dim3A_313, %scan3A_785 = %broadcast_in_dim3A_315, %scan3A_786 = %broadcast_in_dim3A_317, %scan3A_787 = %broadcast_in_dim3A_319, %scan3A_788 = %broadcast_in_dim3A_321) -> (vector<16xf32>, vector<16xf32>, vector<16xf32>, vector<16xf32>, vector<16xf32>, vector<16xf32>, vector<16xf32>, vector<16xf32>)  : i32 {
          %add3A_789 = arith.constant 96 : i32
          %add3A_790 = arith.addi %add3A_789, %scan3A_780 : i32
          %get3A = arith.index_cast %add3A_790 : i32 to index
          %get3A_791 = arith.constant 0 : index
          %get3A_792 = tpu.vector_load %arg6[%get3A, %get3A_791] {strides = array<i32>} : memref<128x128xf32, #tpu.memory_space<vmem>>, vector<1x16xf32>,
          %get3A_793 = vector.shape_cast %get3A_792 : vector<1x16xf32> to vector<16xf32>
          %add3A_794 = arith.addf %scan3A_781, %get3A_793 : vector<16xf32>
          %get3A_795 = arith.index_cast %add3A_790 : i32 to index
          %get3A_796 = arith.constant 16 : index
          %get3A_797 = tpu.vector_load %arg6[%get3A_795, %get3A_796] {strides = array<i32>} : memref<128x128xf32, #tpu.memory_space<vmem>>, vector<1x16xf32>,
          %get3A_798 = vector.shape_cast %get3A_797 : vector<1x16xf32> to vector<16xf32>
          %add3A_799 = arith.addf %scan3A_782, %get3A_798 : vector<16xf32>
          %get3A_800 = arith.index_cast %add3A_790 : i32 to index
          %get3A_801 = arith.constant 32 : index
          %get3A_802 = tpu.vector_load %arg6[%get3A_800, %get3A_801] {strides = array<i32>} : memref<128x128xf32, #tpu.memory_space<vmem>>, vector<1x16xf32>,
          %get3A_803 = vector.shape_cast %get3A_802 : vector<1x16xf32> to vector<16xf32>
          %add3A_804 = arith.addf %scan3A_783, %get3A_803 : vector<16xf32>
          %get3A_805 = arith.index_cast %add3A_790 : i32 to index
          %get3A_806 = arith.constant 48 : index
          %get3A_807 = tpu.vector_load %arg6[%get3A_805, %get3A_806] {strides = array<i32>} : memref<128x128xf32, #tpu.memory_space<vmem>>, vector<1x16xf32>,
          %get3A_808 = vector.shape_cast %get3A_807 : vector<1x16xf32> to vector<16xf32>
          %add3A_809 = arith.addf %scan3A_784, %get3A_808 : vector<16xf32>
          %get3A_810 = arith.index_cast %add3A_790 : i32 to index
          %get3A_811 = arith.constant 64 : index
          %get3A_812 = tpu.vector_load %arg6[%get3A_810, %get3A_811] {strides = array<i32>} : memref<128x128xf32, #tpu.memory_space<vmem>>, vector<1x16xf32>,
          %get3A_813 = vector.shape_cast %get3A_812 : vector<1x16xf32> to vector<16xf32>
          %add3A_814 = arith.addf %scan3A_785, %get3A_813 : vector<16xf32>
          %get3A_815 = arith.index_cast %add3A_790 : i32 to index
          %get3A_816 = arith.constant 80 : index
          %get3A_817 = tpu.vector_load %arg6[%get3A_815, %get3A_816] {strides = array<i32>} : memref<128x128xf32, #tpu.memory_space<vmem>>, vector<1x16xf32>,
          %get3A_818 = vector.shape_cast %get3A_817 : vector<1x16xf32> to vector<16xf32>
          %add3A_819 = arith.addf %scan3A_786, %get3A_818 : vector<16xf32>
          %get3A_820 = arith.index_cast %add3A_790 : i32 to index
          %get3A_821 = arith.constant 96 : index
          %get3A_822 = tpu.vector_load %arg6[%get3A_820, %get3A_821] {strides = array<i32>} : memref<128x128xf32, #tpu.memory_space<vmem>>, vector<1x16xf32>,
          %get3A_823 = vector.shape_cast %get3A_822 : vector<1x16xf32> to vector<16xf32>
          %add3A_824 = arith.addf %scan3A_787, %get3A_823 : vector<16xf32>
          %get3A_825 = arith.index_cast %add3A_790 : i32 to index
          %get3A_826 = arith.constant 112 : index
          %get3A_827 = tpu.vector_load %arg6[%get3A_825, %get3A_826] {strides = array<i32>} : memref<128x128xf32, #tpu.memory_space<vmem>>, vector<1x16xf32>,
          %get3A_828 = vector.shape_cast %get3A_827 : vector<1x16xf32> to vector<16xf32>
          %add3A_829 = arith.addf %scan3A_788, %get3A_828 : vector<16xf32>
          scf.yield %add3A_794, %add3A_799, %add3A_804, %add3A_809, %add3A_814, %add3A_819, %add3A_824, %add3A_829 : vector<16xf32>, vector<16xf32>, vector<16xf32>, vector<16xf32>, vector<16xf32>, vector<16xf32>, vector<16xf32>, vector<16xf32>
        }
        %scan3A_327 = arith.constant 32 : i32
        %mul3A_328 = arith.constant 4 : i32
        %mul3A_329 = arith.muli %add3A_31, %mul3A_328 : i32
        %add3A_330 = arith.constant 3 : i32
        %add3A_331 = arith.addi %mul3A_329, %add3A_330 : i32
        %mul3A_332 = arith.constant 3.125000e-02 : f32
        %mul3A_333 = vector.broadcast %mul3A_332 : f32 to vector<16xf32>
        %mul3A_334 = arith.mulf %scan3A_326#0, %mul3A_333 : vector<16xf32>
        %swap3A_335 = arith.index_cast %add3A_331 : i32 to index
        %swap3A_336 = arith.constant 0 : index
        %swap3A_337 = tpu.vector_load %arg8[%swap3A_335, %swap3A_336] {strides = array<i32>} : memref<608x128xf32, #tpu.memory_space<vmem>>, vector<1x16xf32>,
        %swap3A_338 = vector.shape_cast %swap3A_337 : vector<1x16xf32> to vector<16xf32>
        %swap3A_339 = vector.shape_cast %mul3A_334 : vector<16xf32> to vector<1x16xf32>
        tpu.vector_store %arg8[%swap3A_335, %swap3A_336], %swap3A_339 {strides = array<i32>} : memref<608x128xf32, #tpu.memory_space<vmem>>, vector<1x16xf32>,
        %mul3A_340 = arith.constant 3.125000e-02 : f32
        %mul3A_341 = vector.broadcast %mul3A_340 : f32 to vector<16xf32>
        %mul3A_342 = arith.mulf %scan3A_326#1, %mul3A_341 : vector<16xf32>
        %swap3A_343 = arith.index_cast %add3A_331 : i32 to index
        %swap3A_344 = arith.constant 16 : index
        %swap3A_345 = tpu.vector_load %arg8[%swap3A_343, %swap3A_344] {strides = array<i32>} : memref<608x128xf32, #tpu.memory_space<vmem>>, vector<1x16xf32>,
        %swap3A_346 = vector.shape_cast %swap3A_345 : vector<1x16xf32> to vector<16xf32>
        %swap3A_347 = vector.shape_cast %mul3A_342 : vector<16xf32> to vector<1x16xf32>
        tpu.vector_store %arg8[%swap3A_343, %swap3A_344], %swap3A_347 {strides = array<i32>} : memref<608x128xf32, #tpu.memory_space<vmem>>, vector<1x16xf32>,
        %mul3A_348 = arith.constant 3.125000e-02 : f32
        %mul3A_349 = vector.broadcast %mul3A_348 : f32 to vector<16xf32>
        %mul3A_350 = arith.mulf %scan3A_326#2, %mul3A_349 : vector<16xf32>
        %swap3A_351 = arith.index_cast %add3A_331 : i32 to index
        %swap3A_352 = arith.constant 32 : index
        %swap3A_353 = tpu.vector_load %arg8[%swap3A_351, %swap3A_352] {strides = array<i32>} : memref<608x128xf32, #tpu.memory_space<vmem>>, vector<1x16xf32>,
        %swap3A_354 = vector.shape_cast %swap3A_353 : vector<1x16xf32> to vector<16xf32>
        %swap3A_355 = vector.shape_cast %mul3A_350 : vector<16xf32> to vector<1x16xf32>
        tpu.vector_store %arg8[%swap3A_351, %swap3A_352], %swap3A_355 {strides = array<i32>} : memref<608x128xf32, #tpu.memory_space<vmem>>, vector<1x16xf32>,
        %mul3A_356 = arith.constant 3.125000e-02 : f32
        %mul3A_357 = vector.broadcast %mul3A_356 : f32 to vector<16xf32>
        %mul3A_358 = arith.mulf %scan3A_326#3, %mul3A_357 : vector<16xf32>
        %swap3A_359 = arith.index_cast %add3A_331 : i32 to index
        %swap3A_360 = arith.constant 48 : index
        %swap3A_361 = tpu.vector_load %arg8[%swap3A_359, %swap3A_360] {strides = array<i32>} : memref<608x128xf32, #tpu.memory_space<vmem>>, vector<1x16xf32>,
        %swap3A_362 = vector.shape_cast %swap3A_361 : vector<1x16xf32> to vector<16xf32>
        %swap3A_363 = vector.shape_cast %mul3A_358 : vector<16xf32> to vector<1x16xf32>
        tpu.vector_store %arg8[%swap3A_359, %swap3A_360], %swap3A_363 {strides = array<i32>} : memref<608x128xf32, #tpu.memory_space<vmem>>, vector<1x16xf32>,
        %mul3A_364 = arith.constant 3.125000e-02 : f32
        %mul3A_365 = vector.broadcast %mul3A_364 : f32 to vector<16xf32>
        %mul3A_366 = arith.mulf %scan3A_326#4, %mul3A_365 : vector<16xf32>
        %swap3A_367 = arith.index_cast %add3A_331 : i32 to index
        %swap3A_368 = arith.constant 64 : index
        %swap3A_369 = tpu.vector_load %arg8[%swap3A_367, %swap3A_368] {strides = array<i32>} : memref<608x128xf32, #tpu.memory_space<vmem>>, vector<1x16xf32>,
        %swap3A_370 = vector.shape_cast %swap3A_369 : vector<1x16xf32> to vector<16xf32>
        %swap3A_371 = vector.shape_cast %mul3A_366 : vector<16xf32> to vector<1x16xf32>
        tpu.vector_store %arg8[%swap3A_367, %swap3A_368], %swap3A_371 {strides = array<i32>} : memref<608x128xf32, #tpu.memory_space<vmem>>, vector<1x16xf32>,
        %mul3A_372 = arith.constant 3.125000e-02 : f32
        %mul3A_373 = vector.broadcast %mul3A_372 : f32 to vector<16xf32>
        %mul3A_374 = arith.mulf %scan3A_326#5, %mul3A_373 : vector<16xf32>
        %swap3A_375 = arith.index_cast %add3A_331 : i32 to index
        %swap3A_376 = arith.constant 80 : index
        %swap3A_377 = tpu.vector_load %arg8[%swap3A_375, %swap3A_376] {strides = array<i32>} : memref<608x128xf32, #tpu.memory_space<vmem>>, vector<1x16xf32>,
        %swap3A_378 = vector.shape_cast %swap3A_377 : vector<1x16xf32> to vector<16xf32>
        %swap3A_379 = vector.shape_cast %mul3A_374 : vector<16xf32> to vector<1x16xf32>
        tpu.vector_store %arg8[%swap3A_375, %swap3A_376], %swap3A_379 {strides = array<i32>} : memref<608x128xf32, #tpu.memory_space<vmem>>, vector<1x16xf32>,
        %mul3A_380 = arith.constant 3.125000e-02 : f32
        %mul3A_381 = vector.broadcast %mul3A_380 : f32 to vector<16xf32>
        %mul3A_382 = arith.mulf %scan3A_326#6, %mul3A_381 : vector<16xf32>
        %swap3A_383 = arith.index_cast %add3A_331 : i32 to index
        %swap3A_384 = arith.constant 96 : index
        %swap3A_385 = tpu.vector_load %arg8[%swap3A_383, %swap3A_384] {strides = array<i32>} : memref<608x128xf32, #tpu.memory_space<vmem>>, vector<1x16xf32>,
        %swap3A_386 = vector.shape_cast %swap3A_385 : vector<1x16xf32> to vector<16xf32>
        %swap3A_387 = vector.shape_cast %mul3A_382 : vector<16xf32> to vector<1x16xf32>
        tpu.vector_store %arg8[%swap3A_383, %swap3A_384], %swap3A_387 {strides = array<i32>} : memref<608x128xf32, #tpu.memory_space<vmem>>, vector<1x16xf32>,
        %mul3A_388 = arith.constant 3.125000e-02 : f32
        %mul3A_389 = vector.broadcast %mul3A_388 : f32 to vector<16xf32>
        %mul3A_390 = arith.mulf %scan3A_326#7, %mul3A_389 : vector<16xf32>
        %swap3A_391 = arith.index_cast %add3A_331 : i32 to index
        %swap3A_392 = arith.constant 112 : index
        %swap3A_393 = tpu.vector_load %arg8[%swap3A_391, %swap3A_392] {strides = array<i32>} : memref<608x128xf32, #tpu.memory_space<vmem>>, vector<1x16xf32>,
        %swap3A_394 = vector.shape_cast %swap3A_393 : vector<1x16xf32> to vector<16xf32>
        %swap3A_395 = vector.shape_cast %mul3A_390 : vector<16xf32> to vector<1x16xf32>
        tpu.vector_store %arg8[%swap3A_391, %swap3A_392], %swap3A_395 {strides = array<i32>} : memref<608x128xf32, #tpu.memory_space<vmem>>, vector<1x16xf32>,
        %add3A_396 = arith.constant 2 : i32
        %add3A_397 = arith.addi %add3A_31, %add3A_396 : i32
        %lt3A = arith.constant 152 : i32
        %lt3A_398 = arith.cmpi slt, %add3A_397, %lt3A : i32
        %convert_element_type3A_399 = arith.extui %lt3A_398 : i1 to i32
        %cond3A_400 = arith.constant 0 : i32
        %cond3A_401 = arith.cmpi ne, %convert_element_type3A_399, %cond3A_400 : i32
        scf.if %cond3A_401 {
          %add3A_780 = arith.constant 2 : i32
          %add3A_781 = arith.addi %add3A_31, %add3A_780 : i32
          %dma_start3A_782 = arith.constant 0 : i32
          %dma_start3A_783 = tpu.memref_slice %arg5[%add3A_781, %dma_start3A_782] : memref<152x128xi32, #tpu.memory_space<vmem>> -> memref<1x128xi32, #tpu.memory_space<vmem>>
          %dma_start3A_784 = tpu.memref_squeeze %dma_start3A_783 : memref<1x128xi32, #tpu.memory_space<vmem>> -> memref<128xi32, #tpu.memory_space<vmem>>
          %dma_start3A_785 = arith.constant 0 : i32
          %dma_start3A_786 = arith.constant 0 : i32
          %dma_start3A_787 = tpu.memref_slice %arg3[%dma_start3A_785, %dma_start3A_786] : memref<100000x128xf32, #tpu.memory_space<hbm>> -> memref<100000x128xf32, #tpu.memory_space<hbm>>
          tpu.enqueue_indirect_dma source(%dma_start3A_787 : memref<100000x128xf32, #tpu.memory_space<hbm>>) target(%arg6 : memref<128x128xf32, #tpu.memory_space<vmem>>) offsets(%dma_start3A_784 : memref<128xi32, #tpu.memory_space<vmem>>) semaphore(%arg9 : memref<!tpu.dma_semaphore, #tpu.memory_space<semaphore_mem>>)
        } else {
        }
        %mul3A_402 = arith.constant 2 : i32
        %mul3A_403 = arith.muli %scan3A_28, %mul3A_402 : i32
        %add3A_404 = arith.constant 1 : i32
        %add3A_405 = arith.addi %mul3A_403, %add3A_404 : i32
        %dma_wait3A_406 = arith.constant 0 : i32
        %dma_wait3A_407 = arith.constant 0 : i32
        %dma_wait3A_408 = tpu.memref_slice %arg5[%dma_wait3A_406, %dma_wait3A_407] : memref<152x128xi32, #tpu.memory_space<vmem>> -> memref<1x128xi32, #tpu.memory_space<vmem>>
        %dma_wait3A_409 = tpu.memref_squeeze %dma_wait3A_408 : memref<1x128xi32, #tpu.memory_space<vmem>> -> memref<128xi32, #tpu.memory_space<vmem>>
        %dma_wait3A_410 = arith.constant 0 : i32
        %dma_wait3A_411 = arith.constant 0 : i32
        %dma_wait3A_412 = tpu.memref_slice %arg3[%dma_wait3A_410, %dma_wait3A_411] : memref<100000x128xf32, #tpu.memory_space<hbm>> -> memref<100000x128xf32, #tpu.memory_space<hbm>>
        tpu.wait_indirect_dma semaphore(%arg10 : memref<!tpu.dma_semaphore, #tpu.memory_space<semaphore_mem>>) src(%dma_wait3A_412 : memref<100000x128xf32, #tpu.memory_space<hbm>>) dst(%arg7 : memref<128x128xf32, #tpu.memory_space<vmem>>)
        %broadcast_in_dim3A_413 = arith.constant 0.000000e+00 : f32
        %broadcast_in_dim3A_414 = vector.broadcast %broadcast_in_dim3A_413 : f32 to vector<16xf32>
        %broadcast_in_dim3A_415 = arith.constant 0.000000e+00 : f32
        %broadcast_in_dim3A_416 = vector.broadcast %broadcast_in_dim3A_415 : f32 to vector<16xf32>
        %broadcast_in_dim3A_417 = arith.constant 0.000000e+00 : f32
        %broadcast_in_dim3A_418 = vector.broadcast %broadcast_in_dim3A_417 : f32 to vector<16xf32>
        %broadcast_in_dim3A_419 = arith.constant 0.000000e+00 : f32
        %broadcast_in_dim3A_420 = vector.broadcast %broadcast_in_dim3A_419 : f32 to vector<16xf32>
        %broadcast_in_dim3A_421 = arith.constant 0.000000e+00 : f32
        %broadcast_in_dim3A_422 = vector.broadcast %broadcast_in_dim3A_421 : f32 to vector<16xf32>
        %broadcast_in_dim3A_423 = arith.constant 0.000000e+00 : f32
        %broadcast_in_dim3A_424 = vector.broadcast %broadcast_in_dim3A_423 : f32 to vector<16xf32>
        %broadcast_in_dim3A_425 = arith.constant 0.000000e+00 : f32
        %broadcast_in_dim3A_426 = vector.broadcast %broadcast_in_dim3A_425 : f32 to vector<16xf32>
        %broadcast_in_dim3A_427 = arith.constant 0.000000e+00 : f32
        %broadcast_in_dim3A_428 = vector.broadcast %broadcast_in_dim3A_427 : f32 to vector<16xf32>
        %scan3A_429 = arith.constant 0 : i32
        %scan3A_430 = arith.constant 32 : i32
        %scan3A_431 = arith.addi %scan3A_429, %scan3A_430 : i32
        %scan3A_432 = arith.constant 1 : i32
        %scan3A_433:8 = scf.for %scan3A_780 = %scan3A_429 to %scan3A_431 step %scan3A_432 iter_args(%scan3A_781 = %broadcast_in_dim3A_414, %scan3A_782 = %broadcast_in_dim3A_416, %scan3A_783 = %broadcast_in_dim3A_418, %scan3A_784 = %broadcast_in_dim3A_420, %scan3A_785 = %broadcast_in_dim3A_422, %scan3A_786 = %broadcast_in_dim3A_424, %scan3A_787 = %broadcast_in_dim3A_426, %scan3A_788 = %broadcast_in_dim3A_428) -> (vector<16xf32>, vector<16xf32>, vector<16xf32>, vector<16xf32>, vector<16xf32>, vector<16xf32>, vector<16xf32>, vector<16xf32>)  : i32 {
          %add3A_789 = arith.constant 0 : i32
          %add3A_790 = arith.addi %add3A_789, %scan3A_780 : i32
          %get3A = arith.index_cast %add3A_790 : i32 to index
          %get3A_791 = arith.constant 0 : index
          %get3A_792 = tpu.vector_load %arg7[%get3A, %get3A_791] {strides = array<i32>} : memref<128x128xf32, #tpu.memory_space<vmem>>, vector<1x16xf32>,
          %get3A_793 = vector.shape_cast %get3A_792 : vector<1x16xf32> to vector<16xf32>
          %add3A_794 = arith.addf %scan3A_781, %get3A_793 : vector<16xf32>
          %get3A_795 = arith.index_cast %add3A_790 : i32 to index
          %get3A_796 = arith.constant 16 : index
          %get3A_797 = tpu.vector_load %arg7[%get3A_795, %get3A_796] {strides = array<i32>} : memref<128x128xf32, #tpu.memory_space<vmem>>, vector<1x16xf32>,
          %get3A_798 = vector.shape_cast %get3A_797 : vector<1x16xf32> to vector<16xf32>
          %add3A_799 = arith.addf %scan3A_782, %get3A_798 : vector<16xf32>
          %get3A_800 = arith.index_cast %add3A_790 : i32 to index
          %get3A_801 = arith.constant 32 : index
          %get3A_802 = tpu.vector_load %arg7[%get3A_800, %get3A_801] {strides = array<i32>} : memref<128x128xf32, #tpu.memory_space<vmem>>, vector<1x16xf32>,
          %get3A_803 = vector.shape_cast %get3A_802 : vector<1x16xf32> to vector<16xf32>
          %add3A_804 = arith.addf %scan3A_783, %get3A_803 : vector<16xf32>
          %get3A_805 = arith.index_cast %add3A_790 : i32 to index
          %get3A_806 = arith.constant 48 : index
          %get3A_807 = tpu.vector_load %arg7[%get3A_805, %get3A_806] {strides = array<i32>} : memref<128x128xf32, #tpu.memory_space<vmem>>, vector<1x16xf32>,
          %get3A_808 = vector.shape_cast %get3A_807 : vector<1x16xf32> to vector<16xf32>
          %add3A_809 = arith.addf %scan3A_784, %get3A_808 : vector<16xf32>
          %get3A_810 = arith.index_cast %add3A_790 : i32 to index
          %get3A_811 = arith.constant 64 : index
          %get3A_812 = tpu.vector_load %arg7[%get3A_810, %get3A_811] {strides = array<i32>} : memref<128x128xf32, #tpu.memory_space<vmem>>, vector<1x16xf32>,
          %get3A_813 = vector.shape_cast %get3A_812 : vector<1x16xf32> to vector<16xf32>
          %add3A_814 = arith.addf %scan3A_785, %get3A_813 : vector<16xf32>
          %get3A_815 = arith.index_cast %add3A_790 : i32 to index
          %get3A_816 = arith.constant 80 : index
          %get3A_817 = tpu.vector_load %arg7[%get3A_815, %get3A_816] {strides = array<i32>} : memref<128x128xf32, #tpu.memory_space<vmem>>, vector<1x16xf32>,
          %get3A_818 = vector.shape_cast %get3A_817 : vector<1x16xf32> to vector<16xf32>
          %add3A_819 = arith.addf %scan3A_786, %get3A_818 : vector<16xf32>
          %get3A_820 = arith.index_cast %add3A_790 : i32 to index
          %get3A_821 = arith.constant 96 : index
          %get3A_822 = tpu.vector_load %arg7[%get3A_820, %get3A_821] {strides = array<i32>} : memref<128x128xf32, #tpu.memory_space<vmem>>, vector<1x16xf32>,
          %get3A_823 = vector.shape_cast %get3A_822 : vector<1x16xf32> to vector<16xf32>
          %add3A_824 = arith.addf %scan3A_787, %get3A_823 : vector<16xf32>
          %get3A_825 = arith.index_cast %add3A_790 : i32 to index
          %get3A_826 = arith.constant 112 : index
          %get3A_827 = tpu.vector_load %arg7[%get3A_825, %get3A_826] {strides = array<i32>} : memref<128x128xf32, #tpu.memory_space<vmem>>, vector<1x16xf32>,
          %get3A_828 = vector.shape_cast %get3A_827 : vector<1x16xf32> to vector<16xf32>
          %add3A_829 = arith.addf %scan3A_788, %get3A_828 : vector<16xf32>
          scf.yield %add3A_794, %add3A_799, %add3A_804, %add3A_809, %add3A_814, %add3A_819, %add3A_824, %add3A_829 : vector<16xf32>, vector<16xf32>, vector<16xf32>, vector<16xf32>, vector<16xf32>, vector<16xf32>, vector<16xf32>, vector<16xf32>
        }
        %scan3A_434 = arith.constant 32 : i32
        %mul3A_435 = arith.constant 4 : i32
        %mul3A_436 = arith.muli %add3A_405, %mul3A_435 : i32
        %add3A_437 = arith.constant 0 : i32
        %add3A_438 = arith.addi %mul3A_436, %add3A_437 : i32
        %mul3A_439 = arith.constant 3.125000e-02 : f32
        %mul3A_440 = vector.broadcast %mul3A_439 : f32 to vector<16xf32>
        %mul3A_441 = arith.mulf %scan3A_433#0, %mul3A_440 : vector<16xf32>
        %swap3A_442 = arith.index_cast %add3A_438 : i32 to index
        %swap3A_443 = arith.constant 0 : index
        %swap3A_444 = tpu.vector_load %arg8[%swap3A_442, %swap3A_443] {strides = array<i32>} : memref<608x128xf32, #tpu.memory_space<vmem>>, vector<1x16xf32>,
        %swap3A_445 = vector.shape_cast %swap3A_444 : vector<1x16xf32> to vector<16xf32>
        %swap3A_446 = vector.shape_cast %mul3A_441 : vector<16xf32> to vector<1x16xf32>
        tpu.vector_store %arg8[%swap3A_442, %swap3A_443], %swap3A_446 {strides = array<i32>} : memref<608x128xf32, #tpu.memory_space<vmem>>, vector<1x16xf32>,
        %mul3A_447 = arith.constant 3.125000e-02 : f32
        %mul3A_448 = vector.broadcast %mul3A_447 : f32 to vector<16xf32>
        %mul3A_449 = arith.mulf %scan3A_433#1, %mul3A_448 : vector<16xf32>
        %swap3A_450 = arith.index_cast %add3A_438 : i32 to index
        %swap3A_451 = arith.constant 16 : index
        %swap3A_452 = tpu.vector_load %arg8[%swap3A_450, %swap3A_451] {strides = array<i32>} : memref<608x128xf32, #tpu.memory_space<vmem>>, vector<1x16xf32>,
        %swap3A_453 = vector.shape_cast %swap3A_452 : vector<1x16xf32> to vector<16xf32>
        %swap3A_454 = vector.shape_cast %mul3A_449 : vector<16xf32> to vector<1x16xf32>
        tpu.vector_store %arg8[%swap3A_450, %swap3A_451], %swap3A_454 {strides = array<i32>} : memref<608x128xf32, #tpu.memory_space<vmem>>, vector<1x16xf32>,
        %mul3A_455 = arith.constant 3.125000e-02 : f32
        %mul3A_456 = vector.broadcast %mul3A_455 : f32 to vector<16xf32>
        %mul3A_457 = arith.mulf %scan3A_433#2, %mul3A_456 : vector<16xf32>
        %swap3A_458 = arith.index_cast %add3A_438 : i32 to index
        %swap3A_459 = arith.constant 32 : index
        %swap3A_460 = tpu.vector_load %arg8[%swap3A_458, %swap3A_459] {strides = array<i32>} : memref<608x128xf32, #tpu.memory_space<vmem>>, vector<1x16xf32>,
        %swap3A_461 = vector.shape_cast %swap3A_460 : vector<1x16xf32> to vector<16xf32>
        %swap3A_462 = vector.shape_cast %mul3A_457 : vector<16xf32> to vector<1x16xf32>
        tpu.vector_store %arg8[%swap3A_458, %swap3A_459], %swap3A_462 {strides = array<i32>} : memref<608x128xf32, #tpu.memory_space<vmem>>, vector<1x16xf32>,
        %mul3A_463 = arith.constant 3.125000e-02 : f32
        %mul3A_464 = vector.broadcast %mul3A_463 : f32 to vector<16xf32>
        %mul3A_465 = arith.mulf %scan3A_433#3, %mul3A_464 : vector<16xf32>
        %swap3A_466 = arith.index_cast %add3A_438 : i32 to index
        %swap3A_467 = arith.constant 48 : index
        %swap3A_468 = tpu.vector_load %arg8[%swap3A_466, %swap3A_467] {strides = array<i32>} : memref<608x128xf32, #tpu.memory_space<vmem>>, vector<1x16xf32>,
        %swap3A_469 = vector.shape_cast %swap3A_468 : vector<1x16xf32> to vector<16xf32>
        %swap3A_470 = vector.shape_cast %mul3A_465 : vector<16xf32> to vector<1x16xf32>
        tpu.vector_store %arg8[%swap3A_466, %swap3A_467], %swap3A_470 {strides = array<i32>} : memref<608x128xf32, #tpu.memory_space<vmem>>, vector<1x16xf32>,
        %mul3A_471 = arith.constant 3.125000e-02 : f32
        %mul3A_472 = vector.broadcast %mul3A_471 : f32 to vector<16xf32>
        %mul3A_473 = arith.mulf %scan3A_433#4, %mul3A_472 : vector<16xf32>
        %swap3A_474 = arith.index_cast %add3A_438 : i32 to index
        %swap3A_475 = arith.constant 64 : index
        %swap3A_476 = tpu.vector_load %arg8[%swap3A_474, %swap3A_475] {strides = array<i32>} : memref<608x128xf32, #tpu.memory_space<vmem>>, vector<1x16xf32>,
        %swap3A_477 = vector.shape_cast %swap3A_476 : vector<1x16xf32> to vector<16xf32>
        %swap3A_478 = vector.shape_cast %mul3A_473 : vector<16xf32> to vector<1x16xf32>
        tpu.vector_store %arg8[%swap3A_474, %swap3A_475], %swap3A_478 {strides = array<i32>} : memref<608x128xf32, #tpu.memory_space<vmem>>, vector<1x16xf32>,
        %mul3A_479 = arith.constant 3.125000e-02 : f32
        %mul3A_480 = vector.broadcast %mul3A_479 : f32 to vector<16xf32>
        %mul3A_481 = arith.mulf %scan3A_433#5, %mul3A_480 : vector<16xf32>
        %swap3A_482 = arith.index_cast %add3A_438 : i32 to index
        %swap3A_483 = arith.constant 80 : index
        %swap3A_484 = tpu.vector_load %arg8[%swap3A_482, %swap3A_483] {strides = array<i32>} : memref<608x128xf32, #tpu.memory_space<vmem>>, vector<1x16xf32>,
        %swap3A_485 = vector.shape_cast %swap3A_484 : vector<1x16xf32> to vector<16xf32>
        %swap3A_486 = vector.shape_cast %mul3A_481 : vector<16xf32> to vector<1x16xf32>
        tpu.vector_store %arg8[%swap3A_482, %swap3A_483], %swap3A_486 {strides = array<i32>} : memref<608x128xf32, #tpu.memory_space<vmem>>, vector<1x16xf32>,
        %mul3A_487 = arith.constant 3.125000e-02 : f32
        %mul3A_488 = vector.broadcast %mul3A_487 : f32 to vector<16xf32>
        %mul3A_489 = arith.mulf %scan3A_433#6, %mul3A_488 : vector<16xf32>
        %swap3A_490 = arith.index_cast %add3A_438 : i32 to index
        %swap3A_491 = arith.constant 96 : index
        %swap3A_492 = tpu.vector_load %arg8[%swap3A_490, %swap3A_491] {strides = array<i32>} : memref<608x128xf32, #tpu.memory_space<vmem>>, vector<1x16xf32>,
        %swap3A_493 = vector.shape_cast %swap3A_492 : vector<1x16xf32> to vector<16xf32>
        %swap3A_494 = vector.shape_cast %mul3A_489 : vector<16xf32> to vector<1x16xf32>
        tpu.vector_store %arg8[%swap3A_490, %swap3A_491], %swap3A_494 {strides = array<i32>} : memref<608x128xf32, #tpu.memory_space<vmem>>, vector<1x16xf32>,
        %mul3A_495 = arith.constant 3.125000e-02 : f32
        %mul3A_496 = vector.broadcast %mul3A_495 : f32 to vector<16xf32>
        %mul3A_497 = arith.mulf %scan3A_433#7, %mul3A_496 : vector<16xf32>
        %swap3A_498 = arith.index_cast %add3A_438 : i32 to index
        %swap3A_499 = arith.constant 112 : index
        %swap3A_500 = tpu.vector_load %arg8[%swap3A_498, %swap3A_499] {strides = array<i32>} : memref<608x128xf32, #tpu.memory_space<vmem>>, vector<1x16xf32>,
        %swap3A_501 = vector.shape_cast %swap3A_500 : vector<1x16xf32> to vector<16xf32>
        %swap3A_502 = vector.shape_cast %mul3A_497 : vector<16xf32> to vector<1x16xf32>
        tpu.vector_store %arg8[%swap3A_498, %swap3A_499], %swap3A_502 {strides = array<i32>} : memref<608x128xf32, #tpu.memory_space<vmem>>, vector<1x16xf32>,
        %broadcast_in_dim3A_503 = arith.constant 0.000000e+00 : f32
        %broadcast_in_dim3A_504 = vector.broadcast %broadcast_in_dim3A_503 : f32 to vector<16xf32>
        %broadcast_in_dim3A_505 = arith.constant 0.000000e+00 : f32
        %broadcast_in_dim3A_506 = vector.broadcast %broadcast_in_dim3A_505 : f32 to vector<16xf32>
        %broadcast_in_dim3A_507 = arith.constant 0.000000e+00 : f32
        %broadcast_in_dim3A_508 = vector.broadcast %broadcast_in_dim3A_507 : f32 to vector<16xf32>
        %broadcast_in_dim3A_509 = arith.constant 0.000000e+00 : f32
        %broadcast_in_dim3A_510 = vector.broadcast %broadcast_in_dim3A_509 : f32 to vector<16xf32>
        %broadcast_in_dim3A_511 = arith.constant 0.000000e+00 : f32
        %broadcast_in_dim3A_512 = vector.broadcast %broadcast_in_dim3A_511 : f32 to vector<16xf32>
        %broadcast_in_dim3A_513 = arith.constant 0.000000e+00 : f32
        %broadcast_in_dim3A_514 = vector.broadcast %broadcast_in_dim3A_513 : f32 to vector<16xf32>
        %broadcast_in_dim3A_515 = arith.constant 0.000000e+00 : f32
        %broadcast_in_dim3A_516 = vector.broadcast %broadcast_in_dim3A_515 : f32 to vector<16xf32>
        %broadcast_in_dim3A_517 = arith.constant 0.000000e+00 : f32
        %broadcast_in_dim3A_518 = vector.broadcast %broadcast_in_dim3A_517 : f32 to vector<16xf32>
        %scan3A_519 = arith.constant 0 : i32
        %scan3A_520 = arith.constant 32 : i32
        %scan3A_521 = arith.addi %scan3A_519, %scan3A_520 : i32
        %scan3A_522 = arith.constant 1 : i32
        %scan3A_523:8 = scf.for %scan3A_780 = %scan3A_519 to %scan3A_521 step %scan3A_522 iter_args(%scan3A_781 = %broadcast_in_dim3A_504, %scan3A_782 = %broadcast_in_dim3A_506, %scan3A_783 = %broadcast_in_dim3A_508, %scan3A_784 = %broadcast_in_dim3A_510, %scan3A_785 = %broadcast_in_dim3A_512, %scan3A_786 = %broadcast_in_dim3A_514, %scan3A_787 = %broadcast_in_dim3A_516, %scan3A_788 = %broadcast_in_dim3A_518) -> (vector<16xf32>, vector<16xf32>, vector<16xf32>, vector<16xf32>, vector<16xf32>, vector<16xf32>, vector<16xf32>, vector<16xf32>)  : i32 {
          %add3A_789 = arith.constant 32 : i32
          %add3A_790 = arith.addi %add3A_789, %scan3A_780 : i32
          %get3A = arith.index_cast %add3A_790 : i32 to index
          %get3A_791 = arith.constant 0 : index
          %get3A_792 = tpu.vector_load %arg7[%get3A, %get3A_791] {strides = array<i32>} : memref<128x128xf32, #tpu.memory_space<vmem>>, vector<1x16xf32>,
          %get3A_793 = vector.shape_cast %get3A_792 : vector<1x16xf32> to vector<16xf32>
          %add3A_794 = arith.addf %scan3A_781, %get3A_793 : vector<16xf32>
          %get3A_795 = arith.index_cast %add3A_790 : i32 to index
          %get3A_796 = arith.constant 16 : index
          %get3A_797 = tpu.vector_load %arg7[%get3A_795, %get3A_796] {strides = array<i32>} : memref<128x128xf32, #tpu.memory_space<vmem>>, vector<1x16xf32>,
          %get3A_798 = vector.shape_cast %get3A_797 : vector<1x16xf32> to vector<16xf32>
          %add3A_799 = arith.addf %scan3A_782, %get3A_798 : vector<16xf32>
          %get3A_800 = arith.index_cast %add3A_790 : i32 to index
          %get3A_801 = arith.constant 32 : index
          %get3A_802 = tpu.vector_load %arg7[%get3A_800, %get3A_801] {strides = array<i32>} : memref<128x128xf32, #tpu.memory_space<vmem>>, vector<1x16xf32>,
          %get3A_803 = vector.shape_cast %get3A_802 : vector<1x16xf32> to vector<16xf32>
          %add3A_804 = arith.addf %scan3A_783, %get3A_803 : vector<16xf32>
          %get3A_805 = arith.index_cast %add3A_790 : i32 to index
          %get3A_806 = arith.constant 48 : index
          %get3A_807 = tpu.vector_load %arg7[%get3A_805, %get3A_806] {strides = array<i32>} : memref<128x128xf32, #tpu.memory_space<vmem>>, vector<1x16xf32>,
          %get3A_808 = vector.shape_cast %get3A_807 : vector<1x16xf32> to vector<16xf32>
          %add3A_809 = arith.addf %scan3A_784, %get3A_808 : vector<16xf32>
          %get3A_810 = arith.index_cast %add3A_790 : i32 to index
          %get3A_811 = arith.constant 64 : index
          %get3A_812 = tpu.vector_load %arg7[%get3A_810, %get3A_811] {strides = array<i32>} : memref<128x128xf32, #tpu.memory_space<vmem>>, vector<1x16xf32>,
          %get3A_813 = vector.shape_cast %get3A_812 : vector<1x16xf32> to vector<16xf32>
          %add3A_814 = arith.addf %scan3A_785, %get3A_813 : vector<16xf32>
          %get3A_815 = arith.index_cast %add3A_790 : i32 to index
          %get3A_816 = arith.constant 80 : index
          %get3A_817 = tpu.vector_load %arg7[%get3A_815, %get3A_816] {strides = array<i32>} : memref<128x128xf32, #tpu.memory_space<vmem>>, vector<1x16xf32>,
          %get3A_818 = vector.shape_cast %get3A_817 : vector<1x16xf32> to vector<16xf32>
          %add3A_819 = arith.addf %scan3A_786, %get3A_818 : vector<16xf32>
          %get3A_820 = arith.index_cast %add3A_790 : i32 to index
          %get3A_821 = arith.constant 96 : index
          %get3A_822 = tpu.vector_load %arg7[%get3A_820, %get3A_821] {strides = array<i32>} : memref<128x128xf32, #tpu.memory_space<vmem>>, vector<1x16xf32>,
          %get3A_823 = vector.shape_cast %get3A_822 : vector<1x16xf32> to vector<16xf32>
          %add3A_824 = arith.addf %scan3A_787, %get3A_823 : vector<16xf32>
          %get3A_825 = arith.index_cast %add3A_790 : i32 to index
          %get3A_826 = arith.constant 112 : index
          %get3A_827 = tpu.vector_load %arg7[%get3A_825, %get3A_826] {strides = array<i32>} : memref<128x128xf32, #tpu.memory_space<vmem>>, vector<1x16xf32>,
          %get3A_828 = vector.shape_cast %get3A_827 : vector<1x16xf32> to vector<16xf32>
          %add3A_829 = arith.addf %scan3A_788, %get3A_828 : vector<16xf32>
          scf.yield %add3A_794, %add3A_799, %add3A_804, %add3A_809, %add3A_814, %add3A_819, %add3A_824, %add3A_829 : vector<16xf32>, vector<16xf32>, vector<16xf32>, vector<16xf32>, vector<16xf32>, vector<16xf32>, vector<16xf32>, vector<16xf32>
        }
        %scan3A_524 = arith.constant 32 : i32
        %mul3A_525 = arith.constant 4 : i32
        %mul3A_526 = arith.muli %add3A_405, %mul3A_525 : i32
        %add3A_527 = arith.constant 1 : i32
        %add3A_528 = arith.addi %mul3A_526, %add3A_527 : i32
        %mul3A_529 = arith.constant 3.125000e-02 : f32
        %mul3A_530 = vector.broadcast %mul3A_529 : f32 to vector<16xf32>
        %mul3A_531 = arith.mulf %scan3A_523#0, %mul3A_530 : vector<16xf32>
        %swap3A_532 = arith.index_cast %add3A_528 : i32 to index
        %swap3A_533 = arith.constant 0 : index
        %swap3A_534 = tpu.vector_load %arg8[%swap3A_532, %swap3A_533] {strides = array<i32>} : memref<608x128xf32, #tpu.memory_space<vmem>>, vector<1x16xf32>,
        %swap3A_535 = vector.shape_cast %swap3A_534 : vector<1x16xf32> to vector<16xf32>
        %swap3A_536 = vector.shape_cast %mul3A_531 : vector<16xf32> to vector<1x16xf32>
        tpu.vector_store %arg8[%swap3A_532, %swap3A_533], %swap3A_536 {strides = array<i32>} : memref<608x128xf32, #tpu.memory_space<vmem>>, vector<1x16xf32>,
        %mul3A_537 = arith.constant 3.125000e-02 : f32
        %mul3A_538 = vector.broadcast %mul3A_537 : f32 to vector<16xf32>
        %mul3A_539 = arith.mulf %scan3A_523#1, %mul3A_538 : vector<16xf32>
        %swap3A_540 = arith.index_cast %add3A_528 : i32 to index
        %swap3A_541 = arith.constant 16 : index
        %swap3A_542 = tpu.vector_load %arg8[%swap3A_540, %swap3A_541] {strides = array<i32>} : memref<608x128xf32, #tpu.memory_space<vmem>>, vector<1x16xf32>,
        %swap3A_543 = vector.shape_cast %swap3A_542 : vector<1x16xf32> to vector<16xf32>
        %swap3A_544 = vector.shape_cast %mul3A_539 : vector<16xf32> to vector<1x16xf32>
        tpu.vector_store %arg8[%swap3A_540, %swap3A_541], %swap3A_544 {strides = array<i32>} : memref<608x128xf32, #tpu.memory_space<vmem>>, vector<1x16xf32>,
        %mul3A_545 = arith.constant 3.125000e-02 : f32
        %mul3A_546 = vector.broadcast %mul3A_545 : f32 to vector<16xf32>
        %mul3A_547 = arith.mulf %scan3A_523#2, %mul3A_546 : vector<16xf32>
        %swap3A_548 = arith.index_cast %add3A_528 : i32 to index
        %swap3A_549 = arith.constant 32 : index
        %swap3A_550 = tpu.vector_load %arg8[%swap3A_548, %swap3A_549] {strides = array<i32>} : memref<608x128xf32, #tpu.memory_space<vmem>>, vector<1x16xf32>,
        %swap3A_551 = vector.shape_cast %swap3A_550 : vector<1x16xf32> to vector<16xf32>
        %swap3A_552 = vector.shape_cast %mul3A_547 : vector<16xf32> to vector<1x16xf32>
        tpu.vector_store %arg8[%swap3A_548, %swap3A_549], %swap3A_552 {strides = array<i32>} : memref<608x128xf32, #tpu.memory_space<vmem>>, vector<1x16xf32>,
        %mul3A_553 = arith.constant 3.125000e-02 : f32
        %mul3A_554 = vector.broadcast %mul3A_553 : f32 to vector<16xf32>
        %mul3A_555 = arith.mulf %scan3A_523#3, %mul3A_554 : vector<16xf32>
        %swap3A_556 = arith.index_cast %add3A_528 : i32 to index
        %swap3A_557 = arith.constant 48 : index
        %swap3A_558 = tpu.vector_load %arg8[%swap3A_556, %swap3A_557] {strides = array<i32>} : memref<608x128xf32, #tpu.memory_space<vmem>>, vector<1x16xf32>,
        %swap3A_559 = vector.shape_cast %swap3A_558 : vector<1x16xf32> to vector<16xf32>
        %swap3A_560 = vector.shape_cast %mul3A_555 : vector<16xf32> to vector<1x16xf32>
        tpu.vector_store %arg8[%swap3A_556, %swap3A_557], %swap3A_560 {strides = array<i32>} : memref<608x128xf32, #tpu.memory_space<vmem>>, vector<1x16xf32>,
        %mul3A_561 = arith.constant 3.125000e-02 : f32
        %mul3A_562 = vector.broadcast %mul3A_561 : f32 to vector<16xf32>
        %mul3A_563 = arith.mulf %scan3A_523#4, %mul3A_562 : vector<16xf32>
        %swap3A_564 = arith.index_cast %add3A_528 : i32 to index
        %swap3A_565 = arith.constant 64 : index
        %swap3A_566 = tpu.vector_load %arg8[%swap3A_564, %swap3A_565] {strides = array<i32>} : memref<608x128xf32, #tpu.memory_space<vmem>>, vector<1x16xf32>,
        %swap3A_567 = vector.shape_cast %swap3A_566 : vector<1x16xf32> to vector<16xf32>
        %swap3A_568 = vector.shape_cast %mul3A_563 : vector<16xf32> to vector<1x16xf32>
        tpu.vector_store %arg8[%swap3A_564, %swap3A_565], %swap3A_568 {strides = array<i32>} : memref<608x128xf32, #tpu.memory_space<vmem>>, vector<1x16xf32>,
        %mul3A_569 = arith.constant 3.125000e-02 : f32
        %mul3A_570 = vector.broadcast %mul3A_569 : f32 to vector<16xf32>
        %mul3A_571 = arith.mulf %scan3A_523#5, %mul3A_570 : vector<16xf32>
        %swap3A_572 = arith.index_cast %add3A_528 : i32 to index
        %swap3A_573 = arith.constant 80 : index
        %swap3A_574 = tpu.vector_load %arg8[%swap3A_572, %swap3A_573] {strides = array<i32>} : memref<608x128xf32, #tpu.memory_space<vmem>>, vector<1x16xf32>,
        %swap3A_575 = vector.shape_cast %swap3A_574 : vector<1x16xf32> to vector<16xf32>
        %swap3A_576 = vector.shape_cast %mul3A_571 : vector<16xf32> to vector<1x16xf32>
        tpu.vector_store %arg8[%swap3A_572, %swap3A_573], %swap3A_576 {strides = array<i32>} : memref<608x128xf32, #tpu.memory_space<vmem>>, vector<1x16xf32>,
        %mul3A_577 = arith.constant 3.125000e-02 : f32
        %mul3A_578 = vector.broadcast %mul3A_577 : f32 to vector<16xf32>
        %mul3A_579 = arith.mulf %scan3A_523#6, %mul3A_578 : vector<16xf32>
        %swap3A_580 = arith.index_cast %add3A_528 : i32 to index
        %swap3A_581 = arith.constant 96 : index
        %swap3A_582 = tpu.vector_load %arg8[%swap3A_580, %swap3A_581] {strides = array<i32>} : memref<608x128xf32, #tpu.memory_space<vmem>>, vector<1x16xf32>,
        %swap3A_583 = vector.shape_cast %swap3A_582 : vector<1x16xf32> to vector<16xf32>
        %swap3A_584 = vector.shape_cast %mul3A_579 : vector<16xf32> to vector<1x16xf32>
        tpu.vector_store %arg8[%swap3A_580, %swap3A_581], %swap3A_584 {strides = array<i32>} : memref<608x128xf32, #tpu.memory_space<vmem>>, vector<1x16xf32>,
        %mul3A_585 = arith.constant 3.125000e-02 : f32
        %mul3A_586 = vector.broadcast %mul3A_585 : f32 to vector<16xf32>
        %mul3A_587 = arith.mulf %scan3A_523#7, %mul3A_586 : vector<16xf32>
        %swap3A_588 = arith.index_cast %add3A_528 : i32 to index
        %swap3A_589 = arith.constant 112 : index
        %swap3A_590 = tpu.vector_load %arg8[%swap3A_588, %swap3A_589] {strides = array<i32>} : memref<608x128xf32, #tpu.memory_space<vmem>>, vector<1x16xf32>,
        %swap3A_591 = vector.shape_cast %swap3A_590 : vector<1x16xf32> to vector<16xf32>
        %swap3A_592 = vector.shape_cast %mul3A_587 : vector<16xf32> to vector<1x16xf32>
        tpu.vector_store %arg8[%swap3A_588, %swap3A_589], %swap3A_592 {strides = array<i32>} : memref<608x128xf32, #tpu.memory_space<vmem>>, vector<1x16xf32>,
        %broadcast_in_dim3A_593 = arith.constant 0.000000e+00 : f32
        %broadcast_in_dim3A_594 = vector.broadcast %broadcast_in_dim3A_593 : f32 to vector<16xf32>
        %broadcast_in_dim3A_595 = arith.constant 0.000000e+00 : f32
        %broadcast_in_dim3A_596 = vector.broadcast %broadcast_in_dim3A_595 : f32 to vector<16xf32>
        %broadcast_in_dim3A_597 = arith.constant 0.000000e+00 : f32
        %broadcast_in_dim3A_598 = vector.broadcast %broadcast_in_dim3A_597 : f32 to vector<16xf32>
        %broadcast_in_dim3A_599 = arith.constant 0.000000e+00 : f32
        %broadcast_in_dim3A_600 = vector.broadcast %broadcast_in_dim3A_599 : f32 to vector<16xf32>
        %broadcast_in_dim3A_601 = arith.constant 0.000000e+00 : f32
        %broadcast_in_dim3A_602 = vector.broadcast %broadcast_in_dim3A_601 : f32 to vector<16xf32>
        %broadcast_in_dim3A_603 = arith.constant 0.000000e+00 : f32
        %broadcast_in_dim3A_604 = vector.broadcast %broadcast_in_dim3A_603 : f32 to vector<16xf32>
        %broadcast_in_dim3A_605 = arith.constant 0.000000e+00 : f32
        %broadcast_in_dim3A_606 = vector.broadcast %broadcast_in_dim3A_605 : f32 to vector<16xf32>
        %broadcast_in_dim3A_607 = arith.constant 0.000000e+00 : f32
        %broadcast_in_dim3A_608 = vector.broadcast %broadcast_in_dim3A_607 : f32 to vector<16xf32>
        %scan3A_609 = arith.constant 0 : i32
        %scan3A_610 = arith.constant 32 : i32
        %scan3A_611 = arith.addi %scan3A_609, %scan3A_610 : i32
        %scan3A_612 = arith.constant 1 : i32
        %scan3A_613:8 = scf.for %scan3A_780 = %scan3A_609 to %scan3A_611 step %scan3A_612 iter_args(%scan3A_781 = %broadcast_in_dim3A_594, %scan3A_782 = %broadcast_in_dim3A_596, %scan3A_783 = %broadcast_in_dim3A_598, %scan3A_784 = %broadcast_in_dim3A_600, %scan3A_785 = %broadcast_in_dim3A_602, %scan3A_786 = %broadcast_in_dim3A_604, %scan3A_787 = %broadcast_in_dim3A_606, %scan3A_788 = %broadcast_in_dim3A_608) -> (vector<16xf32>, vector<16xf32>, vector<16xf32>, vector<16xf32>, vector<16xf32>, vector<16xf32>, vector<16xf32>, vector<16xf32>)  : i32 {
          %add3A_789 = arith.constant 64 : i32
          %add3A_790 = arith.addi %add3A_789, %scan3A_780 : i32
          %get3A = arith.index_cast %add3A_790 : i32 to index
          %get3A_791 = arith.constant 0 : index
          %get3A_792 = tpu.vector_load %arg7[%get3A, %get3A_791] {strides = array<i32>} : memref<128x128xf32, #tpu.memory_space<vmem>>, vector<1x16xf32>,
          %get3A_793 = vector.shape_cast %get3A_792 : vector<1x16xf32> to vector<16xf32>
          %add3A_794 = arith.addf %scan3A_781, %get3A_793 : vector<16xf32>
          %get3A_795 = arith.index_cast %add3A_790 : i32 to index
          %get3A_796 = arith.constant 16 : index
          %get3A_797 = tpu.vector_load %arg7[%get3A_795, %get3A_796] {strides = array<i32>} : memref<128x128xf32, #tpu.memory_space<vmem>>, vector<1x16xf32>,
          %get3A_798 = vector.shape_cast %get3A_797 : vector<1x16xf32> to vector<16xf32>
          %add3A_799 = arith.addf %scan3A_782, %get3A_798 : vector<16xf32>
          %get3A_800 = arith.index_cast %add3A_790 : i32 to index
          %get3A_801 = arith.constant 32 : index
          %get3A_802 = tpu.vector_load %arg7[%get3A_800, %get3A_801] {strides = array<i32>} : memref<128x128xf32, #tpu.memory_space<vmem>>, vector<1x16xf32>,
          %get3A_803 = vector.shape_cast %get3A_802 : vector<1x16xf32> to vector<16xf32>
          %add3A_804 = arith.addf %scan3A_783, %get3A_803 : vector<16xf32>
          %get3A_805 = arith.index_cast %add3A_790 : i32 to index
          %get3A_806 = arith.constant 48 : index
          %get3A_807 = tpu.vector_load %arg7[%get3A_805, %get3A_806] {strides = array<i32>} : memref<128x128xf32, #tpu.memory_space<vmem>>, vector<1x16xf32>,
          %get3A_808 = vector.shape_cast %get3A_807 : vector<1x16xf32> to vector<16xf32>
          %add3A_809 = arith.addf %scan3A_784, %get3A_808 : vector<16xf32>
          %get3A_810 = arith.index_cast %add3A_790 : i32 to index
          %get3A_811 = arith.constant 64 : index
          %get3A_812 = tpu.vector_load %arg7[%get3A_810, %get3A_811] {strides = array<i32>} : memref<128x128xf32, #tpu.memory_space<vmem>>, vector<1x16xf32>,
          %get3A_813 = vector.shape_cast %get3A_812 : vector<1x16xf32> to vector<16xf32>
          %add3A_814 = arith.addf %scan3A_785, %get3A_813 : vector<16xf32>
          %get3A_815 = arith.index_cast %add3A_790 : i32 to index
          %get3A_816 = arith.constant 80 : index
          %get3A_817 = tpu.vector_load %arg7[%get3A_815, %get3A_816] {strides = array<i32>} : memref<128x128xf32, #tpu.memory_space<vmem>>, vector<1x16xf32>,
          %get3A_818 = vector.shape_cast %get3A_817 : vector<1x16xf32> to vector<16xf32>
          %add3A_819 = arith.addf %scan3A_786, %get3A_818 : vector<16xf32>
          %get3A_820 = arith.index_cast %add3A_790 : i32 to index
          %get3A_821 = arith.constant 96 : index
          %get3A_822 = tpu.vector_load %arg7[%get3A_820, %get3A_821] {strides = array<i32>} : memref<128x128xf32, #tpu.memory_space<vmem>>, vector<1x16xf32>,
          %get3A_823 = vector.shape_cast %get3A_822 : vector<1x16xf32> to vector<16xf32>
          %add3A_824 = arith.addf %scan3A_787, %get3A_823 : vector<16xf32>
          %get3A_825 = arith.index_cast %add3A_790 : i32 to index
          %get3A_826 = arith.constant 112 : index
          %get3A_827 = tpu.vector_load %arg7[%get3A_825, %get3A_826] {strides = array<i32>} : memref<128x128xf32, #tpu.memory_space<vmem>>, vector<1x16xf32>,
          %get3A_828 = vector.shape_cast %get3A_827 : vector<1x16xf32> to vector<16xf32>
          %add3A_829 = arith.addf %scan3A_788, %get3A_828 : vector<16xf32>
          scf.yield %add3A_794, %add3A_799, %add3A_804, %add3A_809, %add3A_814, %add3A_819, %add3A_824, %add3A_829 : vector<16xf32>, vector<16xf32>, vector<16xf32>, vector<16xf32>, vector<16xf32>, vector<16xf32>, vector<16xf32>, vector<16xf32>
        }
        %scan3A_614 = arith.constant 32 : i32
        %mul3A_615 = arith.constant 4 : i32
        %mul3A_616 = arith.muli %add3A_405, %mul3A_615 : i32
        %add3A_617 = arith.constant 2 : i32
        %add3A_618 = arith.addi %mul3A_616, %add3A_617 : i32
        %mul3A_619 = arith.constant 3.125000e-02 : f32
        %mul3A_620 = vector.broadcast %mul3A_619 : f32 to vector<16xf32>
        %mul3A_621 = arith.mulf %scan3A_613#0, %mul3A_620 : vector<16xf32>
        %swap3A_622 = arith.index_cast %add3A_618 : i32 to index
        %swap3A_623 = arith.constant 0 : index
        %swap3A_624 = tpu.vector_load %arg8[%swap3A_622, %swap3A_623] {strides = array<i32>} : memref<608x128xf32, #tpu.memory_space<vmem>>, vector<1x16xf32>,
        %swap3A_625 = vector.shape_cast %swap3A_624 : vector<1x16xf32> to vector<16xf32>
        %swap3A_626 = vector.shape_cast %mul3A_621 : vector<16xf32> to vector<1x16xf32>
        tpu.vector_store %arg8[%swap3A_622, %swap3A_623], %swap3A_626 {strides = array<i32>} : memref<608x128xf32, #tpu.memory_space<vmem>>, vector<1x16xf32>,
        %mul3A_627 = arith.constant 3.125000e-02 : f32
        %mul3A_628 = vector.broadcast %mul3A_627 : f32 to vector<16xf32>
        %mul3A_629 = arith.mulf %scan3A_613#1, %mul3A_628 : vector<16xf32>
        %swap3A_630 = arith.index_cast %add3A_618 : i32 to index
        %swap3A_631 = arith.constant 16 : index
        %swap3A_632 = tpu.vector_load %arg8[%swap3A_630, %swap3A_631] {strides = array<i32>} : memref<608x128xf32, #tpu.memory_space<vmem>>, vector<1x16xf32>,
        %swap3A_633 = vector.shape_cast %swap3A_632 : vector<1x16xf32> to vector<16xf32>
        %swap3A_634 = vector.shape_cast %mul3A_629 : vector<16xf32> to vector<1x16xf32>
        tpu.vector_store %arg8[%swap3A_630, %swap3A_631], %swap3A_634 {strides = array<i32>} : memref<608x128xf32, #tpu.memory_space<vmem>>, vector<1x16xf32>,
        %mul3A_635 = arith.constant 3.125000e-02 : f32
        %mul3A_636 = vector.broadcast %mul3A_635 : f32 to vector<16xf32>
        %mul3A_637 = arith.mulf %scan3A_613#2, %mul3A_636 : vector<16xf32>
        %swap3A_638 = arith.index_cast %add3A_618 : i32 to index
        %swap3A_639 = arith.constant 32 : index
        %swap3A_640 = tpu.vector_load %arg8[%swap3A_638, %swap3A_639] {strides = array<i32>} : memref<608x128xf32, #tpu.memory_space<vmem>>, vector<1x16xf32>,
        %swap3A_641 = vector.shape_cast %swap3A_640 : vector<1x16xf32> to vector<16xf32>
        %swap3A_642 = vector.shape_cast %mul3A_637 : vector<16xf32> to vector<1x16xf32>
        tpu.vector_store %arg8[%swap3A_638, %swap3A_639], %swap3A_642 {strides = array<i32>} : memref<608x128xf32, #tpu.memory_space<vmem>>, vector<1x16xf32>,
        %mul3A_643 = arith.constant 3.125000e-02 : f32
        %mul3A_644 = vector.broadcast %mul3A_643 : f32 to vector<16xf32>
        %mul3A_645 = arith.mulf %scan3A_613#3, %mul3A_644 : vector<16xf32>
        %swap3A_646 = arith.index_cast %add3A_618 : i32 to index
        %swap3A_647 = arith.constant 48 : index
        %swap3A_648 = tpu.vector_load %arg8[%swap3A_646, %swap3A_647] {strides = array<i32>} : memref<608x128xf32, #tpu.memory_space<vmem>>, vector<1x16xf32>,
        %swap3A_649 = vector.shape_cast %swap3A_648 : vector<1x16xf32> to vector<16xf32>
        %swap3A_650 = vector.shape_cast %mul3A_645 : vector<16xf32> to vector<1x16xf32>
        tpu.vector_store %arg8[%swap3A_646, %swap3A_647], %swap3A_650 {strides = array<i32>} : memref<608x128xf32, #tpu.memory_space<vmem>>, vector<1x16xf32>,
        %mul3A_651 = arith.constant 3.125000e-02 : f32
        %mul3A_652 = vector.broadcast %mul3A_651 : f32 to vector<16xf32>
        %mul3A_653 = arith.mulf %scan3A_613#4, %mul3A_652 : vector<16xf32>
        %swap3A_654 = arith.index_cast %add3A_618 : i32 to index
        %swap3A_655 = arith.constant 64 : index
        %swap3A_656 = tpu.vector_load %arg8[%swap3A_654, %swap3A_655] {strides = array<i32>} : memref<608x128xf32, #tpu.memory_space<vmem>>, vector<1x16xf32>,
        %swap3A_657 = vector.shape_cast %swap3A_656 : vector<1x16xf32> to vector<16xf32>
        %swap3A_658 = vector.shape_cast %mul3A_653 : vector<16xf32> to vector<1x16xf32>
        tpu.vector_store %arg8[%swap3A_654, %swap3A_655], %swap3A_658 {strides = array<i32>} : memref<608x128xf32, #tpu.memory_space<vmem>>, vector<1x16xf32>,
        %mul3A_659 = arith.constant 3.125000e-02 : f32
        %mul3A_660 = vector.broadcast %mul3A_659 : f32 to vector<16xf32>
        %mul3A_661 = arith.mulf %scan3A_613#5, %mul3A_660 : vector<16xf32>
        %swap3A_662 = arith.index_cast %add3A_618 : i32 to index
        %swap3A_663 = arith.constant 80 : index
        %swap3A_664 = tpu.vector_load %arg8[%swap3A_662, %swap3A_663] {strides = array<i32>} : memref<608x128xf32, #tpu.memory_space<vmem>>, vector<1x16xf32>,
        %swap3A_665 = vector.shape_cast %swap3A_664 : vector<1x16xf32> to vector<16xf32>
        %swap3A_666 = vector.shape_cast %mul3A_661 : vector<16xf32> to vector<1x16xf32>
        tpu.vector_store %arg8[%swap3A_662, %swap3A_663], %swap3A_666 {strides = array<i32>} : memref<608x128xf32, #tpu.memory_space<vmem>>, vector<1x16xf32>,
        %mul3A_667 = arith.constant 3.125000e-02 : f32
        %mul3A_668 = vector.broadcast %mul3A_667 : f32 to vector<16xf32>
        %mul3A_669 = arith.mulf %scan3A_613#6, %mul3A_668 : vector<16xf32>
        %swap3A_670 = arith.index_cast %add3A_618 : i32 to index
        %swap3A_671 = arith.constant 96 : index
        %swap3A_672 = tpu.vector_load %arg8[%swap3A_670, %swap3A_671] {strides = array<i32>} : memref<608x128xf32, #tpu.memory_space<vmem>>, vector<1x16xf32>,
        %swap3A_673 = vector.shape_cast %swap3A_672 : vector<1x16xf32> to vector<16xf32>
        %swap3A_674 = vector.shape_cast %mul3A_669 : vector<16xf32> to vector<1x16xf32>
        tpu.vector_store %arg8[%swap3A_670, %swap3A_671], %swap3A_674 {strides = array<i32>} : memref<608x128xf32, #tpu.memory_space<vmem>>, vector<1x16xf32>,
        %mul3A_675 = arith.constant 3.125000e-02 : f32
        %mul3A_676 = vector.broadcast %mul3A_675 : f32 to vector<16xf32>
        %mul3A_677 = arith.mulf %scan3A_613#7, %mul3A_676 : vector<16xf32>
        %swap3A_678 = arith.index_cast %add3A_618 : i32 to index
        %swap3A_679 = arith.constant 112 : index
        %swap3A_680 = tpu.vector_load %arg8[%swap3A_678, %swap3A_679] {strides = array<i32>} : memref<608x128xf32, #tpu.memory_space<vmem>>, vector<1x16xf32>,
        %swap3A_681 = vector.shape_cast %swap3A_680 : vector<1x16xf32> to vector<16xf32>
        %swap3A_682 = vector.shape_cast %mul3A_677 : vector<16xf32> to vector<1x16xf32>
        tpu.vector_store %arg8[%swap3A_678, %swap3A_679], %swap3A_682 {strides = array<i32>} : memref<608x128xf32, #tpu.memory_space<vmem>>, vector<1x16xf32>,
        %broadcast_in_dim3A_683 = arith.constant 0.000000e+00 : f32
        %broadcast_in_dim3A_684 = vector.broadcast %broadcast_in_dim3A_683 : f32 to vector<16xf32>
        %broadcast_in_dim3A_685 = arith.constant 0.000000e+00 : f32
        %broadcast_in_dim3A_686 = vector.broadcast %broadcast_in_dim3A_685 : f32 to vector<16xf32>
        %broadcast_in_dim3A_687 = arith.constant 0.000000e+00 : f32
        %broadcast_in_dim3A_688 = vector.broadcast %broadcast_in_dim3A_687 : f32 to vector<16xf32>
        %broadcast_in_dim3A_689 = arith.constant 0.000000e+00 : f32
        %broadcast_in_dim3A_690 = vector.broadcast %broadcast_in_dim3A_689 : f32 to vector<16xf32>
        %broadcast_in_dim3A_691 = arith.constant 0.000000e+00 : f32
        %broadcast_in_dim3A_692 = vector.broadcast %broadcast_in_dim3A_691 : f32 to vector<16xf32>
        %broadcast_in_dim3A_693 = arith.constant 0.000000e+00 : f32
        %broadcast_in_dim3A_694 = vector.broadcast %broadcast_in_dim3A_693 : f32 to vector<16xf32>
        %broadcast_in_dim3A_695 = arith.constant 0.000000e+00 : f32
        %broadcast_in_dim3A_696 = vector.broadcast %broadcast_in_dim3A_695 : f32 to vector<16xf32>
        %broadcast_in_dim3A_697 = arith.constant 0.000000e+00 : f32
        %broadcast_in_dim3A_698 = vector.broadcast %broadcast_in_dim3A_697 : f32 to vector<16xf32>
        %scan3A_699 = arith.constant 0 : i32
        %scan3A_700 = arith.constant 32 : i32
        %scan3A_701 = arith.addi %scan3A_699, %scan3A_700 : i32
        %scan3A_702 = arith.constant 1 : i32
        %scan3A_703:8 = scf.for %scan3A_780 = %scan3A_699 to %scan3A_701 step %scan3A_702 iter_args(%scan3A_781 = %broadcast_in_dim3A_684, %scan3A_782 = %broadcast_in_dim3A_686, %scan3A_783 = %broadcast_in_dim3A_688, %scan3A_784 = %broadcast_in_dim3A_690, %scan3A_785 = %broadcast_in_dim3A_692, %scan3A_786 = %broadcast_in_dim3A_694, %scan3A_787 = %broadcast_in_dim3A_696, %scan3A_788 = %broadcast_in_dim3A_698) -> (vector<16xf32>, vector<16xf32>, vector<16xf32>, vector<16xf32>, vector<16xf32>, vector<16xf32>, vector<16xf32>, vector<16xf32>)  : i32 {
          %add3A_789 = arith.constant 96 : i32
          %add3A_790 = arith.addi %add3A_789, %scan3A_780 : i32
          %get3A = arith.index_cast %add3A_790 : i32 to index
          %get3A_791 = arith.constant 0 : index
          %get3A_792 = tpu.vector_load %arg7[%get3A, %get3A_791] {strides = array<i32>} : memref<128x128xf32, #tpu.memory_space<vmem>>, vector<1x16xf32>,
          %get3A_793 = vector.shape_cast %get3A_792 : vector<1x16xf32> to vector<16xf32>
          %add3A_794 = arith.addf %scan3A_781, %get3A_793 : vector<16xf32>
          %get3A_795 = arith.index_cast %add3A_790 : i32 to index
          %get3A_796 = arith.constant 16 : index
          %get3A_797 = tpu.vector_load %arg7[%get3A_795, %get3A_796] {strides = array<i32>} : memref<128x128xf32, #tpu.memory_space<vmem>>, vector<1x16xf32>,
          %get3A_798 = vector.shape_cast %get3A_797 : vector<1x16xf32> to vector<16xf32>
          %add3A_799 = arith.addf %scan3A_782, %get3A_798 : vector<16xf32>
          %get3A_800 = arith.index_cast %add3A_790 : i32 to index
          %get3A_801 = arith.constant 32 : index
          %get3A_802 = tpu.vector_load %arg7[%get3A_800, %get3A_801] {strides = array<i32>} : memref<128x128xf32, #tpu.memory_space<vmem>>, vector<1x16xf32>,
          %get3A_803 = vector.shape_cast %get3A_802 : vector<1x16xf32> to vector<16xf32>
          %add3A_804 = arith.addf %scan3A_783, %get3A_803 : vector<16xf32>
          %get3A_805 = arith.index_cast %add3A_790 : i32 to index
          %get3A_806 = arith.constant 48 : index
          %get3A_807 = tpu.vector_load %arg7[%get3A_805, %get3A_806] {strides = array<i32>} : memref<128x128xf32, #tpu.memory_space<vmem>>, vector<1x16xf32>,
          %get3A_808 = vector.shape_cast %get3A_807 : vector<1x16xf32> to vector<16xf32>
          %add3A_809 = arith.addf %scan3A_784, %get3A_808 : vector<16xf32>
          %get3A_810 = arith.index_cast %add3A_790 : i32 to index
          %get3A_811 = arith.constant 64 : index
          %get3A_812 = tpu.vector_load %arg7[%get3A_810, %get3A_811] {strides = array<i32>} : memref<128x128xf32, #tpu.memory_space<vmem>>, vector<1x16xf32>,
          %get3A_813 = vector.shape_cast %get3A_812 : vector<1x16xf32> to vector<16xf32>
          %add3A_814 = arith.addf %scan3A_785, %get3A_813 : vector<16xf32>
          %get3A_815 = arith.index_cast %add3A_790 : i32 to index
          %get3A_816 = arith.constant 80 : index
          %get3A_817 = tpu.vector_load %arg7[%get3A_815, %get3A_816] {strides = array<i32>} : memref<128x128xf32, #tpu.memory_space<vmem>>, vector<1x16xf32>,
          %get3A_818 = vector.shape_cast %get3A_817 : vector<1x16xf32> to vector<16xf32>
          %add3A_819 = arith.addf %scan3A_786, %get3A_818 : vector<16xf32>
          %get3A_820 = arith.index_cast %add3A_790 : i32 to index
          %get3A_821 = arith.constant 96 : index
          %get3A_822 = tpu.vector_load %arg7[%get3A_820, %get3A_821] {strides = array<i32>} : memref<128x128xf32, #tpu.memory_space<vmem>>, vector<1x16xf32>,
          %get3A_823 = vector.shape_cast %get3A_822 : vector<1x16xf32> to vector<16xf32>
          %add3A_824 = arith.addf %scan3A_787, %get3A_823 : vector<16xf32>
          %get3A_825 = arith.index_cast %add3A_790 : i32 to index
          %get3A_826 = arith.constant 112 : index
          %get3A_827 = tpu.vector_load %arg7[%get3A_825, %get3A_826] {strides = array<i32>} : memref<128x128xf32, #tpu.memory_space<vmem>>, vector<1x16xf32>,
          %get3A_828 = vector.shape_cast %get3A_827 : vector<1x16xf32> to vector<16xf32>
          %add3A_829 = arith.addf %scan3A_788, %get3A_828 : vector<16xf32>
          scf.yield %add3A_794, %add3A_799, %add3A_804, %add3A_809, %add3A_814, %add3A_819, %add3A_824, %add3A_829 : vector<16xf32>, vector<16xf32>, vector<16xf32>, vector<16xf32>, vector<16xf32>, vector<16xf32>, vector<16xf32>, vector<16xf32>
        }
        %scan3A_704 = arith.constant 32 : i32
        %mul3A_705 = arith.constant 4 : i32
        %mul3A_706 = arith.muli %add3A_405, %mul3A_705 : i32
        %add3A_707 = arith.constant 3 : i32
        %add3A_708 = arith.addi %mul3A_706, %add3A_707 : i32
        %mul3A_709 = arith.constant 3.125000e-02 : f32
        %mul3A_710 = vector.broadcast %mul3A_709 : f32 to vector<16xf32>
        %mul3A_711 = arith.mulf %scan3A_703#0, %mul3A_710 : vector<16xf32>
        %swap3A_712 = arith.index_cast %add3A_708 : i32 to index
        %swap3A_713 = arith.constant 0 : index
        %swap3A_714 = tpu.vector_load %arg8[%swap3A_712, %swap3A_713] {strides = array<i32>} : memref<608x128xf32, #tpu.memory_space<vmem>>, vector<1x16xf32>,
        %swap3A_715 = vector.shape_cast %swap3A_714 : vector<1x16xf32> to vector<16xf32>
        %swap3A_716 = vector.shape_cast %mul3A_711 : vector<16xf32> to vector<1x16xf32>
        tpu.vector_store %arg8[%swap3A_712, %swap3A_713], %swap3A_716 {strides = array<i32>} : memref<608x128xf32, #tpu.memory_space<vmem>>, vector<1x16xf32>,
        %mul3A_717 = arith.constant 3.125000e-02 : f32
        %mul3A_718 = vector.broadcast %mul3A_717 : f32 to vector<16xf32>
        %mul3A_719 = arith.mulf %scan3A_703#1, %mul3A_718 : vector<16xf32>
        %swap3A_720 = arith.index_cast %add3A_708 : i32 to index
        %swap3A_721 = arith.constant 16 : index
        %swap3A_722 = tpu.vector_load %arg8[%swap3A_720, %swap3A_721] {strides = array<i32>} : memref<608x128xf32, #tpu.memory_space<vmem>>, vector<1x16xf32>,
        %swap3A_723 = vector.shape_cast %swap3A_722 : vector<1x16xf32> to vector<16xf32>
        %swap3A_724 = vector.shape_cast %mul3A_719 : vector<16xf32> to vector<1x16xf32>
        tpu.vector_store %arg8[%swap3A_720, %swap3A_721], %swap3A_724 {strides = array<i32>} : memref<608x128xf32, #tpu.memory_space<vmem>>, vector<1x16xf32>,
        %mul3A_725 = arith.constant 3.125000e-02 : f32
        %mul3A_726 = vector.broadcast %mul3A_725 : f32 to vector<16xf32>
        %mul3A_727 = arith.mulf %scan3A_703#2, %mul3A_726 : vector<16xf32>
        %swap3A_728 = arith.index_cast %add3A_708 : i32 to index
        %swap3A_729 = arith.constant 32 : index
        %swap3A_730 = tpu.vector_load %arg8[%swap3A_728, %swap3A_729] {strides = array<i32>} : memref<608x128xf32, #tpu.memory_space<vmem>>, vector<1x16xf32>,
        %swap3A_731 = vector.shape_cast %swap3A_730 : vector<1x16xf32> to vector<16xf32>
        %swap3A_732 = vector.shape_cast %mul3A_727 : vector<16xf32> to vector<1x16xf32>
        tpu.vector_store %arg8[%swap3A_728, %swap3A_729], %swap3A_732 {strides = array<i32>} : memref<608x128xf32, #tpu.memory_space<vmem>>, vector<1x16xf32>,
        %mul3A_733 = arith.constant 3.125000e-02 : f32
        %mul3A_734 = vector.broadcast %mul3A_733 : f32 to vector<16xf32>
        %mul3A_735 = arith.mulf %scan3A_703#3, %mul3A_734 : vector<16xf32>
        %swap3A_736 = arith.index_cast %add3A_708 : i32 to index
        %swap3A_737 = arith.constant 48 : index
        %swap3A_738 = tpu.vector_load %arg8[%swap3A_736, %swap3A_737] {strides = array<i32>} : memref<608x128xf32, #tpu.memory_space<vmem>>, vector<1x16xf32>,
        %swap3A_739 = vector.shape_cast %swap3A_738 : vector<1x16xf32> to vector<16xf32>
        %swap3A_740 = vector.shape_cast %mul3A_735 : vector<16xf32> to vector<1x16xf32>
        tpu.vector_store %arg8[%swap3A_736, %swap3A_737], %swap3A_740 {strides = array<i32>} : memref<608x128xf32, #tpu.memory_space<vmem>>, vector<1x16xf32>,
        %mul3A_741 = arith.constant 3.125000e-02 : f32
        %mul3A_742 = vector.broadcast %mul3A_741 : f32 to vector<16xf32>
        %mul3A_743 = arith.mulf %scan3A_703#4, %mul3A_742 : vector<16xf32>
        %swap3A_744 = arith.index_cast %add3A_708 : i32 to index
        %swap3A_745 = arith.constant 64 : index
        %swap3A_746 = tpu.vector_load %arg8[%swap3A_744, %swap3A_745] {strides = array<i32>} : memref<608x128xf32, #tpu.memory_space<vmem>>, vector<1x16xf32>,
        %swap3A_747 = vector.shape_cast %swap3A_746 : vector<1x16xf32> to vector<16xf32>
        %swap3A_748 = vector.shape_cast %mul3A_743 : vector<16xf32> to vector<1x16xf32>
        tpu.vector_store %arg8[%swap3A_744, %swap3A_745], %swap3A_748 {strides = array<i32>} : memref<608x128xf32, #tpu.memory_space<vmem>>, vector<1x16xf32>,
        %mul3A_749 = arith.constant 3.125000e-02 : f32
        %mul3A_750 = vector.broadcast %mul3A_749 : f32 to vector<16xf32>
        %mul3A_751 = arith.mulf %scan3A_703#5, %mul3A_750 : vector<16xf32>
        %swap3A_752 = arith.index_cast %add3A_708 : i32 to index
        %swap3A_753 = arith.constant 80 : index
        %swap3A_754 = tpu.vector_load %arg8[%swap3A_752, %swap3A_753] {strides = array<i32>} : memref<608x128xf32, #tpu.memory_space<vmem>>, vector<1x16xf32>,
        %swap3A_755 = vector.shape_cast %swap3A_754 : vector<1x16xf32> to vector<16xf32>
        %swap3A_756 = vector.shape_cast %mul3A_751 : vector<16xf32> to vector<1x16xf32>
        tpu.vector_store %arg8[%swap3A_752, %swap3A_753], %swap3A_756 {strides = array<i32>} : memref<608x128xf32, #tpu.memory_space<vmem>>, vector<1x16xf32>,
        %mul3A_757 = arith.constant 3.125000e-02 : f32
        %mul3A_758 = vector.broadcast %mul3A_757 : f32 to vector<16xf32>
        %mul3A_759 = arith.mulf %scan3A_703#6, %mul3A_758 : vector<16xf32>
        %swap3A_760 = arith.index_cast %add3A_708 : i32 to index
        %swap3A_761 = arith.constant 96 : index
        %swap3A_762 = tpu.vector_load %arg8[%swap3A_760, %swap3A_761] {strides = array<i32>} : memref<608x128xf32, #tpu.memory_space<vmem>>, vector<1x16xf32>,
        %swap3A_763 = vector.shape_cast %swap3A_762 : vector<1x16xf32> to vector<16xf32>
        %swap3A_764 = vector.shape_cast %mul3A_759 : vector<16xf32> to vector<1x16xf32>
        tpu.vector_store %arg8[%swap3A_760, %swap3A_761], %swap3A_764 {strides = array<i32>} : memref<608x128xf32, #tpu.memory_space<vmem>>, vector<1x16xf32>,
        %mul3A_765 = arith.constant 3.125000e-02 : f32
        %mul3A_766 = vector.broadcast %mul3A_765 : f32 to vector<16xf32>
        %mul3A_767 = arith.mulf %scan3A_703#7, %mul3A_766 : vector<16xf32>
        %swap3A_768 = arith.index_cast %add3A_708 : i32 to index
        %swap3A_769 = arith.constant 112 : index
        %swap3A_770 = tpu.vector_load %arg8[%swap3A_768, %swap3A_769] {strides = array<i32>} : memref<608x128xf32, #tpu.memory_space<vmem>>, vector<1x16xf32>,
        %swap3A_771 = vector.shape_cast %swap3A_770 : vector<1x16xf32> to vector<16xf32>
        %swap3A_772 = vector.shape_cast %mul3A_767 : vector<16xf32> to vector<1x16xf32>
        tpu.vector_store %arg8[%swap3A_768, %swap3A_769], %swap3A_772 {strides = array<i32>} : memref<608x128xf32, #tpu.memory_space<vmem>>, vector<1x16xf32>,
        %add3A_773 = arith.constant 2 : i32
        %add3A_774 = arith.addi %add3A_405, %add3A_773 : i32
        %lt3A_775 = arith.constant 152 : i32
        %lt3A_776 = arith.cmpi slt, %add3A_774, %lt3A_775 : i32
        %convert_element_type3A_777 = arith.extui %lt3A_776 : i1 to i32
        %cond3A_778 = arith.constant 0 : i32
        %cond3A_779 = arith.cmpi ne, %convert_element_type3A_777, %cond3A_778 : i32
        scf.if %cond3A_779 {
          %add3A_780 = arith.constant 2 : i32
          %add3A_781 = arith.addi %add3A_405, %add3A_780 : i32
          %dma_start3A_782 = arith.constant 0 : i32
          %dma_start3A_783 = tpu.memref_slice %arg5[%add3A_781, %dma_start3A_782] : memref<152x128xi32, #tpu.memory_space<vmem>> -> memref<1x128xi32, #tpu.memory_space<vmem>>
          %dma_start3A_784 = tpu.memref_squeeze %dma_start3A_783 : memref<1x128xi32, #tpu.memory_space<vmem>> -> memref<128xi32, #tpu.memory_space<vmem>>
          %dma_start3A_785 = arith.constant 0 : i32
          %dma_start3A_786 = arith.constant 0 : i32
          %dma_start3A_787 = tpu.memref_slice %arg3[%dma_start3A_785, %dma_start3A_786] : memref<100000x128xf32, #tpu.memory_space<hbm>> -> memref<100000x128xf32, #tpu.memory_space<hbm>>
          tpu.enqueue_indirect_dma source(%dma_start3A_787 : memref<100000x128xf32, #tpu.memory_space<hbm>>) target(%arg7 : memref<128x128xf32, #tpu.memory_space<vmem>>) offsets(%dma_start3A_784 : memref<128xi32, #tpu.memory_space<vmem>>) semaphore(%arg10 : memref<!tpu.dma_semaphore, #tpu.memory_space<semaphore_mem>>)
        } else {
        }
      }
      %scan3A_27 = arith.constant 76 : i32
      "tpu.region"() ({
        %run_scoped3A = tpu.sem_alloc : memref<!tpu.dma_semaphore, #tpu.memory_space<semaphore_mem>>
        %dma_start3A_28 = arith.constant 0 : i32
        %dma_start3A_29 = arith.constant 0 : i32
        %dma_start3A_30 = tpu.memref_slice %arg8[%dma_start3A_28, %dma_start3A_29] : memref<608x128xf32, #tpu.memory_space<vmem>> -> memref<608x128xf32, #tpu.memory_space<vmem>>
        %dma_start3A_31 = arith.constant 0 : i32
        %dma_start3A_32 = tpu.memref_slice %arg4[%mul3A_7, %dma_start3A_31] : memref<10240x128xf32, #tpu.memory_space<hbm>> -> memref<608x128xf32, #tpu.memory_space<hbm>>
        %dma_start3A_33 = arith.constant 0 : i32
        %dma_start3A_34 = tpu.memref_slice %arg4[%mul3A_7, %dma_start3A_33] : memref<10240x128xf32, #tpu.memory_space<hbm>> -> memref<608x128xf32, #tpu.memory_space<hbm>>
        %dma_start3A_35 = arith.constant 0 : i32
        %dma_start3A_36 = arith.constant 0 : i32
        %dma_start3A_37 = tpu.memref_slice %arg8[%dma_start3A_35, %dma_start3A_36] : memref<608x128xf32, #tpu.memory_space<vmem>> -> memref<608x128xf32, #tpu.memory_space<vmem>>
        tpu.enqueue_dma source(%dma_start3A_37 : memref<608x128xf32, #tpu.memory_space<vmem>>) target(%dma_start3A_34 : memref<608x128xf32, #tpu.memory_space<hbm>>) target_semaphore(%run_scoped3A : memref<!tpu.dma_semaphore, #tpu.memory_space<semaphore_mem>>)
        %dma_wait3A = arith.constant 0 : i32
        %dma_wait3A_38 = arith.constant 0 : i32
        %dma_wait3A_39 = tpu.memref_slice %arg8[%dma_wait3A, %dma_wait3A_38] : memref<608x128xf32, #tpu.memory_space<vmem>> -> memref<608x128xf32, #tpu.memory_space<vmem>>
        %dma_wait3A_40 = arith.constant 0 : i32
        %dma_wait3A_41 = tpu.memref_slice %arg4[%mul3A_7, %dma_wait3A_40] : memref<10240x128xf32, #tpu.memory_space<hbm>> -> memref<608x128xf32, #tpu.memory_space<hbm>>
        %dma_wait3A_42 = arith.constant 0 : i32
        %dma_wait3A_43 = tpu.memref_slice %arg4[%mul3A_7, %dma_wait3A_42] : memref<10240x128xf32, #tpu.memory_space<hbm>> -> memref<608x128xf32, #tpu.memory_space<hbm>>
        %dma_wait3A_44 = arith.constant 0 : i32
        %dma_wait3A_45 = arith.constant 0 : i32
        %dma_wait3A_46 = tpu.memref_slice %arg8[%dma_wait3A_44, %dma_wait3A_45] : memref<608x128xf32, #tpu.memory_space<vmem>> -> memref<608x128xf32, #tpu.memory_space<vmem>>
        tpu.wait_dma2 semaphore(%run_scoped3A : memref<!tpu.dma_semaphore, #tpu.memory_space<semaphore_mem>>) src(%dma_wait3A_46 : memref<608x128xf32, #tpu.memory_space<vmem>>) dst(%dma_wait3A_43 : memref<608x128xf32, #tpu.memory_space<hbm>>)
        tpu.yield
      }) : () -> ()
    } else {
    }
    %eq3A_2 = arith.constant 1 : i32
    %eq3A_3 = arith.cmpi eq, %arg0, %eq3A_2 : i32
    %convert_element_type3A_4 = arith.extui %eq3A_3 : i1 to i32
    %cond3A_5 = arith.constant 0 : i32
    %cond3A_6 = arith.cmpi ne, %convert_element_type3A_4, %cond3A_5 : i32
    scf.if %cond3A_6 {
      %mul3A = arith.constant 32 : i32
      %mul3A_7 = arith.muli %arg1, %mul3A : i32
      %add3A = arith.constant 9728 : i32
      %add3A_8 = arith.addi %add3A, %mul3A_7 : i32
      %mul3A_9 = arith.constant 8 : i32
      %mul3A_10 = arith.muli %arg1, %mul3A_9 : i32
      %add3A_11 = arith.constant 2432 : i32
      %add3A_12 = arith.addi %add3A_11, %mul3A_10 : i32
      "tpu.region"() ({
        %run_scoped3A = tpu.sem_alloc : memref<!tpu.dma_semaphore, #tpu.memory_space<semaphore_mem>>
        %dma_start3A_31 = arith.constant 0 : i32
        %dma_start3A_32 = arith.constant 0 : i32
        %dma_start3A_33 = tpu.memref_slice %arg5[%dma_start3A_31, %dma_start3A_32] : memref<152x128xi32, #tpu.memory_space<vmem>> -> memref<8x128xi32, #tpu.memory_space<vmem>>
        %dma_start3A_34 = arith.constant 0 : i32
        %dma_start3A_35 = tpu.memref_slice %arg2[%add3A_12, %dma_start3A_34] : memref<2560x128xi32, #tpu.memory_space<hbm>> -> memref<8x128xi32, #tpu.memory_space<hbm>>
        %dma_start3A_36 = arith.constant 0 : i32
        %dma_start3A_37 = arith.constant 0 : i32
        %dma_start3A_38 = tpu.memref_slice %arg5[%dma_start3A_36, %dma_start3A_37] : memref<152x128xi32, #tpu.memory_space<vmem>> -> memref<8x128xi32, #tpu.memory_space<vmem>>
        %dma_start3A_39 = arith.constant 0 : i32
        %dma_start3A_40 = tpu.memref_slice %arg2[%add3A_12, %dma_start3A_39] : memref<2560x128xi32, #tpu.memory_space<hbm>> -> memref<8x128xi32, #tpu.memory_space<hbm>>
        tpu.enqueue_dma source(%dma_start3A_40 : memref<8x128xi32, #tpu.memory_space<hbm>>) target(%dma_start3A_38 : memref<8x128xi32, #tpu.memory_space<vmem>>) target_semaphore(%run_scoped3A : memref<!tpu.dma_semaphore, #tpu.memory_space<semaphore_mem>>)
        %dma_wait3A = arith.constant 0 : i32
        %dma_wait3A_41 = arith.constant 0 : i32
        %dma_wait3A_42 = tpu.memref_slice %arg5[%dma_wait3A, %dma_wait3A_41] : memref<152x128xi32, #tpu.memory_space<vmem>> -> memref<8x128xi32, #tpu.memory_space<vmem>>
        %dma_wait3A_43 = arith.constant 0 : i32
        %dma_wait3A_44 = tpu.memref_slice %arg2[%add3A_12, %dma_wait3A_43] : memref<2560x128xi32, #tpu.memory_space<hbm>> -> memref<8x128xi32, #tpu.memory_space<hbm>>
        %dma_wait3A_45 = arith.constant 0 : i32
        %dma_wait3A_46 = arith.constant 0 : i32
        %dma_wait3A_47 = tpu.memref_slice %arg5[%dma_wait3A_45, %dma_wait3A_46] : memref<152x128xi32, #tpu.memory_space<vmem>> -> memref<8x128xi32, #tpu.memory_space<vmem>>
        %dma_wait3A_48 = arith.constant 0 : i32
        %dma_wait3A_49 = tpu.memref_slice %arg2[%add3A_12, %dma_wait3A_48] : memref<2560x128xi32, #tpu.memory_space<hbm>> -> memref<8x128xi32, #tpu.memory_space<hbm>>
        tpu.wait_dma2 semaphore(%run_scoped3A : memref<!tpu.dma_semaphore, #tpu.memory_space<semaphore_mem>>) src(%dma_wait3A_49 : memref<8x128xi32, #tpu.memory_space<hbm>>) dst(%dma_wait3A_47 : memref<8x128xi32, #tpu.memory_space<vmem>>)
        tpu.yield
      }) : () -> ()
      %dma_start3A = arith.constant 0 : i32
      %dma_start3A_13 = arith.constant 0 : i32
      %dma_start3A_14 = tpu.memref_slice %arg5[%dma_start3A, %dma_start3A_13] : memref<152x128xi32, #tpu.memory_space<vmem>> -> memref<1x128xi32, #tpu.memory_space<vmem>>
      %dma_start3A_15 = tpu.memref_squeeze %dma_start3A_14 : memref<1x128xi32, #tpu.memory_space<vmem>> -> memref<128xi32, #tpu.memory_space<vmem>>
      %dma_start3A_16 = arith.constant 0 : i32
      %dma_start3A_17 = arith.constant 0 : i32
      %dma_start3A_18 = tpu.memref_slice %arg3[%dma_start3A_16, %dma_start3A_17] : memref<100000x128xf32, #tpu.memory_space<hbm>> -> memref<100000x128xf32, #tpu.memory_space<hbm>>
      tpu.enqueue_indirect_dma source(%dma_start3A_18 : memref<100000x128xf32, #tpu.memory_space<hbm>>) target(%arg6 : memref<128x128xf32, #tpu.memory_space<vmem>>) offsets(%dma_start3A_15 : memref<128xi32, #tpu.memory_space<vmem>>) semaphore(%arg9 : memref<!tpu.dma_semaphore, #tpu.memory_space<semaphore_mem>>)
      %dma_start3A_19 = arith.constant 1 : i32
      %dma_start3A_20 = arith.constant 0 : i32
      %dma_start3A_21 = tpu.memref_slice %arg5[%dma_start3A_19, %dma_start3A_20] : memref<152x128xi32, #tpu.memory_space<vmem>> -> memref<1x128xi32, #tpu.memory_space<vmem>>
      %dma_start3A_22 = tpu.memref_squeeze %dma_start3A_21 : memref<1x128xi32, #tpu.memory_space<vmem>> -> memref<128xi32, #tpu.memory_space<vmem>>
      %dma_start3A_23 = arith.constant 0 : i32
      %dma_start3A_24 = arith.constant 0 : i32
      %dma_start3A_25 = tpu.memref_slice %arg3[%dma_start3A_23, %dma_start3A_24] : memref<100000x128xf32, #tpu.memory_space<hbm>> -> memref<100000x128xf32, #tpu.memory_space<hbm>>
      tpu.enqueue_indirect_dma source(%dma_start3A_25 : memref<100000x128xf32, #tpu.memory_space<hbm>>) target(%arg7 : memref<128x128xf32, #tpu.memory_space<vmem>>) offsets(%dma_start3A_22 : memref<128xi32, #tpu.memory_space<vmem>>) semaphore(%arg10 : memref<!tpu.dma_semaphore, #tpu.memory_space<semaphore_mem>>)
      %scan3A = arith.constant 0 : i32
      %scan3A_26 = arith.constant 0 : i32
      %scan3A_27 = arith.constant 4 : i32
      %scan3A_28 = arith.addi %scan3A_26, %scan3A_27 : i32
      %scan3A_29 = arith.constant 1 : i32
      scf.for %scan3A_31 = %scan3A_26 to %scan3A_28 step %scan3A_29  : i32 {
        %mul3A_32 = arith.constant 2 : i32
        %mul3A_33 = arith.muli %scan3A_31, %mul3A_32 : i32
        %add3A_34 = arith.constant 0 : i32
        %add3A_35 = arith.addi %mul3A_33, %add3A_34 : i32
        %dma_wait3A = arith.constant 0 : i32
        %dma_wait3A_36 = arith.constant 0 : i32
        %dma_wait3A_37 = tpu.memref_slice %arg5[%dma_wait3A, %dma_wait3A_36] : memref<152x128xi32, #tpu.memory_space<vmem>> -> memref<1x128xi32, #tpu.memory_space<vmem>>
        %dma_wait3A_38 = tpu.memref_squeeze %dma_wait3A_37 : memref<1x128xi32, #tpu.memory_space<vmem>> -> memref<128xi32, #tpu.memory_space<vmem>>
        %dma_wait3A_39 = arith.constant 0 : i32
        %dma_wait3A_40 = arith.constant 0 : i32
        %dma_wait3A_41 = tpu.memref_slice %arg3[%dma_wait3A_39, %dma_wait3A_40] : memref<100000x128xf32, #tpu.memory_space<hbm>> -> memref<100000x128xf32, #tpu.memory_space<hbm>>
        tpu.wait_indirect_dma semaphore(%arg9 : memref<!tpu.dma_semaphore, #tpu.memory_space<semaphore_mem>>) src(%dma_wait3A_41 : memref<100000x128xf32, #tpu.memory_space<hbm>>) dst(%arg6 : memref<128x128xf32, #tpu.memory_space<vmem>>)
        %broadcast_in_dim3A = arith.constant 0.000000e+00 : f32
        %broadcast_in_dim3A_42 = vector.broadcast %broadcast_in_dim3A : f32 to vector<16xf32>
        %broadcast_in_dim3A_43 = arith.constant 0.000000e+00 : f32
        %broadcast_in_dim3A_44 = vector.broadcast %broadcast_in_dim3A_43 : f32 to vector<16xf32>
        %broadcast_in_dim3A_45 = arith.constant 0.000000e+00 : f32
        %broadcast_in_dim3A_46 = vector.broadcast %broadcast_in_dim3A_45 : f32 to vector<16xf32>
        %broadcast_in_dim3A_47 = arith.constant 0.000000e+00 : f32
        %broadcast_in_dim3A_48 = vector.broadcast %broadcast_in_dim3A_47 : f32 to vector<16xf32>
        %broadcast_in_dim3A_49 = arith.constant 0.000000e+00 : f32
        %broadcast_in_dim3A_50 = vector.broadcast %broadcast_in_dim3A_49 : f32 to vector<16xf32>
        %broadcast_in_dim3A_51 = arith.constant 0.000000e+00 : f32
        %broadcast_in_dim3A_52 = vector.broadcast %broadcast_in_dim3A_51 : f32 to vector<16xf32>
        %broadcast_in_dim3A_53 = arith.constant 0.000000e+00 : f32
        %broadcast_in_dim3A_54 = vector.broadcast %broadcast_in_dim3A_53 : f32 to vector<16xf32>
        %broadcast_in_dim3A_55 = arith.constant 0.000000e+00 : f32
        %broadcast_in_dim3A_56 = vector.broadcast %broadcast_in_dim3A_55 : f32 to vector<16xf32>
        %scan3A_57 = arith.constant 0 : i32
        %scan3A_58 = arith.constant 32 : i32
        %scan3A_59 = arith.addi %scan3A_57, %scan3A_58 : i32
        %scan3A_60 = arith.constant 1 : i32
        %scan3A_61:8 = scf.for %scan3A_784 = %scan3A_57 to %scan3A_59 step %scan3A_60 iter_args(%scan3A_785 = %broadcast_in_dim3A_42, %scan3A_786 = %broadcast_in_dim3A_44, %scan3A_787 = %broadcast_in_dim3A_46, %scan3A_788 = %broadcast_in_dim3A_48, %scan3A_789 = %broadcast_in_dim3A_50, %scan3A_790 = %broadcast_in_dim3A_52, %scan3A_791 = %broadcast_in_dim3A_54, %scan3A_792 = %broadcast_in_dim3A_56) -> (vector<16xf32>, vector<16xf32>, vector<16xf32>, vector<16xf32>, vector<16xf32>, vector<16xf32>, vector<16xf32>, vector<16xf32>)  : i32 {
          %add3A_793 = arith.constant 0 : i32
          %add3A_794 = arith.addi %add3A_793, %scan3A_784 : i32
          %get3A = arith.index_cast %add3A_794 : i32 to index
          %get3A_795 = arith.constant 0 : index
          %get3A_796 = tpu.vector_load %arg6[%get3A, %get3A_795] {strides = array<i32>} : memref<128x128xf32, #tpu.memory_space<vmem>>, vector<1x16xf32>,
          %get3A_797 = vector.shape_cast %get3A_796 : vector<1x16xf32> to vector<16xf32>
          %add3A_798 = arith.addf %scan3A_785, %get3A_797 : vector<16xf32>
          %get3A_799 = arith.index_cast %add3A_794 : i32 to index
          %get3A_800 = arith.constant 16 : index
          %get3A_801 = tpu.vector_load %arg6[%get3A_799, %get3A_800] {strides = array<i32>} : memref<128x128xf32, #tpu.memory_space<vmem>>, vector<1x16xf32>,
          %get3A_802 = vector.shape_cast %get3A_801 : vector<1x16xf32> to vector<16xf32>
          %add3A_803 = arith.addf %scan3A_786, %get3A_802 : vector<16xf32>
          %get3A_804 = arith.index_cast %add3A_794 : i32 to index
          %get3A_805 = arith.constant 32 : index
          %get3A_806 = tpu.vector_load %arg6[%get3A_804, %get3A_805] {strides = array<i32>} : memref<128x128xf32, #tpu.memory_space<vmem>>, vector<1x16xf32>,
          %get3A_807 = vector.shape_cast %get3A_806 : vector<1x16xf32> to vector<16xf32>
          %add3A_808 = arith.addf %scan3A_787, %get3A_807 : vector<16xf32>
          %get3A_809 = arith.index_cast %add3A_794 : i32 to index
          %get3A_810 = arith.constant 48 : index
          %get3A_811 = tpu.vector_load %arg6[%get3A_809, %get3A_810] {strides = array<i32>} : memref<128x128xf32, #tpu.memory_space<vmem>>, vector<1x16xf32>,
          %get3A_812 = vector.shape_cast %get3A_811 : vector<1x16xf32> to vector<16xf32>
          %add3A_813 = arith.addf %scan3A_788, %get3A_812 : vector<16xf32>
          %get3A_814 = arith.index_cast %add3A_794 : i32 to index
          %get3A_815 = arith.constant 64 : index
          %get3A_816 = tpu.vector_load %arg6[%get3A_814, %get3A_815] {strides = array<i32>} : memref<128x128xf32, #tpu.memory_space<vmem>>, vector<1x16xf32>,
          %get3A_817 = vector.shape_cast %get3A_816 : vector<1x16xf32> to vector<16xf32>
          %add3A_818 = arith.addf %scan3A_789, %get3A_817 : vector<16xf32>
          %get3A_819 = arith.index_cast %add3A_794 : i32 to index
          %get3A_820 = arith.constant 80 : index
          %get3A_821 = tpu.vector_load %arg6[%get3A_819, %get3A_820] {strides = array<i32>} : memref<128x128xf32, #tpu.memory_space<vmem>>, vector<1x16xf32>,
          %get3A_822 = vector.shape_cast %get3A_821 : vector<1x16xf32> to vector<16xf32>
          %add3A_823 = arith.addf %scan3A_790, %get3A_822 : vector<16xf32>
          %get3A_824 = arith.index_cast %add3A_794 : i32 to index
          %get3A_825 = arith.constant 96 : index
          %get3A_826 = tpu.vector_load %arg6[%get3A_824, %get3A_825] {strides = array<i32>} : memref<128x128xf32, #tpu.memory_space<vmem>>, vector<1x16xf32>,
          %get3A_827 = vector.shape_cast %get3A_826 : vector<1x16xf32> to vector<16xf32>
          %add3A_828 = arith.addf %scan3A_791, %get3A_827 : vector<16xf32>
          %get3A_829 = arith.index_cast %add3A_794 : i32 to index
          %get3A_830 = arith.constant 112 : index
          %get3A_831 = tpu.vector_load %arg6[%get3A_829, %get3A_830] {strides = array<i32>} : memref<128x128xf32, #tpu.memory_space<vmem>>, vector<1x16xf32>,
          %get3A_832 = vector.shape_cast %get3A_831 : vector<1x16xf32> to vector<16xf32>
          %add3A_833 = arith.addf %scan3A_792, %get3A_832 : vector<16xf32>
          scf.yield %add3A_798, %add3A_803, %add3A_808, %add3A_813, %add3A_818, %add3A_823, %add3A_828, %add3A_833 : vector<16xf32>, vector<16xf32>, vector<16xf32>, vector<16xf32>, vector<16xf32>, vector<16xf32>, vector<16xf32>, vector<16xf32>
        }
        %scan3A_62 = arith.constant 32 : i32
        %mul3A_63 = arith.constant 4 : i32
        %mul3A_64 = arith.muli %add3A_35, %mul3A_63 : i32
        %add3A_65 = arith.constant 0 : i32
        %add3A_66 = arith.addi %mul3A_64, %add3A_65 : i32
        %mul3A_67 = arith.constant 3.125000e-02 : f32
        %mul3A_68 = vector.broadcast %mul3A_67 : f32 to vector<16xf32>
        %mul3A_69 = arith.mulf %scan3A_61#0, %mul3A_68 : vector<16xf32>
        %swap3A = arith.index_cast %add3A_66 : i32 to index
        %swap3A_70 = arith.constant 0 : index
        %swap3A_71 = tpu.vector_load %arg8[%swap3A, %swap3A_70] {strides = array<i32>} : memref<608x128xf32, #tpu.memory_space<vmem>>, vector<1x16xf32>,
        %swap3A_72 = vector.shape_cast %swap3A_71 : vector<1x16xf32> to vector<16xf32>
        %swap3A_73 = vector.shape_cast %mul3A_69 : vector<16xf32> to vector<1x16xf32>
        tpu.vector_store %arg8[%swap3A, %swap3A_70], %swap3A_73 {strides = array<i32>} : memref<608x128xf32, #tpu.memory_space<vmem>>, vector<1x16xf32>,
        %mul3A_74 = arith.constant 3.125000e-02 : f32
        %mul3A_75 = vector.broadcast %mul3A_74 : f32 to vector<16xf32>
        %mul3A_76 = arith.mulf %scan3A_61#1, %mul3A_75 : vector<16xf32>
        %swap3A_77 = arith.index_cast %add3A_66 : i32 to index
        %swap3A_78 = arith.constant 16 : index
        %swap3A_79 = tpu.vector_load %arg8[%swap3A_77, %swap3A_78] {strides = array<i32>} : memref<608x128xf32, #tpu.memory_space<vmem>>, vector<1x16xf32>,
        %swap3A_80 = vector.shape_cast %swap3A_79 : vector<1x16xf32> to vector<16xf32>
        %swap3A_81 = vector.shape_cast %mul3A_76 : vector<16xf32> to vector<1x16xf32>
        tpu.vector_store %arg8[%swap3A_77, %swap3A_78], %swap3A_81 {strides = array<i32>} : memref<608x128xf32, #tpu.memory_space<vmem>>, vector<1x16xf32>,
        %mul3A_82 = arith.constant 3.125000e-02 : f32
        %mul3A_83 = vector.broadcast %mul3A_82 : f32 to vector<16xf32>
        %mul3A_84 = arith.mulf %scan3A_61#2, %mul3A_83 : vector<16xf32>
        %swap3A_85 = arith.index_cast %add3A_66 : i32 to index
        %swap3A_86 = arith.constant 32 : index
        %swap3A_87 = tpu.vector_load %arg8[%swap3A_85, %swap3A_86] {strides = array<i32>} : memref<608x128xf32, #tpu.memory_space<vmem>>, vector<1x16xf32>,
        %swap3A_88 = vector.shape_cast %swap3A_87 : vector<1x16xf32> to vector<16xf32>
        %swap3A_89 = vector.shape_cast %mul3A_84 : vector<16xf32> to vector<1x16xf32>
        tpu.vector_store %arg8[%swap3A_85, %swap3A_86], %swap3A_89 {strides = array<i32>} : memref<608x128xf32, #tpu.memory_space<vmem>>, vector<1x16xf32>,
        %mul3A_90 = arith.constant 3.125000e-02 : f32
        %mul3A_91 = vector.broadcast %mul3A_90 : f32 to vector<16xf32>
        %mul3A_92 = arith.mulf %scan3A_61#3, %mul3A_91 : vector<16xf32>
        %swap3A_93 = arith.index_cast %add3A_66 : i32 to index
        %swap3A_94 = arith.constant 48 : index
        %swap3A_95 = tpu.vector_load %arg8[%swap3A_93, %swap3A_94] {strides = array<i32>} : memref<608x128xf32, #tpu.memory_space<vmem>>, vector<1x16xf32>,
        %swap3A_96 = vector.shape_cast %swap3A_95 : vector<1x16xf32> to vector<16xf32>
        %swap3A_97 = vector.shape_cast %mul3A_92 : vector<16xf32> to vector<1x16xf32>
        tpu.vector_store %arg8[%swap3A_93, %swap3A_94], %swap3A_97 {strides = array<i32>} : memref<608x128xf32, #tpu.memory_space<vmem>>, vector<1x16xf32>,
        %mul3A_98 = arith.constant 3.125000e-02 : f32
        %mul3A_99 = vector.broadcast %mul3A_98 : f32 to vector<16xf32>
        %mul3A_100 = arith.mulf %scan3A_61#4, %mul3A_99 : vector<16xf32>
        %swap3A_101 = arith.index_cast %add3A_66 : i32 to index
        %swap3A_102 = arith.constant 64 : index
        %swap3A_103 = tpu.vector_load %arg8[%swap3A_101, %swap3A_102] {strides = array<i32>} : memref<608x128xf32, #tpu.memory_space<vmem>>, vector<1x16xf32>,
        %swap3A_104 = vector.shape_cast %swap3A_103 : vector<1x16xf32> to vector<16xf32>
        %swap3A_105 = vector.shape_cast %mul3A_100 : vector<16xf32> to vector<1x16xf32>
        tpu.vector_store %arg8[%swap3A_101, %swap3A_102], %swap3A_105 {strides = array<i32>} : memref<608x128xf32, #tpu.memory_space<vmem>>, vector<1x16xf32>,
        %mul3A_106 = arith.constant 3.125000e-02 : f32
        %mul3A_107 = vector.broadcast %mul3A_106 : f32 to vector<16xf32>
        %mul3A_108 = arith.mulf %scan3A_61#5, %mul3A_107 : vector<16xf32>
        %swap3A_109 = arith.index_cast %add3A_66 : i32 to index
        %swap3A_110 = arith.constant 80 : index
        %swap3A_111 = tpu.vector_load %arg8[%swap3A_109, %swap3A_110] {strides = array<i32>} : memref<608x128xf32, #tpu.memory_space<vmem>>, vector<1x16xf32>,
        %swap3A_112 = vector.shape_cast %swap3A_111 : vector<1x16xf32> to vector<16xf32>
        %swap3A_113 = vector.shape_cast %mul3A_108 : vector<16xf32> to vector<1x16xf32>
        tpu.vector_store %arg8[%swap3A_109, %swap3A_110], %swap3A_113 {strides = array<i32>} : memref<608x128xf32, #tpu.memory_space<vmem>>, vector<1x16xf32>,
        %mul3A_114 = arith.constant 3.125000e-02 : f32
        %mul3A_115 = vector.broadcast %mul3A_114 : f32 to vector<16xf32>
        %mul3A_116 = arith.mulf %scan3A_61#6, %mul3A_115 : vector<16xf32>
        %swap3A_117 = arith.index_cast %add3A_66 : i32 to index
        %swap3A_118 = arith.constant 96 : index
        %swap3A_119 = tpu.vector_load %arg8[%swap3A_117, %swap3A_118] {strides = array<i32>} : memref<608x128xf32, #tpu.memory_space<vmem>>, vector<1x16xf32>,
        %swap3A_120 = vector.shape_cast %swap3A_119 : vector<1x16xf32> to vector<16xf32>
        %swap3A_121 = vector.shape_cast %mul3A_116 : vector<16xf32> to vector<1x16xf32>
        tpu.vector_store %arg8[%swap3A_117, %swap3A_118], %swap3A_121 {strides = array<i32>} : memref<608x128xf32, #tpu.memory_space<vmem>>, vector<1x16xf32>,
        %mul3A_122 = arith.constant 3.125000e-02 : f32
        %mul3A_123 = vector.broadcast %mul3A_122 : f32 to vector<16xf32>
        %mul3A_124 = arith.mulf %scan3A_61#7, %mul3A_123 : vector<16xf32>
        %swap3A_125 = arith.index_cast %add3A_66 : i32 to index
        %swap3A_126 = arith.constant 112 : index
        %swap3A_127 = tpu.vector_load %arg8[%swap3A_125, %swap3A_126] {strides = array<i32>} : memref<608x128xf32, #tpu.memory_space<vmem>>, vector<1x16xf32>,
        %swap3A_128 = vector.shape_cast %swap3A_127 : vector<1x16xf32> to vector<16xf32>
        %swap3A_129 = vector.shape_cast %mul3A_124 : vector<16xf32> to vector<1x16xf32>
        tpu.vector_store %arg8[%swap3A_125, %swap3A_126], %swap3A_129 {strides = array<i32>} : memref<608x128xf32, #tpu.memory_space<vmem>>, vector<1x16xf32>,
        %broadcast_in_dim3A_130 = arith.constant 0.000000e+00 : f32
        %broadcast_in_dim3A_131 = vector.broadcast %broadcast_in_dim3A_130 : f32 to vector<16xf32>
        %broadcast_in_dim3A_132 = arith.constant 0.000000e+00 : f32
        %broadcast_in_dim3A_133 = vector.broadcast %broadcast_in_dim3A_132 : f32 to vector<16xf32>
        %broadcast_in_dim3A_134 = arith.constant 0.000000e+00 : f32
        %broadcast_in_dim3A_135 = vector.broadcast %broadcast_in_dim3A_134 : f32 to vector<16xf32>
        %broadcast_in_dim3A_136 = arith.constant 0.000000e+00 : f32
        %broadcast_in_dim3A_137 = vector.broadcast %broadcast_in_dim3A_136 : f32 to vector<16xf32>
        %broadcast_in_dim3A_138 = arith.constant 0.000000e+00 : f32
        %broadcast_in_dim3A_139 = vector.broadcast %broadcast_in_dim3A_138 : f32 to vector<16xf32>
        %broadcast_in_dim3A_140 = arith.constant 0.000000e+00 : f32
        %broadcast_in_dim3A_141 = vector.broadcast %broadcast_in_dim3A_140 : f32 to vector<16xf32>
        %broadcast_in_dim3A_142 = arith.constant 0.000000e+00 : f32
        %broadcast_in_dim3A_143 = vector.broadcast %broadcast_in_dim3A_142 : f32 to vector<16xf32>
        %broadcast_in_dim3A_144 = arith.constant 0.000000e+00 : f32
        %broadcast_in_dim3A_145 = vector.broadcast %broadcast_in_dim3A_144 : f32 to vector<16xf32>
        %scan3A_146 = arith.constant 0 : i32
        %scan3A_147 = arith.constant 32 : i32
        %scan3A_148 = arith.addi %scan3A_146, %scan3A_147 : i32
        %scan3A_149 = arith.constant 1 : i32
        %scan3A_150:8 = scf.for %scan3A_784 = %scan3A_146 to %scan3A_148 step %scan3A_149 iter_args(%scan3A_785 = %broadcast_in_dim3A_131, %scan3A_786 = %broadcast_in_dim3A_133, %scan3A_787 = %broadcast_in_dim3A_135, %scan3A_788 = %broadcast_in_dim3A_137, %scan3A_789 = %broadcast_in_dim3A_139, %scan3A_790 = %broadcast_in_dim3A_141, %scan3A_791 = %broadcast_in_dim3A_143, %scan3A_792 = %broadcast_in_dim3A_145) -> (vector<16xf32>, vector<16xf32>, vector<16xf32>, vector<16xf32>, vector<16xf32>, vector<16xf32>, vector<16xf32>, vector<16xf32>)  : i32 {
          %add3A_793 = arith.constant 32 : i32
          %add3A_794 = arith.addi %add3A_793, %scan3A_784 : i32
          %get3A = arith.index_cast %add3A_794 : i32 to index
          %get3A_795 = arith.constant 0 : index
          %get3A_796 = tpu.vector_load %arg6[%get3A, %get3A_795] {strides = array<i32>} : memref<128x128xf32, #tpu.memory_space<vmem>>, vector<1x16xf32>,
          %get3A_797 = vector.shape_cast %get3A_796 : vector<1x16xf32> to vector<16xf32>
          %add3A_798 = arith.addf %scan3A_785, %get3A_797 : vector<16xf32>
          %get3A_799 = arith.index_cast %add3A_794 : i32 to index
          %get3A_800 = arith.constant 16 : index
          %get3A_801 = tpu.vector_load %arg6[%get3A_799, %get3A_800] {strides = array<i32>} : memref<128x128xf32, #tpu.memory_space<vmem>>, vector<1x16xf32>,
          %get3A_802 = vector.shape_cast %get3A_801 : vector<1x16xf32> to vector<16xf32>
          %add3A_803 = arith.addf %scan3A_786, %get3A_802 : vector<16xf32>
          %get3A_804 = arith.index_cast %add3A_794 : i32 to index
          %get3A_805 = arith.constant 32 : index
          %get3A_806 = tpu.vector_load %arg6[%get3A_804, %get3A_805] {strides = array<i32>} : memref<128x128xf32, #tpu.memory_space<vmem>>, vector<1x16xf32>,
          %get3A_807 = vector.shape_cast %get3A_806 : vector<1x16xf32> to vector<16xf32>
          %add3A_808 = arith.addf %scan3A_787, %get3A_807 : vector<16xf32>
          %get3A_809 = arith.index_cast %add3A_794 : i32 to index
          %get3A_810 = arith.constant 48 : index
          %get3A_811 = tpu.vector_load %arg6[%get3A_809, %get3A_810] {strides = array<i32>} : memref<128x128xf32, #tpu.memory_space<vmem>>, vector<1x16xf32>,
          %get3A_812 = vector.shape_cast %get3A_811 : vector<1x16xf32> to vector<16xf32>
          %add3A_813 = arith.addf %scan3A_788, %get3A_812 : vector<16xf32>
          %get3A_814 = arith.index_cast %add3A_794 : i32 to index
          %get3A_815 = arith.constant 64 : index
          %get3A_816 = tpu.vector_load %arg6[%get3A_814, %get3A_815] {strides = array<i32>} : memref<128x128xf32, #tpu.memory_space<vmem>>, vector<1x16xf32>,
          %get3A_817 = vector.shape_cast %get3A_816 : vector<1x16xf32> to vector<16xf32>
          %add3A_818 = arith.addf %scan3A_789, %get3A_817 : vector<16xf32>
          %get3A_819 = arith.index_cast %add3A_794 : i32 to index
          %get3A_820 = arith.constant 80 : index
          %get3A_821 = tpu.vector_load %arg6[%get3A_819, %get3A_820] {strides = array<i32>} : memref<128x128xf32, #tpu.memory_space<vmem>>, vector<1x16xf32>,
          %get3A_822 = vector.shape_cast %get3A_821 : vector<1x16xf32> to vector<16xf32>
          %add3A_823 = arith.addf %scan3A_790, %get3A_822 : vector<16xf32>
          %get3A_824 = arith.index_cast %add3A_794 : i32 to index
          %get3A_825 = arith.constant 96 : index
          %get3A_826 = tpu.vector_load %arg6[%get3A_824, %get3A_825] {strides = array<i32>} : memref<128x128xf32, #tpu.memory_space<vmem>>, vector<1x16xf32>,
          %get3A_827 = vector.shape_cast %get3A_826 : vector<1x16xf32> to vector<16xf32>
          %add3A_828 = arith.addf %scan3A_791, %get3A_827 : vector<16xf32>
          %get3A_829 = arith.index_cast %add3A_794 : i32 to index
          %get3A_830 = arith.constant 112 : index
          %get3A_831 = tpu.vector_load %arg6[%get3A_829, %get3A_830] {strides = array<i32>} : memref<128x128xf32, #tpu.memory_space<vmem>>, vector<1x16xf32>,
          %get3A_832 = vector.shape_cast %get3A_831 : vector<1x16xf32> to vector<16xf32>
          %add3A_833 = arith.addf %scan3A_792, %get3A_832 : vector<16xf32>
          scf.yield %add3A_798, %add3A_803, %add3A_808, %add3A_813, %add3A_818, %add3A_823, %add3A_828, %add3A_833 : vector<16xf32>, vector<16xf32>, vector<16xf32>, vector<16xf32>, vector<16xf32>, vector<16xf32>, vector<16xf32>, vector<16xf32>
        }
        %scan3A_151 = arith.constant 32 : i32
        %mul3A_152 = arith.constant 4 : i32
        %mul3A_153 = arith.muli %add3A_35, %mul3A_152 : i32
        %add3A_154 = arith.constant 1 : i32
        %add3A_155 = arith.addi %mul3A_153, %add3A_154 : i32
        %mul3A_156 = arith.constant 3.125000e-02 : f32
        %mul3A_157 = vector.broadcast %mul3A_156 : f32 to vector<16xf32>
        %mul3A_158 = arith.mulf %scan3A_150#0, %mul3A_157 : vector<16xf32>
        %swap3A_159 = arith.index_cast %add3A_155 : i32 to index
        %swap3A_160 = arith.constant 0 : index
        %swap3A_161 = tpu.vector_load %arg8[%swap3A_159, %swap3A_160] {strides = array<i32>} : memref<608x128xf32, #tpu.memory_space<vmem>>, vector<1x16xf32>,
        %swap3A_162 = vector.shape_cast %swap3A_161 : vector<1x16xf32> to vector<16xf32>
        %swap3A_163 = vector.shape_cast %mul3A_158 : vector<16xf32> to vector<1x16xf32>
        tpu.vector_store %arg8[%swap3A_159, %swap3A_160], %swap3A_163 {strides = array<i32>} : memref<608x128xf32, #tpu.memory_space<vmem>>, vector<1x16xf32>,
        %mul3A_164 = arith.constant 3.125000e-02 : f32
        %mul3A_165 = vector.broadcast %mul3A_164 : f32 to vector<16xf32>
        %mul3A_166 = arith.mulf %scan3A_150#1, %mul3A_165 : vector<16xf32>
        %swap3A_167 = arith.index_cast %add3A_155 : i32 to index
        %swap3A_168 = arith.constant 16 : index
        %swap3A_169 = tpu.vector_load %arg8[%swap3A_167, %swap3A_168] {strides = array<i32>} : memref<608x128xf32, #tpu.memory_space<vmem>>, vector<1x16xf32>,
        %swap3A_170 = vector.shape_cast %swap3A_169 : vector<1x16xf32> to vector<16xf32>
        %swap3A_171 = vector.shape_cast %mul3A_166 : vector<16xf32> to vector<1x16xf32>
        tpu.vector_store %arg8[%swap3A_167, %swap3A_168], %swap3A_171 {strides = array<i32>} : memref<608x128xf32, #tpu.memory_space<vmem>>, vector<1x16xf32>,
        %mul3A_172 = arith.constant 3.125000e-02 : f32
        %mul3A_173 = vector.broadcast %mul3A_172 : f32 to vector<16xf32>
        %mul3A_174 = arith.mulf %scan3A_150#2, %mul3A_173 : vector<16xf32>
        %swap3A_175 = arith.index_cast %add3A_155 : i32 to index
        %swap3A_176 = arith.constant 32 : index
        %swap3A_177 = tpu.vector_load %arg8[%swap3A_175, %swap3A_176] {strides = array<i32>} : memref<608x128xf32, #tpu.memory_space<vmem>>, vector<1x16xf32>,
        %swap3A_178 = vector.shape_cast %swap3A_177 : vector<1x16xf32> to vector<16xf32>
        %swap3A_179 = vector.shape_cast %mul3A_174 : vector<16xf32> to vector<1x16xf32>
        tpu.vector_store %arg8[%swap3A_175, %swap3A_176], %swap3A_179 {strides = array<i32>} : memref<608x128xf32, #tpu.memory_space<vmem>>, vector<1x16xf32>,
        %mul3A_180 = arith.constant 3.125000e-02 : f32
        %mul3A_181 = vector.broadcast %mul3A_180 : f32 to vector<16xf32>
        %mul3A_182 = arith.mulf %scan3A_150#3, %mul3A_181 : vector<16xf32>
        %swap3A_183 = arith.index_cast %add3A_155 : i32 to index
        %swap3A_184 = arith.constant 48 : index
        %swap3A_185 = tpu.vector_load %arg8[%swap3A_183, %swap3A_184] {strides = array<i32>} : memref<608x128xf32, #tpu.memory_space<vmem>>, vector<1x16xf32>,
        %swap3A_186 = vector.shape_cast %swap3A_185 : vector<1x16xf32> to vector<16xf32>
        %swap3A_187 = vector.shape_cast %mul3A_182 : vector<16xf32> to vector<1x16xf32>
        tpu.vector_store %arg8[%swap3A_183, %swap3A_184], %swap3A_187 {strides = array<i32>} : memref<608x128xf32, #tpu.memory_space<vmem>>, vector<1x16xf32>,
        %mul3A_188 = arith.constant 3.125000e-02 : f32
        %mul3A_189 = vector.broadcast %mul3A_188 : f32 to vector<16xf32>
        %mul3A_190 = arith.mulf %scan3A_150#4, %mul3A_189 : vector<16xf32>
        %swap3A_191 = arith.index_cast %add3A_155 : i32 to index
        %swap3A_192 = arith.constant 64 : index
        %swap3A_193 = tpu.vector_load %arg8[%swap3A_191, %swap3A_192] {strides = array<i32>} : memref<608x128xf32, #tpu.memory_space<vmem>>, vector<1x16xf32>,
        %swap3A_194 = vector.shape_cast %swap3A_193 : vector<1x16xf32> to vector<16xf32>
        %swap3A_195 = vector.shape_cast %mul3A_190 : vector<16xf32> to vector<1x16xf32>
        tpu.vector_store %arg8[%swap3A_191, %swap3A_192], %swap3A_195 {strides = array<i32>} : memref<608x128xf32, #tpu.memory_space<vmem>>, vector<1x16xf32>,
        %mul3A_196 = arith.constant 3.125000e-02 : f32
        %mul3A_197 = vector.broadcast %mul3A_196 : f32 to vector<16xf32>
        %mul3A_198 = arith.mulf %scan3A_150#5, %mul3A_197 : vector<16xf32>
        %swap3A_199 = arith.index_cast %add3A_155 : i32 to index
        %swap3A_200 = arith.constant 80 : index
        %swap3A_201 = tpu.vector_load %arg8[%swap3A_199, %swap3A_200] {strides = array<i32>} : memref<608x128xf32, #tpu.memory_space<vmem>>, vector<1x16xf32>,
        %swap3A_202 = vector.shape_cast %swap3A_201 : vector<1x16xf32> to vector<16xf32>
        %swap3A_203 = vector.shape_cast %mul3A_198 : vector<16xf32> to vector<1x16xf32>
        tpu.vector_store %arg8[%swap3A_199, %swap3A_200], %swap3A_203 {strides = array<i32>} : memref<608x128xf32, #tpu.memory_space<vmem>>, vector<1x16xf32>,
        %mul3A_204 = arith.constant 3.125000e-02 : f32
        %mul3A_205 = vector.broadcast %mul3A_204 : f32 to vector<16xf32>
        %mul3A_206 = arith.mulf %scan3A_150#6, %mul3A_205 : vector<16xf32>
        %swap3A_207 = arith.index_cast %add3A_155 : i32 to index
        %swap3A_208 = arith.constant 96 : index
        %swap3A_209 = tpu.vector_load %arg8[%swap3A_207, %swap3A_208] {strides = array<i32>} : memref<608x128xf32, #tpu.memory_space<vmem>>, vector<1x16xf32>,
        %swap3A_210 = vector.shape_cast %swap3A_209 : vector<1x16xf32> to vector<16xf32>
        %swap3A_211 = vector.shape_cast %mul3A_206 : vector<16xf32> to vector<1x16xf32>
        tpu.vector_store %arg8[%swap3A_207, %swap3A_208], %swap3A_211 {strides = array<i32>} : memref<608x128xf32, #tpu.memory_space<vmem>>, vector<1x16xf32>,
        %mul3A_212 = arith.constant 3.125000e-02 : f32
        %mul3A_213 = vector.broadcast %mul3A_212 : f32 to vector<16xf32>
        %mul3A_214 = arith.mulf %scan3A_150#7, %mul3A_213 : vector<16xf32>
        %swap3A_215 = arith.index_cast %add3A_155 : i32 to index
        %swap3A_216 = arith.constant 112 : index
        %swap3A_217 = tpu.vector_load %arg8[%swap3A_215, %swap3A_216] {strides = array<i32>} : memref<608x128xf32, #tpu.memory_space<vmem>>, vector<1x16xf32>,
        %swap3A_218 = vector.shape_cast %swap3A_217 : vector<1x16xf32> to vector<16xf32>
        %swap3A_219 = vector.shape_cast %mul3A_214 : vector<16xf32> to vector<1x16xf32>
        tpu.vector_store %arg8[%swap3A_215, %swap3A_216], %swap3A_219 {strides = array<i32>} : memref<608x128xf32, #tpu.memory_space<vmem>>, vector<1x16xf32>,
        %broadcast_in_dim3A_220 = arith.constant 0.000000e+00 : f32
        %broadcast_in_dim3A_221 = vector.broadcast %broadcast_in_dim3A_220 : f32 to vector<16xf32>
        %broadcast_in_dim3A_222 = arith.constant 0.000000e+00 : f32
        %broadcast_in_dim3A_223 = vector.broadcast %broadcast_in_dim3A_222 : f32 to vector<16xf32>
        %broadcast_in_dim3A_224 = arith.constant 0.000000e+00 : f32
        %broadcast_in_dim3A_225 = vector.broadcast %broadcast_in_dim3A_224 : f32 to vector<16xf32>
        %broadcast_in_dim3A_226 = arith.constant 0.000000e+00 : f32
        %broadcast_in_dim3A_227 = vector.broadcast %broadcast_in_dim3A_226 : f32 to vector<16xf32>
        %broadcast_in_dim3A_228 = arith.constant 0.000000e+00 : f32
        %broadcast_in_dim3A_229 = vector.broadcast %broadcast_in_dim3A_228 : f32 to vector<16xf32>
        %broadcast_in_dim3A_230 = arith.constant 0.000000e+00 : f32
        %broadcast_in_dim3A_231 = vector.broadcast %broadcast_in_dim3A_230 : f32 to vector<16xf32>
        %broadcast_in_dim3A_232 = arith.constant 0.000000e+00 : f32
        %broadcast_in_dim3A_233 = vector.broadcast %broadcast_in_dim3A_232 : f32 to vector<16xf32>
        %broadcast_in_dim3A_234 = arith.constant 0.000000e+00 : f32
        %broadcast_in_dim3A_235 = vector.broadcast %broadcast_in_dim3A_234 : f32 to vector<16xf32>
        %scan3A_236 = arith.constant 0 : i32
        %scan3A_237 = arith.constant 32 : i32
        %scan3A_238 = arith.addi %scan3A_236, %scan3A_237 : i32
        %scan3A_239 = arith.constant 1 : i32
        %scan3A_240:8 = scf.for %scan3A_784 = %scan3A_236 to %scan3A_238 step %scan3A_239 iter_args(%scan3A_785 = %broadcast_in_dim3A_221, %scan3A_786 = %broadcast_in_dim3A_223, %scan3A_787 = %broadcast_in_dim3A_225, %scan3A_788 = %broadcast_in_dim3A_227, %scan3A_789 = %broadcast_in_dim3A_229, %scan3A_790 = %broadcast_in_dim3A_231, %scan3A_791 = %broadcast_in_dim3A_233, %scan3A_792 = %broadcast_in_dim3A_235) -> (vector<16xf32>, vector<16xf32>, vector<16xf32>, vector<16xf32>, vector<16xf32>, vector<16xf32>, vector<16xf32>, vector<16xf32>)  : i32 {
          %add3A_793 = arith.constant 64 : i32
          %add3A_794 = arith.addi %add3A_793, %scan3A_784 : i32
          %get3A = arith.index_cast %add3A_794 : i32 to index
          %get3A_795 = arith.constant 0 : index
          %get3A_796 = tpu.vector_load %arg6[%get3A, %get3A_795] {strides = array<i32>} : memref<128x128xf32, #tpu.memory_space<vmem>>, vector<1x16xf32>,
          %get3A_797 = vector.shape_cast %get3A_796 : vector<1x16xf32> to vector<16xf32>
          %add3A_798 = arith.addf %scan3A_785, %get3A_797 : vector<16xf32>
          %get3A_799 = arith.index_cast %add3A_794 : i32 to index
          %get3A_800 = arith.constant 16 : index
          %get3A_801 = tpu.vector_load %arg6[%get3A_799, %get3A_800] {strides = array<i32>} : memref<128x128xf32, #tpu.memory_space<vmem>>, vector<1x16xf32>,
          %get3A_802 = vector.shape_cast %get3A_801 : vector<1x16xf32> to vector<16xf32>
          %add3A_803 = arith.addf %scan3A_786, %get3A_802 : vector<16xf32>
          %get3A_804 = arith.index_cast %add3A_794 : i32 to index
          %get3A_805 = arith.constant 32 : index
          %get3A_806 = tpu.vector_load %arg6[%get3A_804, %get3A_805] {strides = array<i32>} : memref<128x128xf32, #tpu.memory_space<vmem>>, vector<1x16xf32>,
          %get3A_807 = vector.shape_cast %get3A_806 : vector<1x16xf32> to vector<16xf32>
          %add3A_808 = arith.addf %scan3A_787, %get3A_807 : vector<16xf32>
          %get3A_809 = arith.index_cast %add3A_794 : i32 to index
          %get3A_810 = arith.constant 48 : index
          %get3A_811 = tpu.vector_load %arg6[%get3A_809, %get3A_810] {strides = array<i32>} : memref<128x128xf32, #tpu.memory_space<vmem>>, vector<1x16xf32>,
          %get3A_812 = vector.shape_cast %get3A_811 : vector<1x16xf32> to vector<16xf32>
          %add3A_813 = arith.addf %scan3A_788, %get3A_812 : vector<16xf32>
          %get3A_814 = arith.index_cast %add3A_794 : i32 to index
          %get3A_815 = arith.constant 64 : index
          %get3A_816 = tpu.vector_load %arg6[%get3A_814, %get3A_815] {strides = array<i32>} : memref<128x128xf32, #tpu.memory_space<vmem>>, vector<1x16xf32>,
          %get3A_817 = vector.shape_cast %get3A_816 : vector<1x16xf32> to vector<16xf32>
          %add3A_818 = arith.addf %scan3A_789, %get3A_817 : vector<16xf32>
          %get3A_819 = arith.index_cast %add3A_794 : i32 to index
          %get3A_820 = arith.constant 80 : index
          %get3A_821 = tpu.vector_load %arg6[%get3A_819, %get3A_820] {strides = array<i32>} : memref<128x128xf32, #tpu.memory_space<vmem>>, vector<1x16xf32>,
          %get3A_822 = vector.shape_cast %get3A_821 : vector<1x16xf32> to vector<16xf32>
          %add3A_823 = arith.addf %scan3A_790, %get3A_822 : vector<16xf32>
          %get3A_824 = arith.index_cast %add3A_794 : i32 to index
          %get3A_825 = arith.constant 96 : index
          %get3A_826 = tpu.vector_load %arg6[%get3A_824, %get3A_825] {strides = array<i32>} : memref<128x128xf32, #tpu.memory_space<vmem>>, vector<1x16xf32>,
          %get3A_827 = vector.shape_cast %get3A_826 : vector<1x16xf32> to vector<16xf32>
          %add3A_828 = arith.addf %scan3A_791, %get3A_827 : vector<16xf32>
          %get3A_829 = arith.index_cast %add3A_794 : i32 to index
          %get3A_830 = arith.constant 112 : index
          %get3A_831 = tpu.vector_load %arg6[%get3A_829, %get3A_830] {strides = array<i32>} : memref<128x128xf32, #tpu.memory_space<vmem>>, vector<1x16xf32>,
          %get3A_832 = vector.shape_cast %get3A_831 : vector<1x16xf32> to vector<16xf32>
          %add3A_833 = arith.addf %scan3A_792, %get3A_832 : vector<16xf32>
          scf.yield %add3A_798, %add3A_803, %add3A_808, %add3A_813, %add3A_818, %add3A_823, %add3A_828, %add3A_833 : vector<16xf32>, vector<16xf32>, vector<16xf32>, vector<16xf32>, vector<16xf32>, vector<16xf32>, vector<16xf32>, vector<16xf32>
        }
        %scan3A_241 = arith.constant 32 : i32
        %mul3A_242 = arith.constant 4 : i32
        %mul3A_243 = arith.muli %add3A_35, %mul3A_242 : i32
        %add3A_244 = arith.constant 2 : i32
        %add3A_245 = arith.addi %mul3A_243, %add3A_244 : i32
        %mul3A_246 = arith.constant 3.125000e-02 : f32
        %mul3A_247 = vector.broadcast %mul3A_246 : f32 to vector<16xf32>
        %mul3A_248 = arith.mulf %scan3A_240#0, %mul3A_247 : vector<16xf32>
        %swap3A_249 = arith.index_cast %add3A_245 : i32 to index
        %swap3A_250 = arith.constant 0 : index
        %swap3A_251 = tpu.vector_load %arg8[%swap3A_249, %swap3A_250] {strides = array<i32>} : memref<608x128xf32, #tpu.memory_space<vmem>>, vector<1x16xf32>,
        %swap3A_252 = vector.shape_cast %swap3A_251 : vector<1x16xf32> to vector<16xf32>
        %swap3A_253 = vector.shape_cast %mul3A_248 : vector<16xf32> to vector<1x16xf32>
        tpu.vector_store %arg8[%swap3A_249, %swap3A_250], %swap3A_253 {strides = array<i32>} : memref<608x128xf32, #tpu.memory_space<vmem>>, vector<1x16xf32>,
        %mul3A_254 = arith.constant 3.125000e-02 : f32
        %mul3A_255 = vector.broadcast %mul3A_254 : f32 to vector<16xf32>
        %mul3A_256 = arith.mulf %scan3A_240#1, %mul3A_255 : vector<16xf32>
        %swap3A_257 = arith.index_cast %add3A_245 : i32 to index
        %swap3A_258 = arith.constant 16 : index
        %swap3A_259 = tpu.vector_load %arg8[%swap3A_257, %swap3A_258] {strides = array<i32>} : memref<608x128xf32, #tpu.memory_space<vmem>>, vector<1x16xf32>,
        %swap3A_260 = vector.shape_cast %swap3A_259 : vector<1x16xf32> to vector<16xf32>
        %swap3A_261 = vector.shape_cast %mul3A_256 : vector<16xf32> to vector<1x16xf32>
        tpu.vector_store %arg8[%swap3A_257, %swap3A_258], %swap3A_261 {strides = array<i32>} : memref<608x128xf32, #tpu.memory_space<vmem>>, vector<1x16xf32>,
        %mul3A_262 = arith.constant 3.125000e-02 : f32
        %mul3A_263 = vector.broadcast %mul3A_262 : f32 to vector<16xf32>
        %mul3A_264 = arith.mulf %scan3A_240#2, %mul3A_263 : vector<16xf32>
        %swap3A_265 = arith.index_cast %add3A_245 : i32 to index
        %swap3A_266 = arith.constant 32 : index
        %swap3A_267 = tpu.vector_load %arg8[%swap3A_265, %swap3A_266] {strides = array<i32>} : memref<608x128xf32, #tpu.memory_space<vmem>>, vector<1x16xf32>,
        %swap3A_268 = vector.shape_cast %swap3A_267 : vector<1x16xf32> to vector<16xf32>
        %swap3A_269 = vector.shape_cast %mul3A_264 : vector<16xf32> to vector<1x16xf32>
        tpu.vector_store %arg8[%swap3A_265, %swap3A_266], %swap3A_269 {strides = array<i32>} : memref<608x128xf32, #tpu.memory_space<vmem>>, vector<1x16xf32>,
        %mul3A_270 = arith.constant 3.125000e-02 : f32
        %mul3A_271 = vector.broadcast %mul3A_270 : f32 to vector<16xf32>
        %mul3A_272 = arith.mulf %scan3A_240#3, %mul3A_271 : vector<16xf32>
        %swap3A_273 = arith.index_cast %add3A_245 : i32 to index
        %swap3A_274 = arith.constant 48 : index
        %swap3A_275 = tpu.vector_load %arg8[%swap3A_273, %swap3A_274] {strides = array<i32>} : memref<608x128xf32, #tpu.memory_space<vmem>>, vector<1x16xf32>,
        %swap3A_276 = vector.shape_cast %swap3A_275 : vector<1x16xf32> to vector<16xf32>
        %swap3A_277 = vector.shape_cast %mul3A_272 : vector<16xf32> to vector<1x16xf32>
        tpu.vector_store %arg8[%swap3A_273, %swap3A_274], %swap3A_277 {strides = array<i32>} : memref<608x128xf32, #tpu.memory_space<vmem>>, vector<1x16xf32>,
        %mul3A_278 = arith.constant 3.125000e-02 : f32
        %mul3A_279 = vector.broadcast %mul3A_278 : f32 to vector<16xf32>
        %mul3A_280 = arith.mulf %scan3A_240#4, %mul3A_279 : vector<16xf32>
        %swap3A_281 = arith.index_cast %add3A_245 : i32 to index
        %swap3A_282 = arith.constant 64 : index
        %swap3A_283 = tpu.vector_load %arg8[%swap3A_281, %swap3A_282] {strides = array<i32>} : memref<608x128xf32, #tpu.memory_space<vmem>>, vector<1x16xf32>,
        %swap3A_284 = vector.shape_cast %swap3A_283 : vector<1x16xf32> to vector<16xf32>
        %swap3A_285 = vector.shape_cast %mul3A_280 : vector<16xf32> to vector<1x16xf32>
        tpu.vector_store %arg8[%swap3A_281, %swap3A_282], %swap3A_285 {strides = array<i32>} : memref<608x128xf32, #tpu.memory_space<vmem>>, vector<1x16xf32>,
        %mul3A_286 = arith.constant 3.125000e-02 : f32
        %mul3A_287 = vector.broadcast %mul3A_286 : f32 to vector<16xf32>
        %mul3A_288 = arith.mulf %scan3A_240#5, %mul3A_287 : vector<16xf32>
        %swap3A_289 = arith.index_cast %add3A_245 : i32 to index
        %swap3A_290 = arith.constant 80 : index
        %swap3A_291 = tpu.vector_load %arg8[%swap3A_289, %swap3A_290] {strides = array<i32>} : memref<608x128xf32, #tpu.memory_space<vmem>>, vector<1x16xf32>,
        %swap3A_292 = vector.shape_cast %swap3A_291 : vector<1x16xf32> to vector<16xf32>
        %swap3A_293 = vector.shape_cast %mul3A_288 : vector<16xf32> to vector<1x16xf32>
        tpu.vector_store %arg8[%swap3A_289, %swap3A_290], %swap3A_293 {strides = array<i32>} : memref<608x128xf32, #tpu.memory_space<vmem>>, vector<1x16xf32>,
        %mul3A_294 = arith.constant 3.125000e-02 : f32
        %mul3A_295 = vector.broadcast %mul3A_294 : f32 to vector<16xf32>
        %mul3A_296 = arith.mulf %scan3A_240#6, %mul3A_295 : vector<16xf32>
        %swap3A_297 = arith.index_cast %add3A_245 : i32 to index
        %swap3A_298 = arith.constant 96 : index
        %swap3A_299 = tpu.vector_load %arg8[%swap3A_297, %swap3A_298] {strides = array<i32>} : memref<608x128xf32, #tpu.memory_space<vmem>>, vector<1x16xf32>,
        %swap3A_300 = vector.shape_cast %swap3A_299 : vector<1x16xf32> to vector<16xf32>
        %swap3A_301 = vector.shape_cast %mul3A_296 : vector<16xf32> to vector<1x16xf32>
        tpu.vector_store %arg8[%swap3A_297, %swap3A_298], %swap3A_301 {strides = array<i32>} : memref<608x128xf32, #tpu.memory_space<vmem>>, vector<1x16xf32>,
        %mul3A_302 = arith.constant 3.125000e-02 : f32
        %mul3A_303 = vector.broadcast %mul3A_302 : f32 to vector<16xf32>
        %mul3A_304 = arith.mulf %scan3A_240#7, %mul3A_303 : vector<16xf32>
        %swap3A_305 = arith.index_cast %add3A_245 : i32 to index
        %swap3A_306 = arith.constant 112 : index
        %swap3A_307 = tpu.vector_load %arg8[%swap3A_305, %swap3A_306] {strides = array<i32>} : memref<608x128xf32, #tpu.memory_space<vmem>>, vector<1x16xf32>,
        %swap3A_308 = vector.shape_cast %swap3A_307 : vector<1x16xf32> to vector<16xf32>
        %swap3A_309 = vector.shape_cast %mul3A_304 : vector<16xf32> to vector<1x16xf32>
        tpu.vector_store %arg8[%swap3A_305, %swap3A_306], %swap3A_309 {strides = array<i32>} : memref<608x128xf32, #tpu.memory_space<vmem>>, vector<1x16xf32>,
        %broadcast_in_dim3A_310 = arith.constant 0.000000e+00 : f32
        %broadcast_in_dim3A_311 = vector.broadcast %broadcast_in_dim3A_310 : f32 to vector<16xf32>
        %broadcast_in_dim3A_312 = arith.constant 0.000000e+00 : f32
        %broadcast_in_dim3A_313 = vector.broadcast %broadcast_in_dim3A_312 : f32 to vector<16xf32>
        %broadcast_in_dim3A_314 = arith.constant 0.000000e+00 : f32
        %broadcast_in_dim3A_315 = vector.broadcast %broadcast_in_dim3A_314 : f32 to vector<16xf32>
        %broadcast_in_dim3A_316 = arith.constant 0.000000e+00 : f32
        %broadcast_in_dim3A_317 = vector.broadcast %broadcast_in_dim3A_316 : f32 to vector<16xf32>
        %broadcast_in_dim3A_318 = arith.constant 0.000000e+00 : f32
        %broadcast_in_dim3A_319 = vector.broadcast %broadcast_in_dim3A_318 : f32 to vector<16xf32>
        %broadcast_in_dim3A_320 = arith.constant 0.000000e+00 : f32
        %broadcast_in_dim3A_321 = vector.broadcast %broadcast_in_dim3A_320 : f32 to vector<16xf32>
        %broadcast_in_dim3A_322 = arith.constant 0.000000e+00 : f32
        %broadcast_in_dim3A_323 = vector.broadcast %broadcast_in_dim3A_322 : f32 to vector<16xf32>
        %broadcast_in_dim3A_324 = arith.constant 0.000000e+00 : f32
        %broadcast_in_dim3A_325 = vector.broadcast %broadcast_in_dim3A_324 : f32 to vector<16xf32>
        %scan3A_326 = arith.constant 0 : i32
        %scan3A_327 = arith.constant 32 : i32
        %scan3A_328 = arith.addi %scan3A_326, %scan3A_327 : i32
        %scan3A_329 = arith.constant 1 : i32
        %scan3A_330:8 = scf.for %scan3A_784 = %scan3A_326 to %scan3A_328 step %scan3A_329 iter_args(%scan3A_785 = %broadcast_in_dim3A_311, %scan3A_786 = %broadcast_in_dim3A_313, %scan3A_787 = %broadcast_in_dim3A_315, %scan3A_788 = %broadcast_in_dim3A_317, %scan3A_789 = %broadcast_in_dim3A_319, %scan3A_790 = %broadcast_in_dim3A_321, %scan3A_791 = %broadcast_in_dim3A_323, %scan3A_792 = %broadcast_in_dim3A_325) -> (vector<16xf32>, vector<16xf32>, vector<16xf32>, vector<16xf32>, vector<16xf32>, vector<16xf32>, vector<16xf32>, vector<16xf32>)  : i32 {
          %add3A_793 = arith.constant 96 : i32
          %add3A_794 = arith.addi %add3A_793, %scan3A_784 : i32
          %get3A = arith.index_cast %add3A_794 : i32 to index
          %get3A_795 = arith.constant 0 : index
          %get3A_796 = tpu.vector_load %arg6[%get3A, %get3A_795] {strides = array<i32>} : memref<128x128xf32, #tpu.memory_space<vmem>>, vector<1x16xf32>,
          %get3A_797 = vector.shape_cast %get3A_796 : vector<1x16xf32> to vector<16xf32>
          %add3A_798 = arith.addf %scan3A_785, %get3A_797 : vector<16xf32>
          %get3A_799 = arith.index_cast %add3A_794 : i32 to index
          %get3A_800 = arith.constant 16 : index
          %get3A_801 = tpu.vector_load %arg6[%get3A_799, %get3A_800] {strides = array<i32>} : memref<128x128xf32, #tpu.memory_space<vmem>>, vector<1x16xf32>,
          %get3A_802 = vector.shape_cast %get3A_801 : vector<1x16xf32> to vector<16xf32>
          %add3A_803 = arith.addf %scan3A_786, %get3A_802 : vector<16xf32>
          %get3A_804 = arith.index_cast %add3A_794 : i32 to index
          %get3A_805 = arith.constant 32 : index
          %get3A_806 = tpu.vector_load %arg6[%get3A_804, %get3A_805] {strides = array<i32>} : memref<128x128xf32, #tpu.memory_space<vmem>>, vector<1x16xf32>,
          %get3A_807 = vector.shape_cast %get3A_806 : vector<1x16xf32> to vector<16xf32>
          %add3A_808 = arith.addf %scan3A_787, %get3A_807 : vector<16xf32>
          %get3A_809 = arith.index_cast %add3A_794 : i32 to index
          %get3A_810 = arith.constant 48 : index
          %get3A_811 = tpu.vector_load %arg6[%get3A_809, %get3A_810] {strides = array<i32>} : memref<128x128xf32, #tpu.memory_space<vmem>>, vector<1x16xf32>,
          %get3A_812 = vector.shape_cast %get3A_811 : vector<1x16xf32> to vector<16xf32>
          %add3A_813 = arith.addf %scan3A_788, %get3A_812 : vector<16xf32>
          %get3A_814 = arith.index_cast %add3A_794 : i32 to index
          %get3A_815 = arith.constant 64 : index
          %get3A_816 = tpu.vector_load %arg6[%get3A_814, %get3A_815] {strides = array<i32>} : memref<128x128xf32, #tpu.memory_space<vmem>>, vector<1x16xf32>,
          %get3A_817 = vector.shape_cast %get3A_816 : vector<1x16xf32> to vector<16xf32>
          %add3A_818 = arith.addf %scan3A_789, %get3A_817 : vector<16xf32>
          %get3A_819 = arith.index_cast %add3A_794 : i32 to index
          %get3A_820 = arith.constant 80 : index
          %get3A_821 = tpu.vector_load %arg6[%get3A_819, %get3A_820] {strides = array<i32>} : memref<128x128xf32, #tpu.memory_space<vmem>>, vector<1x16xf32>,
          %get3A_822 = vector.shape_cast %get3A_821 : vector<1x16xf32> to vector<16xf32>
          %add3A_823 = arith.addf %scan3A_790, %get3A_822 : vector<16xf32>
          %get3A_824 = arith.index_cast %add3A_794 : i32 to index
          %get3A_825 = arith.constant 96 : index
          %get3A_826 = tpu.vector_load %arg6[%get3A_824, %get3A_825] {strides = array<i32>} : memref<128x128xf32, #tpu.memory_space<vmem>>, vector<1x16xf32>,
          %get3A_827 = vector.shape_cast %get3A_826 : vector<1x16xf32> to vector<16xf32>
          %add3A_828 = arith.addf %scan3A_791, %get3A_827 : vector<16xf32>
          %get3A_829 = arith.index_cast %add3A_794 : i32 to index
          %get3A_830 = arith.constant 112 : index
          %get3A_831 = tpu.vector_load %arg6[%get3A_829, %get3A_830] {strides = array<i32>} : memref<128x128xf32, #tpu.memory_space<vmem>>, vector<1x16xf32>,
          %get3A_832 = vector.shape_cast %get3A_831 : vector<1x16xf32> to vector<16xf32>
          %add3A_833 = arith.addf %scan3A_792, %get3A_832 : vector<16xf32>
          scf.yield %add3A_798, %add3A_803, %add3A_808, %add3A_813, %add3A_818, %add3A_823, %add3A_828, %add3A_833 : vector<16xf32>, vector<16xf32>, vector<16xf32>, vector<16xf32>, vector<16xf32>, vector<16xf32>, vector<16xf32>, vector<16xf32>
        }
        %scan3A_331 = arith.constant 32 : i32
        %mul3A_332 = arith.constant 4 : i32
        %mul3A_333 = arith.muli %add3A_35, %mul3A_332 : i32
        %add3A_334 = arith.constant 3 : i32
        %add3A_335 = arith.addi %mul3A_333, %add3A_334 : i32
        %mul3A_336 = arith.constant 3.125000e-02 : f32
        %mul3A_337 = vector.broadcast %mul3A_336 : f32 to vector<16xf32>
        %mul3A_338 = arith.mulf %scan3A_330#0, %mul3A_337 : vector<16xf32>
        %swap3A_339 = arith.index_cast %add3A_335 : i32 to index
        %swap3A_340 = arith.constant 0 : index
        %swap3A_341 = tpu.vector_load %arg8[%swap3A_339, %swap3A_340] {strides = array<i32>} : memref<608x128xf32, #tpu.memory_space<vmem>>, vector<1x16xf32>,
        %swap3A_342 = vector.shape_cast %swap3A_341 : vector<1x16xf32> to vector<16xf32>
        %swap3A_343 = vector.shape_cast %mul3A_338 : vector<16xf32> to vector<1x16xf32>
        tpu.vector_store %arg8[%swap3A_339, %swap3A_340], %swap3A_343 {strides = array<i32>} : memref<608x128xf32, #tpu.memory_space<vmem>>, vector<1x16xf32>,
        %mul3A_344 = arith.constant 3.125000e-02 : f32
        %mul3A_345 = vector.broadcast %mul3A_344 : f32 to vector<16xf32>
        %mul3A_346 = arith.mulf %scan3A_330#1, %mul3A_345 : vector<16xf32>
        %swap3A_347 = arith.index_cast %add3A_335 : i32 to index
        %swap3A_348 = arith.constant 16 : index
        %swap3A_349 = tpu.vector_load %arg8[%swap3A_347, %swap3A_348] {strides = array<i32>} : memref<608x128xf32, #tpu.memory_space<vmem>>, vector<1x16xf32>,
        %swap3A_350 = vector.shape_cast %swap3A_349 : vector<1x16xf32> to vector<16xf32>
        %swap3A_351 = vector.shape_cast %mul3A_346 : vector<16xf32> to vector<1x16xf32>
        tpu.vector_store %arg8[%swap3A_347, %swap3A_348], %swap3A_351 {strides = array<i32>} : memref<608x128xf32, #tpu.memory_space<vmem>>, vector<1x16xf32>,
        %mul3A_352 = arith.constant 3.125000e-02 : f32
        %mul3A_353 = vector.broadcast %mul3A_352 : f32 to vector<16xf32>
        %mul3A_354 = arith.mulf %scan3A_330#2, %mul3A_353 : vector<16xf32>
        %swap3A_355 = arith.index_cast %add3A_335 : i32 to index
        %swap3A_356 = arith.constant 32 : index
        %swap3A_357 = tpu.vector_load %arg8[%swap3A_355, %swap3A_356] {strides = array<i32>} : memref<608x128xf32, #tpu.memory_space<vmem>>, vector<1x16xf32>,
        %swap3A_358 = vector.shape_cast %swap3A_357 : vector<1x16xf32> to vector<16xf32>
        %swap3A_359 = vector.shape_cast %mul3A_354 : vector<16xf32> to vector<1x16xf32>
        tpu.vector_store %arg8[%swap3A_355, %swap3A_356], %swap3A_359 {strides = array<i32>} : memref<608x128xf32, #tpu.memory_space<vmem>>, vector<1x16xf32>,
        %mul3A_360 = arith.constant 3.125000e-02 : f32
        %mul3A_361 = vector.broadcast %mul3A_360 : f32 to vector<16xf32>
        %mul3A_362 = arith.mulf %scan3A_330#3, %mul3A_361 : vector<16xf32>
        %swap3A_363 = arith.index_cast %add3A_335 : i32 to index
        %swap3A_364 = arith.constant 48 : index
        %swap3A_365 = tpu.vector_load %arg8[%swap3A_363, %swap3A_364] {strides = array<i32>} : memref<608x128xf32, #tpu.memory_space<vmem>>, vector<1x16xf32>,
        %swap3A_366 = vector.shape_cast %swap3A_365 : vector<1x16xf32> to vector<16xf32>
        %swap3A_367 = vector.shape_cast %mul3A_362 : vector<16xf32> to vector<1x16xf32>
        tpu.vector_store %arg8[%swap3A_363, %swap3A_364], %swap3A_367 {strides = array<i32>} : memref<608x128xf32, #tpu.memory_space<vmem>>, vector<1x16xf32>,
        %mul3A_368 = arith.constant 3.125000e-02 : f32
        %mul3A_369 = vector.broadcast %mul3A_368 : f32 to vector<16xf32>
        %mul3A_370 = arith.mulf %scan3A_330#4, %mul3A_369 : vector<16xf32>
        %swap3A_371 = arith.index_cast %add3A_335 : i32 to index
        %swap3A_372 = arith.constant 64 : index
        %swap3A_373 = tpu.vector_load %arg8[%swap3A_371, %swap3A_372] {strides = array<i32>} : memref<608x128xf32, #tpu.memory_space<vmem>>, vector<1x16xf32>,
        %swap3A_374 = vector.shape_cast %swap3A_373 : vector<1x16xf32> to vector<16xf32>
        %swap3A_375 = vector.shape_cast %mul3A_370 : vector<16xf32> to vector<1x16xf32>
        tpu.vector_store %arg8[%swap3A_371, %swap3A_372], %swap3A_375 {strides = array<i32>} : memref<608x128xf32, #tpu.memory_space<vmem>>, vector<1x16xf32>,
        %mul3A_376 = arith.constant 3.125000e-02 : f32
        %mul3A_377 = vector.broadcast %mul3A_376 : f32 to vector<16xf32>
        %mul3A_378 = arith.mulf %scan3A_330#5, %mul3A_377 : vector<16xf32>
        %swap3A_379 = arith.index_cast %add3A_335 : i32 to index
        %swap3A_380 = arith.constant 80 : index
        %swap3A_381 = tpu.vector_load %arg8[%swap3A_379, %swap3A_380] {strides = array<i32>} : memref<608x128xf32, #tpu.memory_space<vmem>>, vector<1x16xf32>,
        %swap3A_382 = vector.shape_cast %swap3A_381 : vector<1x16xf32> to vector<16xf32>
        %swap3A_383 = vector.shape_cast %mul3A_378 : vector<16xf32> to vector<1x16xf32>
        tpu.vector_store %arg8[%swap3A_379, %swap3A_380], %swap3A_383 {strides = array<i32>} : memref<608x128xf32, #tpu.memory_space<vmem>>, vector<1x16xf32>,
        %mul3A_384 = arith.constant 3.125000e-02 : f32
        %mul3A_385 = vector.broadcast %mul3A_384 : f32 to vector<16xf32>
        %mul3A_386 = arith.mulf %scan3A_330#6, %mul3A_385 : vector<16xf32>
        %swap3A_387 = arith.index_cast %add3A_335 : i32 to index
        %swap3A_388 = arith.constant 96 : index
        %swap3A_389 = tpu.vector_load %arg8[%swap3A_387, %swap3A_388] {strides = array<i32>} : memref<608x128xf32, #tpu.memory_space<vmem>>, vector<1x16xf32>,
        %swap3A_390 = vector.shape_cast %swap3A_389 : vector<1x16xf32> to vector<16xf32>
        %swap3A_391 = vector.shape_cast %mul3A_386 : vector<16xf32> to vector<1x16xf32>
        tpu.vector_store %arg8[%swap3A_387, %swap3A_388], %swap3A_391 {strides = array<i32>} : memref<608x128xf32, #tpu.memory_space<vmem>>, vector<1x16xf32>,
        %mul3A_392 = arith.constant 3.125000e-02 : f32
        %mul3A_393 = vector.broadcast %mul3A_392 : f32 to vector<16xf32>
        %mul3A_394 = arith.mulf %scan3A_330#7, %mul3A_393 : vector<16xf32>
        %swap3A_395 = arith.index_cast %add3A_335 : i32 to index
        %swap3A_396 = arith.constant 112 : index
        %swap3A_397 = tpu.vector_load %arg8[%swap3A_395, %swap3A_396] {strides = array<i32>} : memref<608x128xf32, #tpu.memory_space<vmem>>, vector<1x16xf32>,
        %swap3A_398 = vector.shape_cast %swap3A_397 : vector<1x16xf32> to vector<16xf32>
        %swap3A_399 = vector.shape_cast %mul3A_394 : vector<16xf32> to vector<1x16xf32>
        tpu.vector_store %arg8[%swap3A_395, %swap3A_396], %swap3A_399 {strides = array<i32>} : memref<608x128xf32, #tpu.memory_space<vmem>>, vector<1x16xf32>,
        %add3A_400 = arith.constant 2 : i32
        %add3A_401 = arith.addi %add3A_35, %add3A_400 : i32
        %lt3A = arith.constant 8 : i32
        %lt3A_402 = arith.cmpi slt, %add3A_401, %lt3A : i32
        %convert_element_type3A_403 = arith.extui %lt3A_402 : i1 to i32
        %cond3A_404 = arith.constant 0 : i32
        %cond3A_405 = arith.cmpi ne, %convert_element_type3A_403, %cond3A_404 : i32
        scf.if %cond3A_405 {
          %add3A_784 = arith.constant 2 : i32
          %add3A_785 = arith.addi %add3A_35, %add3A_784 : i32
          %dma_start3A_786 = arith.constant 0 : i32
          %dma_start3A_787 = tpu.memref_slice %arg5[%add3A_785, %dma_start3A_786] : memref<152x128xi32, #tpu.memory_space<vmem>> -> memref<1x128xi32, #tpu.memory_space<vmem>>
          %dma_start3A_788 = tpu.memref_squeeze %dma_start3A_787 : memref<1x128xi32, #tpu.memory_space<vmem>> -> memref<128xi32, #tpu.memory_space<vmem>>
          %dma_start3A_789 = arith.constant 0 : i32
          %dma_start3A_790 = arith.constant 0 : i32
          %dma_start3A_791 = tpu.memref_slice %arg3[%dma_start3A_789, %dma_start3A_790] : memref<100000x128xf32, #tpu.memory_space<hbm>> -> memref<100000x128xf32, #tpu.memory_space<hbm>>
          tpu.enqueue_indirect_dma source(%dma_start3A_791 : memref<100000x128xf32, #tpu.memory_space<hbm>>) target(%arg6 : memref<128x128xf32, #tpu.memory_space<vmem>>) offsets(%dma_start3A_788 : memref<128xi32, #tpu.memory_space<vmem>>) semaphore(%arg9 : memref<!tpu.dma_semaphore, #tpu.memory_space<semaphore_mem>>)
        } else {
        }
        %mul3A_406 = arith.constant 2 : i32
        %mul3A_407 = arith.muli %scan3A_31, %mul3A_406 : i32
        %add3A_408 = arith.constant 1 : i32
        %add3A_409 = arith.addi %mul3A_407, %add3A_408 : i32
        %dma_wait3A_410 = arith.constant 0 : i32
        %dma_wait3A_411 = arith.constant 0 : i32
        %dma_wait3A_412 = tpu.memref_slice %arg5[%dma_wait3A_410, %dma_wait3A_411] : memref<152x128xi32, #tpu.memory_space<vmem>> -> memref<1x128xi32, #tpu.memory_space<vmem>>
        %dma_wait3A_413 = tpu.memref_squeeze %dma_wait3A_412 : memref<1x128xi32, #tpu.memory_space<vmem>> -> memref<128xi32, #tpu.memory_space<vmem>>
        %dma_wait3A_414 = arith.constant 0 : i32
        %dma_wait3A_415 = arith.constant 0 : i32
        %dma_wait3A_416 = tpu.memref_slice %arg3[%dma_wait3A_414, %dma_wait3A_415] : memref<100000x128xf32, #tpu.memory_space<hbm>> -> memref<100000x128xf32, #tpu.memory_space<hbm>>
        tpu.wait_indirect_dma semaphore(%arg10 : memref<!tpu.dma_semaphore, #tpu.memory_space<semaphore_mem>>) src(%dma_wait3A_416 : memref<100000x128xf32, #tpu.memory_space<hbm>>) dst(%arg7 : memref<128x128xf32, #tpu.memory_space<vmem>>)
        %broadcast_in_dim3A_417 = arith.constant 0.000000e+00 : f32
        %broadcast_in_dim3A_418 = vector.broadcast %broadcast_in_dim3A_417 : f32 to vector<16xf32>
        %broadcast_in_dim3A_419 = arith.constant 0.000000e+00 : f32
        %broadcast_in_dim3A_420 = vector.broadcast %broadcast_in_dim3A_419 : f32 to vector<16xf32>
        %broadcast_in_dim3A_421 = arith.constant 0.000000e+00 : f32
        %broadcast_in_dim3A_422 = vector.broadcast %broadcast_in_dim3A_421 : f32 to vector<16xf32>
        %broadcast_in_dim3A_423 = arith.constant 0.000000e+00 : f32
        %broadcast_in_dim3A_424 = vector.broadcast %broadcast_in_dim3A_423 : f32 to vector<16xf32>
        %broadcast_in_dim3A_425 = arith.constant 0.000000e+00 : f32
        %broadcast_in_dim3A_426 = vector.broadcast %broadcast_in_dim3A_425 : f32 to vector<16xf32>
        %broadcast_in_dim3A_427 = arith.constant 0.000000e+00 : f32
        %broadcast_in_dim3A_428 = vector.broadcast %broadcast_in_dim3A_427 : f32 to vector<16xf32>
        %broadcast_in_dim3A_429 = arith.constant 0.000000e+00 : f32
        %broadcast_in_dim3A_430 = vector.broadcast %broadcast_in_dim3A_429 : f32 to vector<16xf32>
        %broadcast_in_dim3A_431 = arith.constant 0.000000e+00 : f32
        %broadcast_in_dim3A_432 = vector.broadcast %broadcast_in_dim3A_431 : f32 to vector<16xf32>
        %scan3A_433 = arith.constant 0 : i32
        %scan3A_434 = arith.constant 32 : i32
        %scan3A_435 = arith.addi %scan3A_433, %scan3A_434 : i32
        %scan3A_436 = arith.constant 1 : i32
        %scan3A_437:8 = scf.for %scan3A_784 = %scan3A_433 to %scan3A_435 step %scan3A_436 iter_args(%scan3A_785 = %broadcast_in_dim3A_418, %scan3A_786 = %broadcast_in_dim3A_420, %scan3A_787 = %broadcast_in_dim3A_422, %scan3A_788 = %broadcast_in_dim3A_424, %scan3A_789 = %broadcast_in_dim3A_426, %scan3A_790 = %broadcast_in_dim3A_428, %scan3A_791 = %broadcast_in_dim3A_430, %scan3A_792 = %broadcast_in_dim3A_432) -> (vector<16xf32>, vector<16xf32>, vector<16xf32>, vector<16xf32>, vector<16xf32>, vector<16xf32>, vector<16xf32>, vector<16xf32>)  : i32 {
          %add3A_793 = arith.constant 0 : i32
          %add3A_794 = arith.addi %add3A_793, %scan3A_784 : i32
          %get3A = arith.index_cast %add3A_794 : i32 to index
          %get3A_795 = arith.constant 0 : index
          %get3A_796 = tpu.vector_load %arg7[%get3A, %get3A_795] {strides = array<i32>} : memref<128x128xf32, #tpu.memory_space<vmem>>, vector<1x16xf32>,
          %get3A_797 = vector.shape_cast %get3A_796 : vector<1x16xf32> to vector<16xf32>
          %add3A_798 = arith.addf %scan3A_785, %get3A_797 : vector<16xf32>
          %get3A_799 = arith.index_cast %add3A_794 : i32 to index
          %get3A_800 = arith.constant 16 : index
          %get3A_801 = tpu.vector_load %arg7[%get3A_799, %get3A_800] {strides = array<i32>} : memref<128x128xf32, #tpu.memory_space<vmem>>, vector<1x16xf32>,
          %get3A_802 = vector.shape_cast %get3A_801 : vector<1x16xf32> to vector<16xf32>
          %add3A_803 = arith.addf %scan3A_786, %get3A_802 : vector<16xf32>
          %get3A_804 = arith.index_cast %add3A_794 : i32 to index
          %get3A_805 = arith.constant 32 : index
          %get3A_806 = tpu.vector_load %arg7[%get3A_804, %get3A_805] {strides = array<i32>} : memref<128x128xf32, #tpu.memory_space<vmem>>, vector<1x16xf32>,
          %get3A_807 = vector.shape_cast %get3A_806 : vector<1x16xf32> to vector<16xf32>
          %add3A_808 = arith.addf %scan3A_787, %get3A_807 : vector<16xf32>
          %get3A_809 = arith.index_cast %add3A_794 : i32 to index
          %get3A_810 = arith.constant 48 : index
          %get3A_811 = tpu.vector_load %arg7[%get3A_809, %get3A_810] {strides = array<i32>} : memref<128x128xf32, #tpu.memory_space<vmem>>, vector<1x16xf32>,
          %get3A_812 = vector.shape_cast %get3A_811 : vector<1x16xf32> to vector<16xf32>
          %add3A_813 = arith.addf %scan3A_788, %get3A_812 : vector<16xf32>
          %get3A_814 = arith.index_cast %add3A_794 : i32 to index
          %get3A_815 = arith.constant 64 : index
          %get3A_816 = tpu.vector_load %arg7[%get3A_814, %get3A_815] {strides = array<i32>} : memref<128x128xf32, #tpu.memory_space<vmem>>, vector<1x16xf32>,
          %get3A_817 = vector.shape_cast %get3A_816 : vector<1x16xf32> to vector<16xf32>
          %add3A_818 = arith.addf %scan3A_789, %get3A_817 : vector<16xf32>
          %get3A_819 = arith.index_cast %add3A_794 : i32 to index
          %get3A_820 = arith.constant 80 : index
          %get3A_821 = tpu.vector_load %arg7[%get3A_819, %get3A_820] {strides = array<i32>} : memref<128x128xf32, #tpu.memory_space<vmem>>, vector<1x16xf32>,
          %get3A_822 = vector.shape_cast %get3A_821 : vector<1x16xf32> to vector<16xf32>
          %add3A_823 = arith.addf %scan3A_790, %get3A_822 : vector<16xf32>
          %get3A_824 = arith.index_cast %add3A_794 : i32 to index
          %get3A_825 = arith.constant 96 : index
          %get3A_826 = tpu.vector_load %arg7[%get3A_824, %get3A_825] {strides = array<i32>} : memref<128x128xf32, #tpu.memory_space<vmem>>, vector<1x16xf32>,
          %get3A_827 = vector.shape_cast %get3A_826 : vector<1x16xf32> to vector<16xf32>
          %add3A_828 = arith.addf %scan3A_791, %get3A_827 : vector<16xf32>
          %get3A_829 = arith.index_cast %add3A_794 : i32 to index
          %get3A_830 = arith.constant 112 : index
          %get3A_831 = tpu.vector_load %arg7[%get3A_829, %get3A_830] {strides = array<i32>} : memref<128x128xf32, #tpu.memory_space<vmem>>, vector<1x16xf32>,
          %get3A_832 = vector.shape_cast %get3A_831 : vector<1x16xf32> to vector<16xf32>
          %add3A_833 = arith.addf %scan3A_792, %get3A_832 : vector<16xf32>
          scf.yield %add3A_798, %add3A_803, %add3A_808, %add3A_813, %add3A_818, %add3A_823, %add3A_828, %add3A_833 : vector<16xf32>, vector<16xf32>, vector<16xf32>, vector<16xf32>, vector<16xf32>, vector<16xf32>, vector<16xf32>, vector<16xf32>
        }
        %scan3A_438 = arith.constant 32 : i32
        %mul3A_439 = arith.constant 4 : i32
        %mul3A_440 = arith.muli %add3A_409, %mul3A_439 : i32
        %add3A_441 = arith.constant 0 : i32
        %add3A_442 = arith.addi %mul3A_440, %add3A_441 : i32
        %mul3A_443 = arith.constant 3.125000e-02 : f32
        %mul3A_444 = vector.broadcast %mul3A_443 : f32 to vector<16xf32>
        %mul3A_445 = arith.mulf %scan3A_437#0, %mul3A_444 : vector<16xf32>
        %swap3A_446 = arith.index_cast %add3A_442 : i32 to index
        %swap3A_447 = arith.constant 0 : index
        %swap3A_448 = tpu.vector_load %arg8[%swap3A_446, %swap3A_447] {strides = array<i32>} : memref<608x128xf32, #tpu.memory_space<vmem>>, vector<1x16xf32>,
        %swap3A_449 = vector.shape_cast %swap3A_448 : vector<1x16xf32> to vector<16xf32>
        %swap3A_450 = vector.shape_cast %mul3A_445 : vector<16xf32> to vector<1x16xf32>
        tpu.vector_store %arg8[%swap3A_446, %swap3A_447], %swap3A_450 {strides = array<i32>} : memref<608x128xf32, #tpu.memory_space<vmem>>, vector<1x16xf32>,
        %mul3A_451 = arith.constant 3.125000e-02 : f32
        %mul3A_452 = vector.broadcast %mul3A_451 : f32 to vector<16xf32>
        %mul3A_453 = arith.mulf %scan3A_437#1, %mul3A_452 : vector<16xf32>
        %swap3A_454 = arith.index_cast %add3A_442 : i32 to index
        %swap3A_455 = arith.constant 16 : index
        %swap3A_456 = tpu.vector_load %arg8[%swap3A_454, %swap3A_455] {strides = array<i32>} : memref<608x128xf32, #tpu.memory_space<vmem>>, vector<1x16xf32>,
        %swap3A_457 = vector.shape_cast %swap3A_456 : vector<1x16xf32> to vector<16xf32>
        %swap3A_458 = vector.shape_cast %mul3A_453 : vector<16xf32> to vector<1x16xf32>
        tpu.vector_store %arg8[%swap3A_454, %swap3A_455], %swap3A_458 {strides = array<i32>} : memref<608x128xf32, #tpu.memory_space<vmem>>, vector<1x16xf32>,
        %mul3A_459 = arith.constant 3.125000e-02 : f32
        %mul3A_460 = vector.broadcast %mul3A_459 : f32 to vector<16xf32>
        %mul3A_461 = arith.mulf %scan3A_437#2, %mul3A_460 : vector<16xf32>
        %swap3A_462 = arith.index_cast %add3A_442 : i32 to index
        %swap3A_463 = arith.constant 32 : index
        %swap3A_464 = tpu.vector_load %arg8[%swap3A_462, %swap3A_463] {strides = array<i32>} : memref<608x128xf32, #tpu.memory_space<vmem>>, vector<1x16xf32>,
        %swap3A_465 = vector.shape_cast %swap3A_464 : vector<1x16xf32> to vector<16xf32>
        %swap3A_466 = vector.shape_cast %mul3A_461 : vector<16xf32> to vector<1x16xf32>
        tpu.vector_store %arg8[%swap3A_462, %swap3A_463], %swap3A_466 {strides = array<i32>} : memref<608x128xf32, #tpu.memory_space<vmem>>, vector<1x16xf32>,
        %mul3A_467 = arith.constant 3.125000e-02 : f32
        %mul3A_468 = vector.broadcast %mul3A_467 : f32 to vector<16xf32>
        %mul3A_469 = arith.mulf %scan3A_437#3, %mul3A_468 : vector<16xf32>
        %swap3A_470 = arith.index_cast %add3A_442 : i32 to index
        %swap3A_471 = arith.constant 48 : index
        %swap3A_472 = tpu.vector_load %arg8[%swap3A_470, %swap3A_471] {strides = array<i32>} : memref<608x128xf32, #tpu.memory_space<vmem>>, vector<1x16xf32>,
        %swap3A_473 = vector.shape_cast %swap3A_472 : vector<1x16xf32> to vector<16xf32>
        %swap3A_474 = vector.shape_cast %mul3A_469 : vector<16xf32> to vector<1x16xf32>
        tpu.vector_store %arg8[%swap3A_470, %swap3A_471], %swap3A_474 {strides = array<i32>} : memref<608x128xf32, #tpu.memory_space<vmem>>, vector<1x16xf32>,
        %mul3A_475 = arith.constant 3.125000e-02 : f32
        %mul3A_476 = vector.broadcast %mul3A_475 : f32 to vector<16xf32>
        %mul3A_477 = arith.mulf %scan3A_437#4, %mul3A_476 : vector<16xf32>
        %swap3A_478 = arith.index_cast %add3A_442 : i32 to index
        %swap3A_479 = arith.constant 64 : index
        %swap3A_480 = tpu.vector_load %arg8[%swap3A_478, %swap3A_479] {strides = array<i32>} : memref<608x128xf32, #tpu.memory_space<vmem>>, vector<1x16xf32>,
        %swap3A_481 = vector.shape_cast %swap3A_480 : vector<1x16xf32> to vector<16xf32>
        %swap3A_482 = vector.shape_cast %mul3A_477 : vector<16xf32> to vector<1x16xf32>
        tpu.vector_store %arg8[%swap3A_478, %swap3A_479], %swap3A_482 {strides = array<i32>} : memref<608x128xf32, #tpu.memory_space<vmem>>, vector<1x16xf32>,
        %mul3A_483 = arith.constant 3.125000e-02 : f32
        %mul3A_484 = vector.broadcast %mul3A_483 : f32 to vector<16xf32>
        %mul3A_485 = arith.mulf %scan3A_437#5, %mul3A_484 : vector<16xf32>
        %swap3A_486 = arith.index_cast %add3A_442 : i32 to index
        %swap3A_487 = arith.constant 80 : index
        %swap3A_488 = tpu.vector_load %arg8[%swap3A_486, %swap3A_487] {strides = array<i32>} : memref<608x128xf32, #tpu.memory_space<vmem>>, vector<1x16xf32>,
        %swap3A_489 = vector.shape_cast %swap3A_488 : vector<1x16xf32> to vector<16xf32>
        %swap3A_490 = vector.shape_cast %mul3A_485 : vector<16xf32> to vector<1x16xf32>
        tpu.vector_store %arg8[%swap3A_486, %swap3A_487], %swap3A_490 {strides = array<i32>} : memref<608x128xf32, #tpu.memory_space<vmem>>, vector<1x16xf32>,
        %mul3A_491 = arith.constant 3.125000e-02 : f32
        %mul3A_492 = vector.broadcast %mul3A_491 : f32 to vector<16xf32>
        %mul3A_493 = arith.mulf %scan3A_437#6, %mul3A_492 : vector<16xf32>
        %swap3A_494 = arith.index_cast %add3A_442 : i32 to index
        %swap3A_495 = arith.constant 96 : index
        %swap3A_496 = tpu.vector_load %arg8[%swap3A_494, %swap3A_495] {strides = array<i32>} : memref<608x128xf32, #tpu.memory_space<vmem>>, vector<1x16xf32>,
        %swap3A_497 = vector.shape_cast %swap3A_496 : vector<1x16xf32> to vector<16xf32>
        %swap3A_498 = vector.shape_cast %mul3A_493 : vector<16xf32> to vector<1x16xf32>
        tpu.vector_store %arg8[%swap3A_494, %swap3A_495], %swap3A_498 {strides = array<i32>} : memref<608x128xf32, #tpu.memory_space<vmem>>, vector<1x16xf32>,
        %mul3A_499 = arith.constant 3.125000e-02 : f32
        %mul3A_500 = vector.broadcast %mul3A_499 : f32 to vector<16xf32>
        %mul3A_501 = arith.mulf %scan3A_437#7, %mul3A_500 : vector<16xf32>
        %swap3A_502 = arith.index_cast %add3A_442 : i32 to index
        %swap3A_503 = arith.constant 112 : index
        %swap3A_504 = tpu.vector_load %arg8[%swap3A_502, %swap3A_503] {strides = array<i32>} : memref<608x128xf32, #tpu.memory_space<vmem>>, vector<1x16xf32>,
        %swap3A_505 = vector.shape_cast %swap3A_504 : vector<1x16xf32> to vector<16xf32>
        %swap3A_506 = vector.shape_cast %mul3A_501 : vector<16xf32> to vector<1x16xf32>
        tpu.vector_store %arg8[%swap3A_502, %swap3A_503], %swap3A_506 {strides = array<i32>} : memref<608x128xf32, #tpu.memory_space<vmem>>, vector<1x16xf32>,
        %broadcast_in_dim3A_507 = arith.constant 0.000000e+00 : f32
        %broadcast_in_dim3A_508 = vector.broadcast %broadcast_in_dim3A_507 : f32 to vector<16xf32>
        %broadcast_in_dim3A_509 = arith.constant 0.000000e+00 : f32
        %broadcast_in_dim3A_510 = vector.broadcast %broadcast_in_dim3A_509 : f32 to vector<16xf32>
        %broadcast_in_dim3A_511 = arith.constant 0.000000e+00 : f32
        %broadcast_in_dim3A_512 = vector.broadcast %broadcast_in_dim3A_511 : f32 to vector<16xf32>
        %broadcast_in_dim3A_513 = arith.constant 0.000000e+00 : f32
        %broadcast_in_dim3A_514 = vector.broadcast %broadcast_in_dim3A_513 : f32 to vector<16xf32>
        %broadcast_in_dim3A_515 = arith.constant 0.000000e+00 : f32
        %broadcast_in_dim3A_516 = vector.broadcast %broadcast_in_dim3A_515 : f32 to vector<16xf32>
        %broadcast_in_dim3A_517 = arith.constant 0.000000e+00 : f32
        %broadcast_in_dim3A_518 = vector.broadcast %broadcast_in_dim3A_517 : f32 to vector<16xf32>
        %broadcast_in_dim3A_519 = arith.constant 0.000000e+00 : f32
        %broadcast_in_dim3A_520 = vector.broadcast %broadcast_in_dim3A_519 : f32 to vector<16xf32>
        %broadcast_in_dim3A_521 = arith.constant 0.000000e+00 : f32
        %broadcast_in_dim3A_522 = vector.broadcast %broadcast_in_dim3A_521 : f32 to vector<16xf32>
        %scan3A_523 = arith.constant 0 : i32
        %scan3A_524 = arith.constant 32 : i32
        %scan3A_525 = arith.addi %scan3A_523, %scan3A_524 : i32
        %scan3A_526 = arith.constant 1 : i32
        %scan3A_527:8 = scf.for %scan3A_784 = %scan3A_523 to %scan3A_525 step %scan3A_526 iter_args(%scan3A_785 = %broadcast_in_dim3A_508, %scan3A_786 = %broadcast_in_dim3A_510, %scan3A_787 = %broadcast_in_dim3A_512, %scan3A_788 = %broadcast_in_dim3A_514, %scan3A_789 = %broadcast_in_dim3A_516, %scan3A_790 = %broadcast_in_dim3A_518, %scan3A_791 = %broadcast_in_dim3A_520, %scan3A_792 = %broadcast_in_dim3A_522) -> (vector<16xf32>, vector<16xf32>, vector<16xf32>, vector<16xf32>, vector<16xf32>, vector<16xf32>, vector<16xf32>, vector<16xf32>)  : i32 {
          %add3A_793 = arith.constant 32 : i32
          %add3A_794 = arith.addi %add3A_793, %scan3A_784 : i32
          %get3A = arith.index_cast %add3A_794 : i32 to index
          %get3A_795 = arith.constant 0 : index
          %get3A_796 = tpu.vector_load %arg7[%get3A, %get3A_795] {strides = array<i32>} : memref<128x128xf32, #tpu.memory_space<vmem>>, vector<1x16xf32>,
          %get3A_797 = vector.shape_cast %get3A_796 : vector<1x16xf32> to vector<16xf32>
          %add3A_798 = arith.addf %scan3A_785, %get3A_797 : vector<16xf32>
          %get3A_799 = arith.index_cast %add3A_794 : i32 to index
          %get3A_800 = arith.constant 16 : index
          %get3A_801 = tpu.vector_load %arg7[%get3A_799, %get3A_800] {strides = array<i32>} : memref<128x128xf32, #tpu.memory_space<vmem>>, vector<1x16xf32>,
          %get3A_802 = vector.shape_cast %get3A_801 : vector<1x16xf32> to vector<16xf32>
          %add3A_803 = arith.addf %scan3A_786, %get3A_802 : vector<16xf32>
          %get3A_804 = arith.index_cast %add3A_794 : i32 to index
          %get3A_805 = arith.constant 32 : index
          %get3A_806 = tpu.vector_load %arg7[%get3A_804, %get3A_805] {strides = array<i32>} : memref<128x128xf32, #tpu.memory_space<vmem>>, vector<1x16xf32>,
          %get3A_807 = vector.shape_cast %get3A_806 : vector<1x16xf32> to vector<16xf32>
          %add3A_808 = arith.addf %scan3A_787, %get3A_807 : vector<16xf32>
          %get3A_809 = arith.index_cast %add3A_794 : i32 to index
          %get3A_810 = arith.constant 48 : index
          %get3A_811 = tpu.vector_load %arg7[%get3A_809, %get3A_810] {strides = array<i32>} : memref<128x128xf32, #tpu.memory_space<vmem>>, vector<1x16xf32>,
          %get3A_812 = vector.shape_cast %get3A_811 : vector<1x16xf32> to vector<16xf32>
          %add3A_813 = arith.addf %scan3A_788, %get3A_812 : vector<16xf32>
          %get3A_814 = arith.index_cast %add3A_794 : i32 to index
          %get3A_815 = arith.constant 64 : index
          %get3A_816 = tpu.vector_load %arg7[%get3A_814, %get3A_815] {strides = array<i32>} : memref<128x128xf32, #tpu.memory_space<vmem>>, vector<1x16xf32>,
          %get3A_817 = vector.shape_cast %get3A_816 : vector<1x16xf32> to vector<16xf32>
          %add3A_818 = arith.addf %scan3A_789, %get3A_817 : vector<16xf32>
          %get3A_819 = arith.index_cast %add3A_794 : i32 to index
          %get3A_820 = arith.constant 80 : index
          %get3A_821 = tpu.vector_load %arg7[%get3A_819, %get3A_820] {strides = array<i32>} : memref<128x128xf32, #tpu.memory_space<vmem>>, vector<1x16xf32>,
          %get3A_822 = vector.shape_cast %get3A_821 : vector<1x16xf32> to vector<16xf32>
          %add3A_823 = arith.addf %scan3A_790, %get3A_822 : vector<16xf32>
          %get3A_824 = arith.index_cast %add3A_794 : i32 to index
          %get3A_825 = arith.constant 96 : index
          %get3A_826 = tpu.vector_load %arg7[%get3A_824, %get3A_825] {strides = array<i32>} : memref<128x128xf32, #tpu.memory_space<vmem>>, vector<1x16xf32>,
          %get3A_827 = vector.shape_cast %get3A_826 : vector<1x16xf32> to vector<16xf32>
          %add3A_828 = arith.addf %scan3A_791, %get3A_827 : vector<16xf32>
          %get3A_829 = arith.index_cast %add3A_794 : i32 to index
          %get3A_830 = arith.constant 112 : index
          %get3A_831 = tpu.vector_load %arg7[%get3A_829, %get3A_830] {strides = array<i32>} : memref<128x128xf32, #tpu.memory_space<vmem>>, vector<1x16xf32>,
          %get3A_832 = vector.shape_cast %get3A_831 : vector<1x16xf32> to vector<16xf32>
          %add3A_833 = arith.addf %scan3A_792, %get3A_832 : vector<16xf32>
          scf.yield %add3A_798, %add3A_803, %add3A_808, %add3A_813, %add3A_818, %add3A_823, %add3A_828, %add3A_833 : vector<16xf32>, vector<16xf32>, vector<16xf32>, vector<16xf32>, vector<16xf32>, vector<16xf32>, vector<16xf32>, vector<16xf32>
        }
        %scan3A_528 = arith.constant 32 : i32
        %mul3A_529 = arith.constant 4 : i32
        %mul3A_530 = arith.muli %add3A_409, %mul3A_529 : i32
        %add3A_531 = arith.constant 1 : i32
        %add3A_532 = arith.addi %mul3A_530, %add3A_531 : i32
        %mul3A_533 = arith.constant 3.125000e-02 : f32
        %mul3A_534 = vector.broadcast %mul3A_533 : f32 to vector<16xf32>
        %mul3A_535 = arith.mulf %scan3A_527#0, %mul3A_534 : vector<16xf32>
        %swap3A_536 = arith.index_cast %add3A_532 : i32 to index
        %swap3A_537 = arith.constant 0 : index
        %swap3A_538 = tpu.vector_load %arg8[%swap3A_536, %swap3A_537] {strides = array<i32>} : memref<608x128xf32, #tpu.memory_space<vmem>>, vector<1x16xf32>,
        %swap3A_539 = vector.shape_cast %swap3A_538 : vector<1x16xf32> to vector<16xf32>
        %swap3A_540 = vector.shape_cast %mul3A_535 : vector<16xf32> to vector<1x16xf32>
        tpu.vector_store %arg8[%swap3A_536, %swap3A_537], %swap3A_540 {strides = array<i32>} : memref<608x128xf32, #tpu.memory_space<vmem>>, vector<1x16xf32>,
        %mul3A_541 = arith.constant 3.125000e-02 : f32
        %mul3A_542 = vector.broadcast %mul3A_541 : f32 to vector<16xf32>
        %mul3A_543 = arith.mulf %scan3A_527#1, %mul3A_542 : vector<16xf32>
        %swap3A_544 = arith.index_cast %add3A_532 : i32 to index
        %swap3A_545 = arith.constant 16 : index
        %swap3A_546 = tpu.vector_load %arg8[%swap3A_544, %swap3A_545] {strides = array<i32>} : memref<608x128xf32, #tpu.memory_space<vmem>>, vector<1x16xf32>,
        %swap3A_547 = vector.shape_cast %swap3A_546 : vector<1x16xf32> to vector<16xf32>
        %swap3A_548 = vector.shape_cast %mul3A_543 : vector<16xf32> to vector<1x16xf32>
        tpu.vector_store %arg8[%swap3A_544, %swap3A_545], %swap3A_548 {strides = array<i32>} : memref<608x128xf32, #tpu.memory_space<vmem>>, vector<1x16xf32>,
        %mul3A_549 = arith.constant 3.125000e-02 : f32
        %mul3A_550 = vector.broadcast %mul3A_549 : f32 to vector<16xf32>
        %mul3A_551 = arith.mulf %scan3A_527#2, %mul3A_550 : vector<16xf32>
        %swap3A_552 = arith.index_cast %add3A_532 : i32 to index
        %swap3A_553 = arith.constant 32 : index
        %swap3A_554 = tpu.vector_load %arg8[%swap3A_552, %swap3A_553] {strides = array<i32>} : memref<608x128xf32, #tpu.memory_space<vmem>>, vector<1x16xf32>,
        %swap3A_555 = vector.shape_cast %swap3A_554 : vector<1x16xf32> to vector<16xf32>
        %swap3A_556 = vector.shape_cast %mul3A_551 : vector<16xf32> to vector<1x16xf32>
        tpu.vector_store %arg8[%swap3A_552, %swap3A_553], %swap3A_556 {strides = array<i32>} : memref<608x128xf32, #tpu.memory_space<vmem>>, vector<1x16xf32>,
        %mul3A_557 = arith.constant 3.125000e-02 : f32
        %mul3A_558 = vector.broadcast %mul3A_557 : f32 to vector<16xf32>
        %mul3A_559 = arith.mulf %scan3A_527#3, %mul3A_558 : vector<16xf32>
        %swap3A_560 = arith.index_cast %add3A_532 : i32 to index
        %swap3A_561 = arith.constant 48 : index
        %swap3A_562 = tpu.vector_load %arg8[%swap3A_560, %swap3A_561] {strides = array<i32>} : memref<608x128xf32, #tpu.memory_space<vmem>>, vector<1x16xf32>,
        %swap3A_563 = vector.shape_cast %swap3A_562 : vector<1x16xf32> to vector<16xf32>
        %swap3A_564 = vector.shape_cast %mul3A_559 : vector<16xf32> to vector<1x16xf32>
        tpu.vector_store %arg8[%swap3A_560, %swap3A_561], %swap3A_564 {strides = array<i32>} : memref<608x128xf32, #tpu.memory_space<vmem>>, vector<1x16xf32>,
        %mul3A_565 = arith.constant 3.125000e-02 : f32
        %mul3A_566 = vector.broadcast %mul3A_565 : f32 to vector<16xf32>
        %mul3A_567 = arith.mulf %scan3A_527#4, %mul3A_566 : vector<16xf32>
        %swap3A_568 = arith.index_cast %add3A_532 : i32 to index
        %swap3A_569 = arith.constant 64 : index
        %swap3A_570 = tpu.vector_load %arg8[%swap3A_568, %swap3A_569] {strides = array<i32>} : memref<608x128xf32, #tpu.memory_space<vmem>>, vector<1x16xf32>,
        %swap3A_571 = vector.shape_cast %swap3A_570 : vector<1x16xf32> to vector<16xf32>
        %swap3A_572 = vector.shape_cast %mul3A_567 : vector<16xf32> to vector<1x16xf32>
        tpu.vector_store %arg8[%swap3A_568, %swap3A_569], %swap3A_572 {strides = array<i32>} : memref<608x128xf32, #tpu.memory_space<vmem>>, vector<1x16xf32>,
        %mul3A_573 = arith.constant 3.125000e-02 : f32
        %mul3A_574 = vector.broadcast %mul3A_573 : f32 to vector<16xf32>
        %mul3A_575 = arith.mulf %scan3A_527#5, %mul3A_574 : vector<16xf32>
        %swap3A_576 = arith.index_cast %add3A_532 : i32 to index
        %swap3A_577 = arith.constant 80 : index
        %swap3A_578 = tpu.vector_load %arg8[%swap3A_576, %swap3A_577] {strides = array<i32>} : memref<608x128xf32, #tpu.memory_space<vmem>>, vector<1x16xf32>,
        %swap3A_579 = vector.shape_cast %swap3A_578 : vector<1x16xf32> to vector<16xf32>
        %swap3A_580 = vector.shape_cast %mul3A_575 : vector<16xf32> to vector<1x16xf32>
        tpu.vector_store %arg8[%swap3A_576, %swap3A_577], %swap3A_580 {strides = array<i32>} : memref<608x128xf32, #tpu.memory_space<vmem>>, vector<1x16xf32>,
        %mul3A_581 = arith.constant 3.125000e-02 : f32
        %mul3A_582 = vector.broadcast %mul3A_581 : f32 to vector<16xf32>
        %mul3A_583 = arith.mulf %scan3A_527#6, %mul3A_582 : vector<16xf32>
        %swap3A_584 = arith.index_cast %add3A_532 : i32 to index
        %swap3A_585 = arith.constant 96 : index
        %swap3A_586 = tpu.vector_load %arg8[%swap3A_584, %swap3A_585] {strides = array<i32>} : memref<608x128xf32, #tpu.memory_space<vmem>>, vector<1x16xf32>,
        %swap3A_587 = vector.shape_cast %swap3A_586 : vector<1x16xf32> to vector<16xf32>
        %swap3A_588 = vector.shape_cast %mul3A_583 : vector<16xf32> to vector<1x16xf32>
        tpu.vector_store %arg8[%swap3A_584, %swap3A_585], %swap3A_588 {strides = array<i32>} : memref<608x128xf32, #tpu.memory_space<vmem>>, vector<1x16xf32>,
        %mul3A_589 = arith.constant 3.125000e-02 : f32
        %mul3A_590 = vector.broadcast %mul3A_589 : f32 to vector<16xf32>
        %mul3A_591 = arith.mulf %scan3A_527#7, %mul3A_590 : vector<16xf32>
        %swap3A_592 = arith.index_cast %add3A_532 : i32 to index
        %swap3A_593 = arith.constant 112 : index
        %swap3A_594 = tpu.vector_load %arg8[%swap3A_592, %swap3A_593] {strides = array<i32>} : memref<608x128xf32, #tpu.memory_space<vmem>>, vector<1x16xf32>,
        %swap3A_595 = vector.shape_cast %swap3A_594 : vector<1x16xf32> to vector<16xf32>
        %swap3A_596 = vector.shape_cast %mul3A_591 : vector<16xf32> to vector<1x16xf32>
        tpu.vector_store %arg8[%swap3A_592, %swap3A_593], %swap3A_596 {strides = array<i32>} : memref<608x128xf32, #tpu.memory_space<vmem>>, vector<1x16xf32>,
        %broadcast_in_dim3A_597 = arith.constant 0.000000e+00 : f32
        %broadcast_in_dim3A_598 = vector.broadcast %broadcast_in_dim3A_597 : f32 to vector<16xf32>
        %broadcast_in_dim3A_599 = arith.constant 0.000000e+00 : f32
        %broadcast_in_dim3A_600 = vector.broadcast %broadcast_in_dim3A_599 : f32 to vector<16xf32>
        %broadcast_in_dim3A_601 = arith.constant 0.000000e+00 : f32
        %broadcast_in_dim3A_602 = vector.broadcast %broadcast_in_dim3A_601 : f32 to vector<16xf32>
        %broadcast_in_dim3A_603 = arith.constant 0.000000e+00 : f32
        %broadcast_in_dim3A_604 = vector.broadcast %broadcast_in_dim3A_603 : f32 to vector<16xf32>
        %broadcast_in_dim3A_605 = arith.constant 0.000000e+00 : f32
        %broadcast_in_dim3A_606 = vector.broadcast %broadcast_in_dim3A_605 : f32 to vector<16xf32>
        %broadcast_in_dim3A_607 = arith.constant 0.000000e+00 : f32
        %broadcast_in_dim3A_608 = vector.broadcast %broadcast_in_dim3A_607 : f32 to vector<16xf32>
        %broadcast_in_dim3A_609 = arith.constant 0.000000e+00 : f32
        %broadcast_in_dim3A_610 = vector.broadcast %broadcast_in_dim3A_609 : f32 to vector<16xf32>
        %broadcast_in_dim3A_611 = arith.constant 0.000000e+00 : f32
        %broadcast_in_dim3A_612 = vector.broadcast %broadcast_in_dim3A_611 : f32 to vector<16xf32>
        %scan3A_613 = arith.constant 0 : i32
        %scan3A_614 = arith.constant 32 : i32
        %scan3A_615 = arith.addi %scan3A_613, %scan3A_614 : i32
        %scan3A_616 = arith.constant 1 : i32
        %scan3A_617:8 = scf.for %scan3A_784 = %scan3A_613 to %scan3A_615 step %scan3A_616 iter_args(%scan3A_785 = %broadcast_in_dim3A_598, %scan3A_786 = %broadcast_in_dim3A_600, %scan3A_787 = %broadcast_in_dim3A_602, %scan3A_788 = %broadcast_in_dim3A_604, %scan3A_789 = %broadcast_in_dim3A_606, %scan3A_790 = %broadcast_in_dim3A_608, %scan3A_791 = %broadcast_in_dim3A_610, %scan3A_792 = %broadcast_in_dim3A_612) -> (vector<16xf32>, vector<16xf32>, vector<16xf32>, vector<16xf32>, vector<16xf32>, vector<16xf32>, vector<16xf32>, vector<16xf32>)  : i32 {
          %add3A_793 = arith.constant 64 : i32
          %add3A_794 = arith.addi %add3A_793, %scan3A_784 : i32
          %get3A = arith.index_cast %add3A_794 : i32 to index
          %get3A_795 = arith.constant 0 : index
          %get3A_796 = tpu.vector_load %arg7[%get3A, %get3A_795] {strides = array<i32>} : memref<128x128xf32, #tpu.memory_space<vmem>>, vector<1x16xf32>,
          %get3A_797 = vector.shape_cast %get3A_796 : vector<1x16xf32> to vector<16xf32>
          %add3A_798 = arith.addf %scan3A_785, %get3A_797 : vector<16xf32>
          %get3A_799 = arith.index_cast %add3A_794 : i32 to index
          %get3A_800 = arith.constant 16 : index
          %get3A_801 = tpu.vector_load %arg7[%get3A_799, %get3A_800] {strides = array<i32>} : memref<128x128xf32, #tpu.memory_space<vmem>>, vector<1x16xf32>,
          %get3A_802 = vector.shape_cast %get3A_801 : vector<1x16xf32> to vector<16xf32>
          %add3A_803 = arith.addf %scan3A_786, %get3A_802 : vector<16xf32>
          %get3A_804 = arith.index_cast %add3A_794 : i32 to index
          %get3A_805 = arith.constant 32 : index
          %get3A_806 = tpu.vector_load %arg7[%get3A_804, %get3A_805] {strides = array<i32>} : memref<128x128xf32, #tpu.memory_space<vmem>>, vector<1x16xf32>,
          %get3A_807 = vector.shape_cast %get3A_806 : vector<1x16xf32> to vector<16xf32>
          %add3A_808 = arith.addf %scan3A_787, %get3A_807 : vector<16xf32>
          %get3A_809 = arith.index_cast %add3A_794 : i32 to index
          %get3A_810 = arith.constant 48 : index
          %get3A_811 = tpu.vector_load %arg7[%get3A_809, %get3A_810] {strides = array<i32>} : memref<128x128xf32, #tpu.memory_space<vmem>>, vector<1x16xf32>,
          %get3A_812 = vector.shape_cast %get3A_811 : vector<1x16xf32> to vector<16xf32>
          %add3A_813 = arith.addf %scan3A_788, %get3A_812 : vector<16xf32>
          %get3A_814 = arith.index_cast %add3A_794 : i32 to index
          %get3A_815 = arith.constant 64 : index
          %get3A_816 = tpu.vector_load %arg7[%get3A_814, %get3A_815] {strides = array<i32>} : memref<128x128xf32, #tpu.memory_space<vmem>>, vector<1x16xf32>,
          %get3A_817 = vector.shape_cast %get3A_816 : vector<1x16xf32> to vector<16xf32>
          %add3A_818 = arith.addf %scan3A_789, %get3A_817 : vector<16xf32>
          %get3A_819 = arith.index_cast %add3A_794 : i32 to index
          %get3A_820 = arith.constant 80 : index
          %get3A_821 = tpu.vector_load %arg7[%get3A_819, %get3A_820] {strides = array<i32>} : memref<128x128xf32, #tpu.memory_space<vmem>>, vector<1x16xf32>,
          %get3A_822 = vector.shape_cast %get3A_821 : vector<1x16xf32> to vector<16xf32>
          %add3A_823 = arith.addf %scan3A_790, %get3A_822 : vector<16xf32>
          %get3A_824 = arith.index_cast %add3A_794 : i32 to index
          %get3A_825 = arith.constant 96 : index
          %get3A_826 = tpu.vector_load %arg7[%get3A_824, %get3A_825] {strides = array<i32>} : memref<128x128xf32, #tpu.memory_space<vmem>>, vector<1x16xf32>,
          %get3A_827 = vector.shape_cast %get3A_826 : vector<1x16xf32> to vector<16xf32>
          %add3A_828 = arith.addf %scan3A_791, %get3A_827 : vector<16xf32>
          %get3A_829 = arith.index_cast %add3A_794 : i32 to index
          %get3A_830 = arith.constant 112 : index
          %get3A_831 = tpu.vector_load %arg7[%get3A_829, %get3A_830] {strides = array<i32>} : memref<128x128xf32, #tpu.memory_space<vmem>>, vector<1x16xf32>,
          %get3A_832 = vector.shape_cast %get3A_831 : vector<1x16xf32> to vector<16xf32>
          %add3A_833 = arith.addf %scan3A_792, %get3A_832 : vector<16xf32>
          scf.yield %add3A_798, %add3A_803, %add3A_808, %add3A_813, %add3A_818, %add3A_823, %add3A_828, %add3A_833 : vector<16xf32>, vector<16xf32>, vector<16xf32>, vector<16xf32>, vector<16xf32>, vector<16xf32>, vector<16xf32>, vector<16xf32>
        }
        %scan3A_618 = arith.constant 32 : i32
        %mul3A_619 = arith.constant 4 : i32
        %mul3A_620 = arith.muli %add3A_409, %mul3A_619 : i32
        %add3A_621 = arith.constant 2 : i32
        %add3A_622 = arith.addi %mul3A_620, %add3A_621 : i32
        %mul3A_623 = arith.constant 3.125000e-02 : f32
        %mul3A_624 = vector.broadcast %mul3A_623 : f32 to vector<16xf32>
        %mul3A_625 = arith.mulf %scan3A_617#0, %mul3A_624 : vector<16xf32>
        %swap3A_626 = arith.index_cast %add3A_622 : i32 to index
        %swap3A_627 = arith.constant 0 : index
        %swap3A_628 = tpu.vector_load %arg8[%swap3A_626, %swap3A_627] {strides = array<i32>} : memref<608x128xf32, #tpu.memory_space<vmem>>, vector<1x16xf32>,
        %swap3A_629 = vector.shape_cast %swap3A_628 : vector<1x16xf32> to vector<16xf32>
        %swap3A_630 = vector.shape_cast %mul3A_625 : vector<16xf32> to vector<1x16xf32>
        tpu.vector_store %arg8[%swap3A_626, %swap3A_627], %swap3A_630 {strides = array<i32>} : memref<608x128xf32, #tpu.memory_space<vmem>>, vector<1x16xf32>,
        %mul3A_631 = arith.constant 3.125000e-02 : f32
        %mul3A_632 = vector.broadcast %mul3A_631 : f32 to vector<16xf32>
        %mul3A_633 = arith.mulf %scan3A_617#1, %mul3A_632 : vector<16xf32>
        %swap3A_634 = arith.index_cast %add3A_622 : i32 to index
        %swap3A_635 = arith.constant 16 : index
        %swap3A_636 = tpu.vector_load %arg8[%swap3A_634, %swap3A_635] {strides = array<i32>} : memref<608x128xf32, #tpu.memory_space<vmem>>, vector<1x16xf32>,
        %swap3A_637 = vector.shape_cast %swap3A_636 : vector<1x16xf32> to vector<16xf32>
        %swap3A_638 = vector.shape_cast %mul3A_633 : vector<16xf32> to vector<1x16xf32>
        tpu.vector_store %arg8[%swap3A_634, %swap3A_635], %swap3A_638 {strides = array<i32>} : memref<608x128xf32, #tpu.memory_space<vmem>>, vector<1x16xf32>,
        %mul3A_639 = arith.constant 3.125000e-02 : f32
        %mul3A_640 = vector.broadcast %mul3A_639 : f32 to vector<16xf32>
        %mul3A_641 = arith.mulf %scan3A_617#2, %mul3A_640 : vector<16xf32>
        %swap3A_642 = arith.index_cast %add3A_622 : i32 to index
        %swap3A_643 = arith.constant 32 : index
        %swap3A_644 = tpu.vector_load %arg8[%swap3A_642, %swap3A_643] {strides = array<i32>} : memref<608x128xf32, #tpu.memory_space<vmem>>, vector<1x16xf32>,
        %swap3A_645 = vector.shape_cast %swap3A_644 : vector<1x16xf32> to vector<16xf32>
        %swap3A_646 = vector.shape_cast %mul3A_641 : vector<16xf32> to vector<1x16xf32>
        tpu.vector_store %arg8[%swap3A_642, %swap3A_643], %swap3A_646 {strides = array<i32>} : memref<608x128xf32, #tpu.memory_space<vmem>>, vector<1x16xf32>,
        %mul3A_647 = arith.constant 3.125000e-02 : f32
        %mul3A_648 = vector.broadcast %mul3A_647 : f32 to vector<16xf32>
        %mul3A_649 = arith.mulf %scan3A_617#3, %mul3A_648 : vector<16xf32>
        %swap3A_650 = arith.index_cast %add3A_622 : i32 to index
        %swap3A_651 = arith.constant 48 : index
        %swap3A_652 = tpu.vector_load %arg8[%swap3A_650, %swap3A_651] {strides = array<i32>} : memref<608x128xf32, #tpu.memory_space<vmem>>, vector<1x16xf32>,
        %swap3A_653 = vector.shape_cast %swap3A_652 : vector<1x16xf32> to vector<16xf32>
        %swap3A_654 = vector.shape_cast %mul3A_649 : vector<16xf32> to vector<1x16xf32>
        tpu.vector_store %arg8[%swap3A_650, %swap3A_651], %swap3A_654 {strides = array<i32>} : memref<608x128xf32, #tpu.memory_space<vmem>>, vector<1x16xf32>,
        %mul3A_655 = arith.constant 3.125000e-02 : f32
        %mul3A_656 = vector.broadcast %mul3A_655 : f32 to vector<16xf32>
        %mul3A_657 = arith.mulf %scan3A_617#4, %mul3A_656 : vector<16xf32>
        %swap3A_658 = arith.index_cast %add3A_622 : i32 to index
        %swap3A_659 = arith.constant 64 : index
        %swap3A_660 = tpu.vector_load %arg8[%swap3A_658, %swap3A_659] {strides = array<i32>} : memref<608x128xf32, #tpu.memory_space<vmem>>, vector<1x16xf32>,
        %swap3A_661 = vector.shape_cast %swap3A_660 : vector<1x16xf32> to vector<16xf32>
        %swap3A_662 = vector.shape_cast %mul3A_657 : vector<16xf32> to vector<1x16xf32>
        tpu.vector_store %arg8[%swap3A_658, %swap3A_659], %swap3A_662 {strides = array<i32>} : memref<608x128xf32, #tpu.memory_space<vmem>>, vector<1x16xf32>,
        %mul3A_663 = arith.constant 3.125000e-02 : f32
        %mul3A_664 = vector.broadcast %mul3A_663 : f32 to vector<16xf32>
        %mul3A_665 = arith.mulf %scan3A_617#5, %mul3A_664 : vector<16xf32>
        %swap3A_666 = arith.index_cast %add3A_622 : i32 to index
        %swap3A_667 = arith.constant 80 : index
        %swap3A_668 = tpu.vector_load %arg8[%swap3A_666, %swap3A_667] {strides = array<i32>} : memref<608x128xf32, #tpu.memory_space<vmem>>, vector<1x16xf32>,
        %swap3A_669 = vector.shape_cast %swap3A_668 : vector<1x16xf32> to vector<16xf32>
        %swap3A_670 = vector.shape_cast %mul3A_665 : vector<16xf32> to vector<1x16xf32>
        tpu.vector_store %arg8[%swap3A_666, %swap3A_667], %swap3A_670 {strides = array<i32>} : memref<608x128xf32, #tpu.memory_space<vmem>>, vector<1x16xf32>,
        %mul3A_671 = arith.constant 3.125000e-02 : f32
        %mul3A_672 = vector.broadcast %mul3A_671 : f32 to vector<16xf32>
        %mul3A_673 = arith.mulf %scan3A_617#6, %mul3A_672 : vector<16xf32>
        %swap3A_674 = arith.index_cast %add3A_622 : i32 to index
        %swap3A_675 = arith.constant 96 : index
        %swap3A_676 = tpu.vector_load %arg8[%swap3A_674, %swap3A_675] {strides = array<i32>} : memref<608x128xf32, #tpu.memory_space<vmem>>, vector<1x16xf32>,
        %swap3A_677 = vector.shape_cast %swap3A_676 : vector<1x16xf32> to vector<16xf32>
        %swap3A_678 = vector.shape_cast %mul3A_673 : vector<16xf32> to vector<1x16xf32>
        tpu.vector_store %arg8[%swap3A_674, %swap3A_675], %swap3A_678 {strides = array<i32>} : memref<608x128xf32, #tpu.memory_space<vmem>>, vector<1x16xf32>,
        %mul3A_679 = arith.constant 3.125000e-02 : f32
        %mul3A_680 = vector.broadcast %mul3A_679 : f32 to vector<16xf32>
        %mul3A_681 = arith.mulf %scan3A_617#7, %mul3A_680 : vector<16xf32>
        %swap3A_682 = arith.index_cast %add3A_622 : i32 to index
        %swap3A_683 = arith.constant 112 : index
        %swap3A_684 = tpu.vector_load %arg8[%swap3A_682, %swap3A_683] {strides = array<i32>} : memref<608x128xf32, #tpu.memory_space<vmem>>, vector<1x16xf32>,
        %swap3A_685 = vector.shape_cast %swap3A_684 : vector<1x16xf32> to vector<16xf32>
        %swap3A_686 = vector.shape_cast %mul3A_681 : vector<16xf32> to vector<1x16xf32>
        tpu.vector_store %arg8[%swap3A_682, %swap3A_683], %swap3A_686 {strides = array<i32>} : memref<608x128xf32, #tpu.memory_space<vmem>>, vector<1x16xf32>,
        %broadcast_in_dim3A_687 = arith.constant 0.000000e+00 : f32
        %broadcast_in_dim3A_688 = vector.broadcast %broadcast_in_dim3A_687 : f32 to vector<16xf32>
        %broadcast_in_dim3A_689 = arith.constant 0.000000e+00 : f32
        %broadcast_in_dim3A_690 = vector.broadcast %broadcast_in_dim3A_689 : f32 to vector<16xf32>
        %broadcast_in_dim3A_691 = arith.constant 0.000000e+00 : f32
        %broadcast_in_dim3A_692 = vector.broadcast %broadcast_in_dim3A_691 : f32 to vector<16xf32>
        %broadcast_in_dim3A_693 = arith.constant 0.000000e+00 : f32
        %broadcast_in_dim3A_694 = vector.broadcast %broadcast_in_dim3A_693 : f32 to vector<16xf32>
        %broadcast_in_dim3A_695 = arith.constant 0.000000e+00 : f32
        %broadcast_in_dim3A_696 = vector.broadcast %broadcast_in_dim3A_695 : f32 to vector<16xf32>
        %broadcast_in_dim3A_697 = arith.constant 0.000000e+00 : f32
        %broadcast_in_dim3A_698 = vector.broadcast %broadcast_in_dim3A_697 : f32 to vector<16xf32>
        %broadcast_in_dim3A_699 = arith.constant 0.000000e+00 : f32
        %broadcast_in_dim3A_700 = vector.broadcast %broadcast_in_dim3A_699 : f32 to vector<16xf32>
        %broadcast_in_dim3A_701 = arith.constant 0.000000e+00 : f32
        %broadcast_in_dim3A_702 = vector.broadcast %broadcast_in_dim3A_701 : f32 to vector<16xf32>
        %scan3A_703 = arith.constant 0 : i32
        %scan3A_704 = arith.constant 32 : i32
        %scan3A_705 = arith.addi %scan3A_703, %scan3A_704 : i32
        %scan3A_706 = arith.constant 1 : i32
        %scan3A_707:8 = scf.for %scan3A_784 = %scan3A_703 to %scan3A_705 step %scan3A_706 iter_args(%scan3A_785 = %broadcast_in_dim3A_688, %scan3A_786 = %broadcast_in_dim3A_690, %scan3A_787 = %broadcast_in_dim3A_692, %scan3A_788 = %broadcast_in_dim3A_694, %scan3A_789 = %broadcast_in_dim3A_696, %scan3A_790 = %broadcast_in_dim3A_698, %scan3A_791 = %broadcast_in_dim3A_700, %scan3A_792 = %broadcast_in_dim3A_702) -> (vector<16xf32>, vector<16xf32>, vector<16xf32>, vector<16xf32>, vector<16xf32>, vector<16xf32>, vector<16xf32>, vector<16xf32>)  : i32 {
          %add3A_793 = arith.constant 96 : i32
          %add3A_794 = arith.addi %add3A_793, %scan3A_784 : i32
          %get3A = arith.index_cast %add3A_794 : i32 to index
          %get3A_795 = arith.constant 0 : index
          %get3A_796 = tpu.vector_load %arg7[%get3A, %get3A_795] {strides = array<i32>} : memref<128x128xf32, #tpu.memory_space<vmem>>, vector<1x16xf32>,
          %get3A_797 = vector.shape_cast %get3A_796 : vector<1x16xf32> to vector<16xf32>
          %add3A_798 = arith.addf %scan3A_785, %get3A_797 : vector<16xf32>
          %get3A_799 = arith.index_cast %add3A_794 : i32 to index
          %get3A_800 = arith.constant 16 : index
          %get3A_801 = tpu.vector_load %arg7[%get3A_799, %get3A_800] {strides = array<i32>} : memref<128x128xf32, #tpu.memory_space<vmem>>, vector<1x16xf32>,
          %get3A_802 = vector.shape_cast %get3A_801 : vector<1x16xf32> to vector<16xf32>
          %add3A_803 = arith.addf %scan3A_786, %get3A_802 : vector<16xf32>
          %get3A_804 = arith.index_cast %add3A_794 : i32 to index
          %get3A_805 = arith.constant 32 : index
          %get3A_806 = tpu.vector_load %arg7[%get3A_804, %get3A_805] {strides = array<i32>} : memref<128x128xf32, #tpu.memory_space<vmem>>, vector<1x16xf32>,
          %get3A_807 = vector.shape_cast %get3A_806 : vector<1x16xf32> to vector<16xf32>
          %add3A_808 = arith.addf %scan3A_787, %get3A_807 : vector<16xf32>
          %get3A_809 = arith.index_cast %add3A_794 : i32 to index
          %get3A_810 = arith.constant 48 : index
          %get3A_811 = tpu.vector_load %arg7[%get3A_809, %get3A_810] {strides = array<i32>} : memref<128x128xf32, #tpu.memory_space<vmem>>, vector<1x16xf32>,
          %get3A_812 = vector.shape_cast %get3A_811 : vector<1x16xf32> to vector<16xf32>
          %add3A_813 = arith.addf %scan3A_788, %get3A_812 : vector<16xf32>
          %get3A_814 = arith.index_cast %add3A_794 : i32 to index
          %get3A_815 = arith.constant 64 : index
          %get3A_816 = tpu.vector_load %arg7[%get3A_814, %get3A_815] {strides = array<i32>} : memref<128x128xf32, #tpu.memory_space<vmem>>, vector<1x16xf32>,
          %get3A_817 = vector.shape_cast %get3A_816 : vector<1x16xf32> to vector<16xf32>
          %add3A_818 = arith.addf %scan3A_789, %get3A_817 : vector<16xf32>
          %get3A_819 = arith.index_cast %add3A_794 : i32 to index
          %get3A_820 = arith.constant 80 : index
          %get3A_821 = tpu.vector_load %arg7[%get3A_819, %get3A_820] {strides = array<i32>} : memref<128x128xf32, #tpu.memory_space<vmem>>, vector<1x16xf32>,
          %get3A_822 = vector.shape_cast %get3A_821 : vector<1x16xf32> to vector<16xf32>
          %add3A_823 = arith.addf %scan3A_790, %get3A_822 : vector<16xf32>
          %get3A_824 = arith.index_cast %add3A_794 : i32 to index
          %get3A_825 = arith.constant 96 : index
          %get3A_826 = tpu.vector_load %arg7[%get3A_824, %get3A_825] {strides = array<i32>} : memref<128x128xf32, #tpu.memory_space<vmem>>, vector<1x16xf32>,
          %get3A_827 = vector.shape_cast %get3A_826 : vector<1x16xf32> to vector<16xf32>
          %add3A_828 = arith.addf %scan3A_791, %get3A_827 : vector<16xf32>
          %get3A_829 = arith.index_cast %add3A_794 : i32 to index
          %get3A_830 = arith.constant 112 : index
          %get3A_831 = tpu.vector_load %arg7[%get3A_829, %get3A_830] {strides = array<i32>} : memref<128x128xf32, #tpu.memory_space<vmem>>, vector<1x16xf32>,
          %get3A_832 = vector.shape_cast %get3A_831 : vector<1x16xf32> to vector<16xf32>
          %add3A_833 = arith.addf %scan3A_792, %get3A_832 : vector<16xf32>
          scf.yield %add3A_798, %add3A_803, %add3A_808, %add3A_813, %add3A_818, %add3A_823, %add3A_828, %add3A_833 : vector<16xf32>, vector<16xf32>, vector<16xf32>, vector<16xf32>, vector<16xf32>, vector<16xf32>, vector<16xf32>, vector<16xf32>
        }
        %scan3A_708 = arith.constant 32 : i32
        %mul3A_709 = arith.constant 4 : i32
        %mul3A_710 = arith.muli %add3A_409, %mul3A_709 : i32
        %add3A_711 = arith.constant 3 : i32
        %add3A_712 = arith.addi %mul3A_710, %add3A_711 : i32
        %mul3A_713 = arith.constant 3.125000e-02 : f32
        %mul3A_714 = vector.broadcast %mul3A_713 : f32 to vector<16xf32>
        %mul3A_715 = arith.mulf %scan3A_707#0, %mul3A_714 : vector<16xf32>
        %swap3A_716 = arith.index_cast %add3A_712 : i32 to index
        %swap3A_717 = arith.constant 0 : index
        %swap3A_718 = tpu.vector_load %arg8[%swap3A_716, %swap3A_717] {strides = array<i32>} : memref<608x128xf32, #tpu.memory_space<vmem>>, vector<1x16xf32>,
        %swap3A_719 = vector.shape_cast %swap3A_718 : vector<1x16xf32> to vector<16xf32>
        %swap3A_720 = vector.shape_cast %mul3A_715 : vector<16xf32> to vector<1x16xf32>
        tpu.vector_store %arg8[%swap3A_716, %swap3A_717], %swap3A_720 {strides = array<i32>} : memref<608x128xf32, #tpu.memory_space<vmem>>, vector<1x16xf32>,
        %mul3A_721 = arith.constant 3.125000e-02 : f32
        %mul3A_722 = vector.broadcast %mul3A_721 : f32 to vector<16xf32>
        %mul3A_723 = arith.mulf %scan3A_707#1, %mul3A_722 : vector<16xf32>
        %swap3A_724 = arith.index_cast %add3A_712 : i32 to index
        %swap3A_725 = arith.constant 16 : index
        %swap3A_726 = tpu.vector_load %arg8[%swap3A_724, %swap3A_725] {strides = array<i32>} : memref<608x128xf32, #tpu.memory_space<vmem>>, vector<1x16xf32>,
        %swap3A_727 = vector.shape_cast %swap3A_726 : vector<1x16xf32> to vector<16xf32>
        %swap3A_728 = vector.shape_cast %mul3A_723 : vector<16xf32> to vector<1x16xf32>
        tpu.vector_store %arg8[%swap3A_724, %swap3A_725], %swap3A_728 {strides = array<i32>} : memref<608x128xf32, #tpu.memory_space<vmem>>, vector<1x16xf32>,
        %mul3A_729 = arith.constant 3.125000e-02 : f32
        %mul3A_730 = vector.broadcast %mul3A_729 : f32 to vector<16xf32>
        %mul3A_731 = arith.mulf %scan3A_707#2, %mul3A_730 : vector<16xf32>
        %swap3A_732 = arith.index_cast %add3A_712 : i32 to index
        %swap3A_733 = arith.constant 32 : index
        %swap3A_734 = tpu.vector_load %arg8[%swap3A_732, %swap3A_733] {strides = array<i32>} : memref<608x128xf32, #tpu.memory_space<vmem>>, vector<1x16xf32>,
        %swap3A_735 = vector.shape_cast %swap3A_734 : vector<1x16xf32> to vector<16xf32>
        %swap3A_736 = vector.shape_cast %mul3A_731 : vector<16xf32> to vector<1x16xf32>
        tpu.vector_store %arg8[%swap3A_732, %swap3A_733], %swap3A_736 {strides = array<i32>} : memref<608x128xf32, #tpu.memory_space<vmem>>, vector<1x16xf32>,
        %mul3A_737 = arith.constant 3.125000e-02 : f32
        %mul3A_738 = vector.broadcast %mul3A_737 : f32 to vector<16xf32>
        %mul3A_739 = arith.mulf %scan3A_707#3, %mul3A_738 : vector<16xf32>
        %swap3A_740 = arith.index_cast %add3A_712 : i32 to index
        %swap3A_741 = arith.constant 48 : index
        %swap3A_742 = tpu.vector_load %arg8[%swap3A_740, %swap3A_741] {strides = array<i32>} : memref<608x128xf32, #tpu.memory_space<vmem>>, vector<1x16xf32>,
        %swap3A_743 = vector.shape_cast %swap3A_742 : vector<1x16xf32> to vector<16xf32>
        %swap3A_744 = vector.shape_cast %mul3A_739 : vector<16xf32> to vector<1x16xf32>
        tpu.vector_store %arg8[%swap3A_740, %swap3A_741], %swap3A_744 {strides = array<i32>} : memref<608x128xf32, #tpu.memory_space<vmem>>, vector<1x16xf32>,
        %mul3A_745 = arith.constant 3.125000e-02 : f32
        %mul3A_746 = vector.broadcast %mul3A_745 : f32 to vector<16xf32>
        %mul3A_747 = arith.mulf %scan3A_707#4, %mul3A_746 : vector<16xf32>
        %swap3A_748 = arith.index_cast %add3A_712 : i32 to index
        %swap3A_749 = arith.constant 64 : index
        %swap3A_750 = tpu.vector_load %arg8[%swap3A_748, %swap3A_749] {strides = array<i32>} : memref<608x128xf32, #tpu.memory_space<vmem>>, vector<1x16xf32>,
        %swap3A_751 = vector.shape_cast %swap3A_750 : vector<1x16xf32> to vector<16xf32>
        %swap3A_752 = vector.shape_cast %mul3A_747 : vector<16xf32> to vector<1x16xf32>
        tpu.vector_store %arg8[%swap3A_748, %swap3A_749], %swap3A_752 {strides = array<i32>} : memref<608x128xf32, #tpu.memory_space<vmem>>, vector<1x16xf32>,
        %mul3A_753 = arith.constant 3.125000e-02 : f32
        %mul3A_754 = vector.broadcast %mul3A_753 : f32 to vector<16xf32>
        %mul3A_755 = arith.mulf %scan3A_707#5, %mul3A_754 : vector<16xf32>
        %swap3A_756 = arith.index_cast %add3A_712 : i32 to index
        %swap3A_757 = arith.constant 80 : index
        %swap3A_758 = tpu.vector_load %arg8[%swap3A_756, %swap3A_757] {strides = array<i32>} : memref<608x128xf32, #tpu.memory_space<vmem>>, vector<1x16xf32>,
        %swap3A_759 = vector.shape_cast %swap3A_758 : vector<1x16xf32> to vector<16xf32>
        %swap3A_760 = vector.shape_cast %mul3A_755 : vector<16xf32> to vector<1x16xf32>
        tpu.vector_store %arg8[%swap3A_756, %swap3A_757], %swap3A_760 {strides = array<i32>} : memref<608x128xf32, #tpu.memory_space<vmem>>, vector<1x16xf32>,
        %mul3A_761 = arith.constant 3.125000e-02 : f32
        %mul3A_762 = vector.broadcast %mul3A_761 : f32 to vector<16xf32>
        %mul3A_763 = arith.mulf %scan3A_707#6, %mul3A_762 : vector<16xf32>
        %swap3A_764 = arith.index_cast %add3A_712 : i32 to index
        %swap3A_765 = arith.constant 96 : index
        %swap3A_766 = tpu.vector_load %arg8[%swap3A_764, %swap3A_765] {strides = array<i32>} : memref<608x128xf32, #tpu.memory_space<vmem>>, vector<1x16xf32>,
        %swap3A_767 = vector.shape_cast %swap3A_766 : vector<1x16xf32> to vector<16xf32>
        %swap3A_768 = vector.shape_cast %mul3A_763 : vector<16xf32> to vector<1x16xf32>
        tpu.vector_store %arg8[%swap3A_764, %swap3A_765], %swap3A_768 {strides = array<i32>} : memref<608x128xf32, #tpu.memory_space<vmem>>, vector<1x16xf32>,
        %mul3A_769 = arith.constant 3.125000e-02 : f32
        %mul3A_770 = vector.broadcast %mul3A_769 : f32 to vector<16xf32>
        %mul3A_771 = arith.mulf %scan3A_707#7, %mul3A_770 : vector<16xf32>
        %swap3A_772 = arith.index_cast %add3A_712 : i32 to index
        %swap3A_773 = arith.constant 112 : index
        %swap3A_774 = tpu.vector_load %arg8[%swap3A_772, %swap3A_773] {strides = array<i32>} : memref<608x128xf32, #tpu.memory_space<vmem>>, vector<1x16xf32>,
        %swap3A_775 = vector.shape_cast %swap3A_774 : vector<1x16xf32> to vector<16xf32>
        %swap3A_776 = vector.shape_cast %mul3A_771 : vector<16xf32> to vector<1x16xf32>
        tpu.vector_store %arg8[%swap3A_772, %swap3A_773], %swap3A_776 {strides = array<i32>} : memref<608x128xf32, #tpu.memory_space<vmem>>, vector<1x16xf32>,
        %add3A_777 = arith.constant 2 : i32
        %add3A_778 = arith.addi %add3A_409, %add3A_777 : i32
        %lt3A_779 = arith.constant 8 : i32
        %lt3A_780 = arith.cmpi slt, %add3A_778, %lt3A_779 : i32
        %convert_element_type3A_781 = arith.extui %lt3A_780 : i1 to i32
        %cond3A_782 = arith.constant 0 : i32
        %cond3A_783 = arith.cmpi ne, %convert_element_type3A_781, %cond3A_782 : i32
        scf.if %cond3A_783 {
          %add3A_784 = arith.constant 2 : i32
          %add3A_785 = arith.addi %add3A_409, %add3A_784 : i32
          %dma_start3A_786 = arith.constant 0 : i32
          %dma_start3A_787 = tpu.memref_slice %arg5[%add3A_785, %dma_start3A_786] : memref<152x128xi32, #tpu.memory_space<vmem>> -> memref<1x128xi32, #tpu.memory_space<vmem>>
          %dma_start3A_788 = tpu.memref_squeeze %dma_start3A_787 : memref<1x128xi32, #tpu.memory_space<vmem>> -> memref<128xi32, #tpu.memory_space<vmem>>
          %dma_start3A_789 = arith.constant 0 : i32
          %dma_start3A_790 = arith.constant 0 : i32
          %dma_start3A_791 = tpu.memref_slice %arg3[%dma_start3A_789, %dma_start3A_790] : memref<100000x128xf32, #tpu.memory_space<hbm>> -> memref<100000x128xf32, #tpu.memory_space<hbm>>
          tpu.enqueue_indirect_dma source(%dma_start3A_791 : memref<100000x128xf32, #tpu.memory_space<hbm>>) target(%arg7 : memref<128x128xf32, #tpu.memory_space<vmem>>) offsets(%dma_start3A_788 : memref<128xi32, #tpu.memory_space<vmem>>) semaphore(%arg10 : memref<!tpu.dma_semaphore, #tpu.memory_space<semaphore_mem>>)
        } else {
        }
      }
      %scan3A_30 = arith.constant 4 : i32
      "tpu.region"() ({
        %run_scoped3A = tpu.sem_alloc : memref<!tpu.dma_semaphore, #tpu.memory_space<semaphore_mem>>
        %dma_start3A_31 = arith.constant 0 : i32
        %dma_start3A_32 = arith.constant 0 : i32
        %dma_start3A_33 = tpu.memref_slice %arg8[%dma_start3A_31, %dma_start3A_32] : memref<608x128xf32, #tpu.memory_space<vmem>> -> memref<32x128xf32, #tpu.memory_space<vmem>>
        %dma_start3A_34 = arith.constant 0 : i32
        %dma_start3A_35 = tpu.memref_slice %arg4[%add3A_8, %dma_start3A_34] : memref<10240x128xf32, #tpu.memory_space<hbm>> -> memref<32x128xf32, #tpu.memory_space<hbm>>
        %dma_start3A_36 = arith.constant 0 : i32
        %dma_start3A_37 = tpu.memref_slice %arg4[%add3A_8, %dma_start3A_36] : memref<10240x128xf32, #tpu.memory_space<hbm>> -> memref<32x128xf32, #tpu.memory_space<hbm>>
        %dma_start3A_38 = arith.constant 0 : i32
        %dma_start3A_39 = arith.constant 0 : i32
        %dma_start3A_40 = tpu.memref_slice %arg8[%dma_start3A_38, %dma_start3A_39] : memref<608x128xf32, #tpu.memory_space<vmem>> -> memref<32x128xf32, #tpu.memory_space<vmem>>
        tpu.enqueue_dma source(%dma_start3A_40 : memref<32x128xf32, #tpu.memory_space<vmem>>) target(%dma_start3A_37 : memref<32x128xf32, #tpu.memory_space<hbm>>) target_semaphore(%run_scoped3A : memref<!tpu.dma_semaphore, #tpu.memory_space<semaphore_mem>>)
        %dma_wait3A = arith.constant 0 : i32
        %dma_wait3A_41 = arith.constant 0 : i32
        %dma_wait3A_42 = tpu.memref_slice %arg8[%dma_wait3A, %dma_wait3A_41] : memref<608x128xf32, #tpu.memory_space<vmem>> -> memref<32x128xf32, #tpu.memory_space<vmem>>
        %dma_wait3A_43 = arith.constant 0 : i32
        %dma_wait3A_44 = tpu.memref_slice %arg4[%add3A_8, %dma_wait3A_43] : memref<10240x128xf32, #tpu.memory_space<hbm>> -> memref<32x128xf32, #tpu.memory_space<hbm>>
        %dma_wait3A_45 = arith.constant 0 : i32
        %dma_wait3A_46 = tpu.memref_slice %arg4[%add3A_8, %dma_wait3A_45] : memref<10240x128xf32, #tpu.memory_space<hbm>> -> memref<32x128xf32, #tpu.memory_space<hbm>>
        %dma_wait3A_47 = arith.constant 0 : i32
        %dma_wait3A_48 = arith.constant 0 : i32
        %dma_wait3A_49 = tpu.memref_slice %arg8[%dma_wait3A_47, %dma_wait3A_48] : memref<608x128xf32, #tpu.memory_space<vmem>> -> memref<32x128xf32, #tpu.memory_space<vmem>>
        tpu.wait_dma2 semaphore(%run_scoped3A : memref<!tpu.dma_semaphore, #tpu.memory_space<semaphore_mem>>) src(%dma_wait3A_49 : memref<32x128xf32, #tpu.memory_space<vmem>>) dst(%dma_wait3A_46 : memref<32x128xf32, #tpu.memory_space<hbm>>)
        tpu.yield
      }) : () -> ()
    } else {
    }
    return
  }
}

</mosaic_0001>

<sc_bundles>
// kernel: kernel.3.cloned.1.call-start
scs
__scs_entry_jumppad:
0x0: {  	(pc) =	sbr.rel $0x88, $3  }
0x1: {  	(tag) =	ssettag $0x0;
	lr =	simm.s32 $0x1  }
0x2: {  	[smem:$0x3F9F] =	sst lr;
	_ =	strace $0xD0000000  }
0x3: {  	_ = 	snop  }
0x4: {  	_ = 	snop  }
0x5: {  	_ = 	snop  }
0x6: {  	_ = 	snop  }
0x7: {  	_ = 	snop  }
__scs_overlays_trampoline_lowered:
0x8: {  	[smem:$0x3FAE] =	sst s0  }
0x9: {  	[smem:$0x3FAF] =	sst s1  }
0xa: {  	[smem:$0x3FB0] =	sst s2  }
0xb: {  	[smem:$0x3FB1] =	sst s3  }
0xc: {  	[smem:$0x3FB2] =	sst s4  }
0xd: {  	[smem:$0x3FB3] =	sst s5  }
0xe: {  	[smem:$0x3FB4] =	sst s6  }
0xf: {  	[smem:$0x3FB5] =	sst s7  }
0x10: {  	[smem:$0x3FB6] =	sst s8  }
0x11: {  	[smem:$0x3FB7] =	sst s9;
	s0 =	simm.s32 @!p0 $0x0  }
0x12: {  	s1 =	sld [smem:$0x3F9D];
	s0 =	simm.s32 @p0 $0x1  }
0x13: {  	[smem:$0x3FB8] =	sst s0;
	s0 =	simm.s32 @!p1 $0x0  }
0x14: {  	s2 =	sld [smem:$0x3F9C];
	s0 =	simm.s32 @p1 $0x1  }
0x15: {  	[smem:$0x3FB9] =	sst s0;
	s0 =	simm.s32 @!p2 $0x0  }
0x16: {  	s3 =	sld [smem:$0x3FDB];
	s0 =	simm.s32 @p2 $0x1  }
0x17: {  	s4 =	simm.s32 $0x1BF5;
	[smem:$0x3FBB] =	sst s0  }
0x18: {  	s0 =	sld [smem:$0x3F9E];
	_ =	swait.ge [sflag:s4], $0x0  }
0x19: {  	s7 =	sld [smem:$0x3F9F]  }
0x1a: {  	s8 =	sadd.s32 $0xFFFFE003, lr  }
0x1b: {  	s9 =	sadd.s32 $0xFFFFFEF7, lr;
	s5 =	simm.s32 $0xFFFFFFFF;
	p2 =	slt.u32 s8, $0xFFFFF086  }
0x1c: {  	p1 =	slt.u32 s9, $0xF7A;
	s5 =	simm.s32 @!p2 $0x0  }
0x1d: {  	s5 =	simm.s32 @p1 $0x1;
	p0 =	seq.s32 s7, s2  }
0x1e: {  	s7 =	smul.u32 @!p0 $0xF7A, s2;
	p2 =	seq.s32 @!p0 s5, $0x0  }
0x1f: {  	s9 =	smul.u32 $0xF7A, s1;
	s8 =	simm.s32 @!p0 $0x1BF5;
	p2 =	por !p2, p0  }
0x20: {  	[sflag:s8] =	ssyncset.s32 @!p0 $0xFFFFF086;
	s6 =	sadd.s32 @!p0 s3, s7;
	s7 =	simm.s32 @!p0 $0x108  }
0x21: {  	s3 =	sadd.s32 s3, s9;
	s6 =	sadd.s32 @!p0 $0x88, s6;
	s7 =	simm.s32 @p2 $0x1082  }
0x22: {  	[simem:s7], [sflag:s8] =	dma.local @!p0 [hbm:s6], $0xF7A  }
0x23: {  	s9 =	sor.u32 $0xD0000000, s2;
	s6 =	simm.s32 $0x108;
	_ =	swait.ge @!p0 [sflag:s8], $0x0  }
0x24: {  	s3 =	sadd.s32 $0x88, s3;
	s6 =	simm.s32 @!p1 $0x1082;
	[sflag:s4] =	ssyncset.s32 $0xFFFFF086  }
0x25: {  	[simem:s6], [sflag:s4] =	dma.local [hbm:s3], $0xF7A  }
0x26: {  	[smem:$0x3F9F] =	sst s1;
	(tag) =	ssettag s2;
	_ =	strace s9  }
0x27: {  	s1 =	sld [smem:$0x3FAF]  }
0x28: {  	s2 =	sld [smem:$0x3FB0]  }
0x29: {  	s4 =	sld [smem:$0x3FB2]  }
0x2a: {  	p0 =	seq.s32 s5, $0x0;
	s5 =	sld [smem:$0x3FB3]  }
0x2b: {  	s6 =	sld [smem:$0x3FB4]  }
0x2c: {  	s7 =	sld [smem:$0x3FB5]  }
0x2d: {  	s3 =	simm.s32 $0x108;
	s8 =	sld [smem:$0x3FB6]  }
0x2e: {  	s3 =	simm.s32 @!p0 $0x1082;
	s9 =	sld [smem:$0x3FB7]  }
0x2f: {  	lr =	sadd.s32 s0, s3;
	s0 =	sld [smem:$0x3FAE]  }
0x30: {  	s3 =	sld [smem:$0x3FB1]  }
0x31: {  	[smem:$0x3FBA] =	sst s10  }
0x32: {  	s10 =	sld [smem:$0x3FB8];
	_ =	sdelay $0x3  }
0x33: {  	p0 =	seq.s32 s10, $0x1;
	s10 =	sld [smem:$0x3FBA];
	_ =	sdelay $0x3  }
0x34: {  	[smem:$0x3FBA] =	sst s10  }
0x35: {  	s10 =	sld [smem:$0x3FB9];
	_ =	sdelay $0x3  }
0x36: {  	p1 =	seq.s32 s10, $0x1;
	s10 =	sld [smem:$0x3FBA];
	_ =	sdelay $0x3  }
0x37: {  	[smem:$0x3FBA] =	sst s10  }
0x38: {  	s10 =	sld [smem:$0x3FBB]  }
0x39: {  	_ = 	snop;
	(pc) =	sbr.ind lr, $3  }
0x3a: {  	_ = 	snop  }
0x3b: {  	_ = 	snop  }
0x3c: {  	p2 =	seq.s32 s10, $0x1;
	s10 =	sld [smem:$0x3FBA]  }
0x3d: {  	_ =	shalt  }
0x3e: {  	_ =	shalt  }
0x3f: {  	_ =	shalt  }
0x40: {  	_ =	shalt  }
0x41: {  	_ =	shalt  }
0x42: {  	_ =	shalt  }
0x43: {  	_ =	shalt  }
0x44: {  	_ =	shalt  }
0x45: {  	_ =	shalt  }
0x46: {  	_ =	shalt  }
0x47: {  	_ =	shalt  }
0x48: {  	_ =	shalt  }
0x49: {  	_ =	shalt  }
0x4a: {  	_ =	shalt  }
0x4b: {  	_ =	shalt  }
0x4c: {  	_ =	shalt  }
0x4d: {  	_ =	shalt  }
0x4e: {  	_ =	shalt  }
0x4f: {  	_ =	shalt  }
0x50: {  	_ =	shalt  }
0x51: {  	_ =	shalt  }
0x52: {  	_ =	shalt  }
0x53: {  	_ =	shalt  }
0x54: {  	_ =	shalt  }
0x55: {  	_ =	shalt  }
0x56: {  	_ =	shalt  }
0x57: {  	_ =	shalt  }
0x58: {  	_ =	shalt  }
0x59: {  	_ =	shalt  }
0x5a: {  	_ =	shalt  }
0x5b: {  	_ =	shalt  }
0x5c: {  	_ =	shalt  }
0x5d: {  	_ =	shalt  }
0x5e: {  	_ =	shalt  }
0x5f: {  	_ =	shalt  }
0x60: {  	_ =	shalt  }
0x61: {  	_ =	shalt  }
0x62: {  	_ =	shalt  }
0x63: {  	_ =	shalt  }
0x64: {  	_ =	shalt  }
0x65: {  	_ =	shalt  }
0x66: {  	_ =	shalt  }
0x67: {  	_ =	shalt  }
0x68: {  	_ =	shalt  }
0x69: {  	_ =	shalt  }
0x6a: {  	_ =	shalt  }
0x6b: {  	_ =	shalt  }
0x6c: {  	_ =	shalt  }
0x6d: {  	_ =	shalt  }
0x6e: {  	_ =	shalt  }
0x6f: {  	_ =	shalt  }
0x70: {  	_ =	shalt  }
0x71: {  	_ =	shalt  }
0x72: {  	_ =	shalt  }
0x73: {  	_ =	shalt  }
0x74: {  	_ =	shalt  }
0x75: {  	_ =	shalt  }
0x76: {  	_ =	shalt  }
0x77: {  	_ =	shalt  }
0x78: {  	_ =	shalt  }
0x79: {  	_ =	shalt  }
0x7a: {  	_ =	shalt  }
0x7b: {  	_ =	shalt  }
0x7c: {  	_ =	shalt  }
0x7d: {  	_ =	shalt  }
0x7e: {  	_ =	shalt  }
0x7f: {  	_ =	shalt  }
0x80: {  	_ =	shalt  }
0x81: {  	_ =	shalt  }
0x82: {  	_ =	shalt  }
0x83: {  	_ =	shalt  }
0x84: {  	_ =	shalt  }
0x85: {  	_ =	shalt  }
0x86: {  	_ =	shalt  }
0x87: {  	_ =	shalt  }
.Lfunc_end0:
.L_simem_size_0:
called_computation_lowered:
.L_overlay_start_0:
0x88: {  	s2 =	sld [smem:$0x3FD9]  }
0x89: {  	s3 =	sld [smem:$0x3FFE];
	_ =	sdelay $0x1  }
0x8a: {  	s1 =	srdreg.scid  }
0x8b: {  	s0 =	sand.u32 $0x1, s1  }
0x8c: {  	s17 =	sshll.u32 s0, $0xA;
	s2 =	sadd.s32 s3, s2  }
0x8d: {  	s2 =	sadd.s32 s2, s17  }
0x8e: {  	[smem:$0x3FC6] =	sst s2  }
0x8f: {  	_ = 	snop  }
0x90: {  	s2 =	sld [smem:$0x3FC8]  }
0x91: {  	s18 =	sld [smem:$0x3FD0];
	(tm) =	ssettm $0x1  }
0x92: {  	s4 =	sld [smem:$0x3FFB];
	_ =	sdelay $0x3  }
0x93: {  	_ =	strace s4  }
0x94: {  	s4 =	sld [smem:$0x3FFC];
	_ =	sdelay $0x3  }
0x95: {  	_ =	strace s4  }
0x96: {  	s4 =	sld [smem:$0x3FFD];
	_ =	sdelay $0x3  }
0x97: {  	_ =	strace s4  }
0x98: {  	_ =	strace $0x8FFFFFFF  }
0x99: {  	s19 =	sld [smem:$0x3FDB];
	_ =	sdelay $0x1  }
0x9a: {  	s5 =	simm.s32 $_scs_section_size  }
0x9b: {  	s6 =	simm.s32 $_size__tile_overlayer_lowered;
	s7 =	simm.s32 $_tile_overlayer_lowered  }
0x9c: {  	s22 =	simm.s32 $0x1BFF;
	s21 =	sshll.u32 s7, $0x1;
	s4 =	sadd.s32 s5, s19  }
0x9d: {  	s8 =	simm.s32 $0x0;
	s20 =	sshll.u32 s6, $0x1;
	s6 =	sadd.s32 s21, s4  }
0x9e: {  	[timem:s8], [sflag:s22] =	dma.local [hbm:s6], s20  }
0x9f: {  	_ =	swait.ge [sflag:s22], s20  }
0xa0: {  	s5 =	ssub.s32 $0x0, s20;
	[sflag:s22] =	ssyncset.done $0x0  }
0xa1: {  	[sflag:s22] =	ssyncadd.s32 s5;
	_ =	sdelay $0x1  }
0xa2: {  	s23 =	simm.s32 $0x1B8B  }
0xa3: {  	_ =	swait.ge [sflag:s23], $0x1  }
0xa4: {  	[sflag:s23] =	ssyncset.done $0x0  }
0xa5: {  	s25 =	simm.s32 $0x1B8E;
	s24 =	sld [smem:$0x3FFE];
	[sflag:s23] =	ssyncadd.s32 $0xFFFFFFFF  }
0xa6: {  	s26 =	simm.s32 $execute0_lowered;
	[smem:$0x3FD2] =	sst s25  }
0xa7: {  	s6 =	sshll.u32 s26, $0x1;
	_ =	strace $0x80000046;
	[dreg:$0x1] =	wrdreg $0xFFFFFFFF  }
0xa8: {  	s28 =	simm.s32 $_size_execute0_lowered;
	s4 =	sadd.s32 s4, s6;
	[dreg:$0x0] =	wrdreg $0x0  }
0xa9: {  	s6 =	sshll.u32 s28, $0x1;
	[dreg:$0x2] =	wrdreg s4  }
0xaa: {  	[dreg:$0x3] =	wrdreg s6  }
0xab: {  	[dreg:$0x4] =	wrdreg $0xC0  }
0xac: {  	_ =	task [dreg:s8], $0x5FFFF  }
0xad: {  	[dreg:$0x1] =	wrdreg $0xFFFFFFFF  }
0xae: {  	[dreg:$0x0] =	wrdreg $0x60  }
0xaf: {  	[dreg:$0x2] =	wrdreg s18  }
0xb0: {  	[dreg:$0x3] =	wrdreg s2  }
0xb1: {  	[dreg:$0x4] =	wrdreg s24  }
0xb2: {  	[dreg:$0x5] =	wrdreg $0x9  }
0xb3: {  	_ =	task.clear_ibuf [dreg:s8], $0x6FFFF;
	_ =	strace $0x90000046  }
0xb4: {  	s29 =	simm.s32 $0x9;
	_ =	strace $0x80000048  }
0xb5: {  	_ =	swait.ge [sflag:s29], $0x1  }
0xb6: {  	[sflag:s29] =	ssyncadd.s32 $0xFFFFFFFF  }
0xb7: {  	_ =	strace $0x90000048  }
0xb8: {  	_ =	sfence  }
0xb9: {  	s30 =	sld [smem:$0x0];
	_ =	sdelay $0x2  }
0xba: {  	s31 =	sshll.u32 s1, $0xD;
	s1 =	sshrl.u32 s1, $0x2  }
0xbb: {  	s3 =	sand.u32 $0x4000, s31;
	s1 =	sadd.s32 s1, s30  }
0xbc: {  	s0 =	sor.u32 s3, s0;
	s1 =	sshll.u32 s1, $0x11  }
0xbd: {  	s0 =	sor.u32 s1, s0  }
0xbe: {  	s0 =	sadd.s32 $0x8F2B, s0  }
0xbf: {  	[sflag:s0] =	ssyncadd.remote.s32 $0x1  }
0xc0: {  	_ =	sfence.sel $0xFFFF  }
0xc1: {  	[dreg:$0x0] =	wrdreg $0xFFFFFFFF;
	(pc) =	sbr.abs _section_cstart, $3  }
0xc2: {  	[dreg:$0x1] =	wrdreg $0xFFFFFFFF  }
0xc3: {  	_ =	task.clear_ibuf [dreg:s8], $0x2FFFF;
	_ =	strace $0x9FFFFFFF  }
0xc4: {  	(tm) =	ssettm $0x7FFFFFFF  }
0xc5: {  	_ =	shalt  }
tec
execute0_lowered:
.L_overlay_start_1:
0x0: {  	(tag) =	ssettag $0x1  }
0x1: {  	s5 =	rddreg [dreg:$0x0]  }
0x2: {  	s1 =	rddreg [dreg:$0x1]  }
0x3: {  	s3 =	rddreg [dreg:$0x2]  }
0x4: {  	s0 =	rddreg [dreg:$0x3];
	s2 =	simm.s32 $0x0  }
0x5: {  	s4 =	srdreg.scid;
	s11 =	simm.s32 $0x4C00;
	s12 =	simm.s32 $0x8C00  }
0x6: {  	s13 =	simm.s32 $0x1;
	s14 =	simm.s32 $0x2;
	s15 =	simm.s32 $0xCC00  }
0x7: {  	s16 =	simm.s32 $0x0;
	s7 =	sadd.s32 $0x400, s3;
	s3 =	stileid.u32  }
0x8: {  	[smem:$0x7FF] =	sst s2;
	s4 =	sand.u32 $0x1, s4;
	s30 =	smul.u32 $0x980, s3  }
0x9: {  	_ =	strace $0x80000047;
	s6 =	ssub.s32 $0x2, s4;
	s31 =	smul.u32 $0x2600, s3  }
.Ltmp0:
0xa: {  	p0 =	seq.s32 s4, $0x1;
	s10 =	sshll.u32 s3, $0x7;
	(pc) =	sbr.rel .LBB2_1-.Ltmp0, $4  }
0xb: {  	s9 =	sshll.u32 s3, $0x9;
	s8 =	sshrl.u32 s6, $0x1;
	s10 =	sadd.s32 s10, s5  }
0xc: {  	s9 =	sadd.s32 s9, s7;
	s8 =	ssub.s32 s6, s8;
	s4 =	sadd.s32 s5, s30  }
0xd: {  	s5 =	sadd.s32 s7, s31;
	s6 =	sadd.s32 $0x9800, s10;
	s7 =	sadd.s32 $0x26000, s9  }
0xe: {  	s9 =	simm.s32 $0x3;
	s10 =	simm.s32 $0x80;
	s8 =	smax.u32 s8, $0x1  }
.LBB2_41:
0xf: {  	[hbm4b:s7+s2] =	stream.linear.scatter [tilespmem:s15], [sflag:$0x3], $0x1000, $0x38;
	[tilespmem:$0x1FC00] =	vst v63  }
0x10: {  	_ =	swait.ge [sflag:s9], $0x1000  }
0x11: {  	[sflag:s9] =	ssyncset.done $0x0  }
0x12: {  	[sflag:s9] =	ssyncadd.s32 $0xFFFFF000  }
.LBB2_42:
0x13: {  	s16 =	sadd.s32 $0x1, s16  }
0x14: {  	p1 =	sne.s32 s16, s8  }
.Ltmp1:
0x15: {  	_ = 	snop;
	(pc) =	sbr.rel @!p1 .LBB2_43-.Ltmp1, $1  }
0x16: {  	_ =	sdelay $0x3  }
.LBB2_1:
.Ltmp2:
0x17: {  	(pc) =	sbr.rel @!p0 .LBB2_2-.Ltmp2, $2  }
0x18: {  	_ =	sdelay $0x2  }
0x19: {  	s17 =	simm.s32 $0x0  }
0x1a: {  	[tilespmem:s17], [sflag:$0x3] =	stream.linear.gather [hbm4b:s6+s17], $0x400, $0x38;
	[tilespmem:$0x1FC00] =	vst v63  }
0x1b: {  	_ =	swait.ge [sflag:s9], $0x400  }
0x1c: {  	[sflag:s9] =	ssyncset.done $0x0  }
0x1d: {  	[sflag:s9] =	ssyncadd.s32 $0xFFFFFC00  }
0x1e: {  	[tilespmem:s11], [sflag:$0x1] =	stream.indirect.gather [hbm4b:s1+s10], $0x80, s17, s10, $0xb8;
	[tilespmem:$0x1FC00] =	vst v63  }
0x1f: {  	_ = 	snop  }
0x20: {  	[tilespmem:s12], [sflag:$0x2] =	stream.indirect.gather [hbm4b:s1+s10], $0x80, s10, s10, $0xb8;
	[tilespmem:$0x1FC00] =	vst v63  }
.LBB2_23:
0x21: {  	_ =	swait.ge [sflag:s13], $0x4000  }
0x22: {  	[sflag:s13] =	ssyncset.done $0x0  }
0x23: {  	s20 =	simm.s32 $0x0;
	[sflag:s13] =	ssyncadd.s32 $0xFFFFC000  }
0x24: {  	v0 =	vld [tilespmem:s20+$0x4C70]  }
0x25: {  	v1 =	vld [tilespmem:s20+$0x4C00]  }
0x26: {  	v3 =	vld [tilespmem:s20+$0x4C10]  }
0x27: {  	v12 =	vld [tilespmem:s20+$0x4C20]  }
0x28: {  	v11 =	vld [tilespmem:s20+$0x4C30]  }
0x29: {  	v2 =	vimm.f32 $0.0e+00;
	v6 =	vimm.f32 $0.0e+00;
	v7 =	vld [tilespmem:s20+$0x4C40]  }
0x2a: {  	v9 =	vimm.f32 $0.0e+00;
	v8 =	vld [tilespmem:s20+$0x4C50];
	v0 =	vadd.f32 v0, v2;
	v5 =	vadd.f32 v1, v2  }
0x2b: {  	s18 =	simm.s32 $0x80;
	s19 =	simm.s32 $0x400;
	v10 =	vld [tilespmem:s20+$0x4C60];
	v4 =	vadd.f32 v3, v2;
	v3 =	vimm.f32 $0.0e+00;
	v1 =	vimm.f32 $0.0e+00  }
.LBB2_24:
0x2c: {  	p1 =	sne.s32 s19, $0x3E00;
	v13 =	vld [tilespmem:s18+$0x4C70];
	v2 =	vadd.f32 v12, v2  }
0x2d: {  	v14 =	vld [tilespmem:s18+$0x4C00];
	v6 =	vadd.f32 v11, v6  }
0x2e: {  	v15 =	vld [tilespmem:s18+$0x4C10];
	v9 =	vadd.f32 v7, v9  }
.Ltmp3:
0x2f: {  	v12 =	vld [tilespmem:s18+$0x4C20];
	v3 =	vadd.f32 v8, v3;
	(pc) =	sbr.rel @p1 .LBB2_24-.Ltmp3, $4  }
0x30: {  	v11 =	vld [tilespmem:s18+$0x4C30];
	v1 =	vadd.f32 v10, v1  }
0x31: {  	v7 =	vld [tilespmem:s18+$0x4C40];
	v0 =	vadd.f32 v13, v0  }
0x32: {  	v5 =	vadd.f32 v14, v5;
	v8 =	vld [tilespmem:s18+$0x4C50]  }
0x33: {  	v4 =	vadd.f32 v15, v4;
	v10 =	vld [tilespmem:s18+$0x4C60];
	s18 =	sshra.s32 s19, $0x2;
	s19 =	sadd.s32 $0x200, s19  }
0x34: {  	v13 =	vld [tilespmem:s18+$0x4C00]  }
0x35: {  	v14 =	vld [tilespmem:s18+$0x4C10]  }
0x36: {  	v15 =	vld [tilespmem:s18+$0x4C20]  }
0x37: {  	v2 =	vadd.f32 v12, v2;
	v12 =	vld [tilespmem:s18+$0x4C50]  }
0x38: {  	v6 =	vadd.f32 v11, v6;
	v11 =	vld [tilespmem:s18+$0x4C60]  }
0x39: {  	v16 =	vld [tilespmem:s18+$0x4C30];
	v7 =	vadd.f32 v7, v9;
	v5 =	vadd.f32 v13, v5  }
0x3a: {  	v17 =	vld [tilespmem:s18+$0x4C40];
	v3 =	vadd.f32 v8, v3;
	v4 =	vadd.f32 v14, v4  }
0x3b: {  	v9 =	vld [tilespmem:s18+$0x4C70];
	v1 =	vadd.f32 v10, v1;
	v2 =	vadd.f32 v15, v2;
	v5 =	vmul.f32 $3.125000000e-02, v5  }
0x3c: {  	s18 =	sshll.u32 s17, $0xA;
	v3 =	vadd.f32 v12, v3;
	v4 =	vmul.f32 $3.125000000e-02, v4  }
0x3d: {  	v1 =	vadd.f32 v11, v1;
	v2 =	vmul.f32 $3.125000000e-02, v2;
	[tilespmem:s18+$0xCC00] =	vst v5  }
0x3e: {  	v6 =	vadd.f32 v16, v6;
	v3 =	vmul.f32 $3.125000000e-02, v3;
	[tilespmem:s18+$0xCC10] =	vst v4  }
0x3f: {  	v7 =	vadd.f32 v17, v7;
	v1 =	vmul.f32 $3.125000000e-02, v1;
	[tilespmem:s18+$0xCC20] =	vst v2  }
0x40: {  	v0 =	vadd.f32 v9, v0;
	v4 =	vmul.f32 $3.125000000e-02, v6;
	[tilespmem:s18+$0xCC50] =	vst v3  }
0x41: {  	v2 =	vmul.f32 $3.125000000e-02, v7;
	[tilespmem:s18+$0xCC60] =	vst v1  }
0x42: {  	v0 =	vmul.f32 $3.125000000e-02, v0;
	[tilespmem:s18+$0xCC30] =	vst v4  }
0x43: {  	[tilespmem:s18+$0xCC40] =	vst v2  }
0x44: {  	s21 =	simm.s32 $0x0;
	[tilespmem:s18+$0xCC70] =	vst v0  }
0x45: {  	v0 =	vld [tilespmem:s21+$0x5C70]  }
0x46: {  	v2 =	vld [tilespmem:s21+$0x5C00]  }
0x47: {  	v3 =	vld [tilespmem:s21+$0x5C10]  }
0x48: {  	v12 =	vld [tilespmem:s21+$0x5C20]  }
0x49: {  	v10 =	vld [tilespmem:s21+$0x5C30]  }
0x4a: {  	v9 =	vimm.f32 $0.0e+00;
	v1 =	vimm.f32 $0.0e+00;
	v7 =	vld [tilespmem:s21+$0x5C40]  }
0x4b: {  	v6 =	vimm.f32 $0.0e+00;
	v8 =	vld [tilespmem:s21+$0x5C50];
	v0 =	vadd.f32 v0, v1;
	v5 =	vadd.f32 v2, v1  }
0x4c: {  	s19 =	simm.s32 $0x80;
	s20 =	simm.s32 $0x400;
	v11 =	vld [tilespmem:s21+$0x5C60];
	v4 =	vadd.f32 v3, v1;
	v3 =	vimm.f32 $0.0e+00;
	v2 =	vimm.f32 $0.0e+00  }
.LBB2_26:
0x4d: {  	p1 =	sne.s32 s20, $0x3E00;
	v13 =	vld [tilespmem:s19+$0x5C70];
	v1 =	vadd.f32 v12, v1  }
0x4e: {  	v14 =	vld [tilespmem:s19+$0x5C00];
	v6 =	vadd.f32 v10, v6  }
0x4f: {  	v15 =	vld [tilespmem:s19+$0x5C10];
	v9 =	vadd.f32 v7, v9  }
.Ltmp4:
0x50: {  	v12 =	vld [tilespmem:s19+$0x5C20];
	v3 =	vadd.f32 v8, v3;
	(pc) =	sbr.rel @p1 .LBB2_26-.Ltmp4, $4  }
0x51: {  	v10 =	vld [tilespmem:s19+$0x5C30];
	v2 =	vadd.f32 v11, v2  }
0x52: {  	v7 =	vld [tilespmem:s19+$0x5C40];
	v0 =	vadd.f32 v13, v0  }
0x53: {  	v5 =	vadd.f32 v14, v5;
	v8 =	vld [tilespmem:s19+$0x5C50]  }
0x54: {  	v4 =	vadd.f32 v15, v4;
	v11 =	vld [tilespmem:s19+$0x5C60];
	s19 =	sshra.s32 s20, $0x2;
	s20 =	sadd.s32 $0x200, s20  }
0x55: {  	v13 =	vld [tilespmem:s19+$0x5C00]  }
0x56: {  	v14 =	vld [tilespmem:s19+$0x5C10]  }
0x57: {  	v15 =	vld [tilespmem:s19+$0x5C20]  }
0x58: {  	v1 =	vadd.f32 v12, v1;
	v12 =	vld [tilespmem:s19+$0x5C50]  }
0x59: {  	v16 =	vld [tilespmem:s19+$0x5C30]  }
0x5a: {  	v17 =	vld [tilespmem:s19+$0x5C40];
	v7 =	vadd.f32 v7, v9;
	v5 =	vadd.f32 v13, v5  }
0x5b: {  	v9 =	vld [tilespmem:s19+$0x5C70];
	v3 =	vadd.f32 v8, v3;
	v4 =	vadd.f32 v14, v4  }
0x5c: {  	v6 =	vadd.f32 v10, v6;
	v10 =	vld [tilespmem:s19+$0x5C60];
	v1 =	vadd.f32 v15, v1;
	v5 =	vmul.f32 $3.125000000e-02, v5  }
0x5d: {  	v3 =	vadd.f32 v12, v3;
	v4 =	vmul.f32 $3.125000000e-02, v4  }
0x5e: {  	v6 =	vadd.f32 v16, v6;
	v1 =	vmul.f32 $3.125000000e-02, v1;
	[tilespmem:s18+$0xCC80] =	vst v5  }
0x5f: {  	v2 =	vadd.f32 v11, v2;
	v7 =	vadd.f32 v17, v7;
	v3 =	vmul.f32 $3.125000000e-02, v3;
	[tilespmem:s18+$0xCC90] =	vst v4  }
0x60: {  	v0 =	vadd.f32 v9, v0;
	v4 =	vmul.f32 $3.125000000e-02, v6;
	[tilespmem:s18+$0xCCA0] =	vst v1  }
0x61: {  	v2 =	vadd.f32 v10, v2;
	v1 =	vmul.f32 $3.125000000e-02, v7;
	[tilespmem:s18+$0xCCD0] =	vst v3  }
0x62: {  	v0 =	vmul.f32 $3.125000000e-02, v0;
	[tilespmem:s18+$0xCCB0] =	vst v4  }
0x63: {  	[tilespmem:s18+$0xCCC0] =	vst v1;
	v1 =	vmul.f32 $3.125000000e-02, v2  }
0x64: {  	[tilespmem:s18+$0xCCF0] =	vst v0  }
0x65: {  	s21 =	simm.s32 $0x0;
	[tilespmem:s18+$0xCCE0] =	vst v1  }
0x66: {  	v0 =	vld [tilespmem:s21+$0x6C70]  }
0x67: {  	v2 =	vld [tilespmem:s21+$0x6C00]  }
0x68: {  	v3 =	vld [tilespmem:s21+$0x6C10]  }
0x69: {  	v12 =	vld [tilespmem:s21+$0x6C20]  }
0x6a: {  	v10 =	vld [tilespmem:s21+$0x6C30]  }
0x6b: {  	v9 =	vimm.f32 $0.0e+00;
	v1 =	vimm.f32 $0.0e+00;
	v7 =	vld [tilespmem:s21+$0x6C40]  }
0x6c: {  	v6 =	vimm.f32 $0.0e+00;
	v8 =	vld [tilespmem:s21+$0x6C50];
	v0 =	vadd.f32 v0, v1;
	v5 =	vadd.f32 v2, v1  }
0x6d: {  	s20 =	simm.s32 $0x400;
	s19 =	simm.s32 $0x80;
	v11 =	vld [tilespmem:s21+$0x6C60];
	v4 =	vadd.f32 v3, v1;
	v3 =	vimm.f32 $0.0e+00;
	v2 =	vimm.f32 $0.0e+00  }
.LBB2_28:
0x6e: {  	p1 =	sne.s32 s20, $0x3E00;
	v13 =	vld [tilespmem:s19+$0x6C70];
	v1 =	vadd.f32 v12, v1  }
0x6f: {  	v14 =	vld [tilespmem:s19+$0x6C00];
	v6 =	vadd.f32 v10, v6  }
0x70: {  	v15 =	vld [tilespmem:s19+$0x6C10];
	v9 =	vadd.f32 v7, v9  }
.Ltmp5:
0x71: {  	v12 =	vld [tilespmem:s19+$0x6C20];
	v3 =	vadd.f32 v8, v3;
	(pc) =	sbr.rel @p1 .LBB2_28-.Ltmp5, $4  }
0x72: {  	v10 =	vld [tilespmem:s19+$0x6C30];
	v2 =	vadd.f32 v11, v2  }
0x73: {  	v7 =	vld [tilespmem:s19+$0x6C40];
	v0 =	vadd.f32 v13, v0  }
0x74: {  	v5 =	vadd.f32 v14, v5;
	v8 =	vld [tilespmem:s19+$0x6C50]  }
0x75: {  	v4 =	vadd.f32 v15, v4;
	v11 =	vld [tilespmem:s19+$0x6C60];
	s19 =	sshra.s32 s20, $0x2;
	s20 =	sadd.s32 $0x200, s20  }
0x76: {  	v13 =	vld [tilespmem:s19+$0x6C00]  }
0x77: {  	v14 =	vld [tilespmem:s19+$0x6C10]  }
0x78: {  	v15 =	vld [tilespmem:s19+$0x6C20]  }
0x79: {  	v1 =	vadd.f32 v12, v1;
	v12 =	vld [tilespmem:s19+$0x6C50]  }
0x7a: {  	v16 =	vld [tilespmem:s19+$0x6C30]  }
0x7b: {  	v17 =	vld [tilespmem:s19+$0x6C40];
	v7 =	vadd.f32 v7, v9;
	v5 =	vadd.f32 v13, v5  }
0x7c: {  	v9 =	vld [tilespmem:s19+$0x6C70];
	v3 =	vadd.f32 v8, v3;
	v4 =	vadd.f32 v14, v4  }
0x7d: {  	v6 =	vadd.f32 v10, v6;
	v10 =	vld [tilespmem:s19+$0x6C60];
	v1 =	vadd.f32 v15, v1;
	v5 =	vmul.f32 $3.125000000e-02, v5  }
0x7e: {  	v3 =	vadd.f32 v12, v3;
	v4 =	vmul.f32 $3.125000000e-02, v4  }
0x7f: {  	v6 =	vadd.f32 v16, v6;
	v1 =	vmul.f32 $3.125000000e-02, v1;
	[tilespmem:s18+$0xCD00] =	vst v5  }
0x80: {  	v2 =	vadd.f32 v11, v2;
	v7 =	vadd.f32 v17, v7;
	v3 =	vmul.f32 $3.125000000e-02, v3;
	[tilespmem:s18+$0xCD10] =	vst v4  }
0x81: {  	v0 =	vadd.f32 v9, v0;
	v4 =	vmul.f32 $3.125000000e-02, v6;
	[tilespmem:s18+$0xCD20] =	vst v1  }
0x82: {  	v2 =	vadd.f32 v10, v2;
	v1 =	vmul.f32 $3.125000000e-02, v7;
	[tilespmem:s18+$0xCD50] =	vst v3  }
0x83: {  	v0 =	vmul.f32 $3.125000000e-02, v0;
	[tilespmem:s18+$0xCD30] =	vst v4  }
0x84: {  	[tilespmem:s18+$0xCD40] =	vst v1;
	v1 =	vmul.f32 $3.125000000e-02, v2  }
0x85: {  	[tilespmem:s18+$0xCD70] =	vst v0  }
0x86: {  	s21 =	simm.s32 $0x0;
	[tilespmem:s18+$0xCD60] =	vst v1  }
0x87: {  	v0 =	vld [tilespmem:s21+$0x7C70]  }
0x88: {  	v2 =	vld [tilespmem:s21+$0x7C00]  }
0x89: {  	v3 =	vld [tilespmem:s21+$0x7C10]  }
0x8a: {  	v12 =	vld [tilespmem:s21+$0x7C20]  }
0x8b: {  	v10 =	vld [tilespmem:s21+$0x7C30]  }
0x8c: {  	v9 =	vimm.f32 $0.0e+00;
	v1 =	vimm.f32 $0.0e+00;
	v7 =	vld [tilespmem:s21+$0x7C40]  }
0x8d: {  	v6 =	vimm.f32 $0.0e+00;
	v8 =	vld [tilespmem:s21+$0x7C50];
	v0 =	vadd.f32 v0, v1;
	v5 =	vadd.f32 v2, v1  }
0x8e: {  	s20 =	simm.s32 $0x400;
	s19 =	simm.s32 $0x80;
	v11 =	vld [tilespmem:s21+$0x7C60];
	v4 =	vadd.f32 v3, v1;
	v3 =	vimm.f32 $0.0e+00;
	v2 =	vimm.f32 $0.0e+00  }
.LBB2_30:
0x8f: {  	p1 =	sne.s32 s20, $0x3E00;
	v13 =	vld [tilespmem:s19+$0x7C70];
	v1 =	vadd.f32 v12, v1  }
0x90: {  	v14 =	vld [tilespmem:s19+$0x7C00];
	v6 =	vadd.f32 v10, v6  }
0x91: {  	v15 =	vld [tilespmem:s19+$0x7C10];
	v9 =	vadd.f32 v7, v9  }
.Ltmp6:
0x92: {  	v12 =	vld [tilespmem:s19+$0x7C20];
	v3 =	vadd.f32 v8, v3;
	(pc) =	sbr.rel @p1 .LBB2_30-.Ltmp6, $4  }
0x93: {  	v10 =	vld [tilespmem:s19+$0x7C30];
	v2 =	vadd.f32 v11, v2  }
0x94: {  	v7 =	vld [tilespmem:s19+$0x7C40];
	v0 =	vadd.f32 v13, v0  }
0x95: {  	v5 =	vadd.f32 v14, v5;
	v8 =	vld [tilespmem:s19+$0x7C50]  }
0x96: {  	v4 =	vadd.f32 v15, v4;
	v11 =	vld [tilespmem:s19+$0x7C60];
	s19 =	sshra.s32 s20, $0x2;
	s20 =	sadd.s32 $0x200, s20  }
0x97: {  	v13 =	vld [tilespmem:s19+$0x7C00]  }
0x98: {  	v14 =	vld [tilespmem:s19+$0x7C10]  }
0x99: {  	v15 =	vld [tilespmem:s19+$0x7C20]  }
0x9a: {  	v1 =	vadd.f32 v12, v1;
	v12 =	vld [tilespmem:s19+$0x7C50]  }
0x9b: {  	v16 =	vld [tilespmem:s19+$0x7C30]  }
0x9c: {  	v17 =	vld [tilespmem:s19+$0x7C40];
	v7 =	vadd.f32 v7, v9;
	v5 =	vadd.f32 v13, v5  }
0x9d: {  	v9 =	vld [tilespmem:s19+$0x7C70];
	v3 =	vadd.f32 v8, v3;
	v4 =	vadd.f32 v14, v4  }
0x9e: {  	v6 =	vadd.f32 v10, v6;
	v10 =	vld [tilespmem:s19+$0x7C60];
	v1 =	vadd.f32 v15, v1;
	v5 =	vmul.f32 $3.125000000e-02, v5  }
0x9f: {  	v3 =	vadd.f32 v12, v3;
	v4 =	vmul.f32 $3.125000000e-02, v4  }
0xa0: {  	v6 =	vadd.f32 v16, v6;
	v1 =	vmul.f32 $3.125000000e-02, v1;
	[tilespmem:s18+$0xCD80] =	vst v5  }
0xa1: {  	v2 =	vadd.f32 v11, v2;
	v7 =	vadd.f32 v17, v7;
	v3 =	vmul.f32 $3.125000000e-02, v3;
	[tilespmem:s18+$0xCD90] =	vst v4  }
0xa2: {  	v0 =	vadd.f32 v9, v0;
	v4 =	vmul.f32 $3.125000000e-02, v6;
	[tilespmem:s18+$0xCDA0] =	vst v1  }
0xa3: {  	v2 =	vadd.f32 v10, v2;
	v1 =	vmul.f32 $3.125000000e-02, v7;
	[tilespmem:s18+$0xCDD0] =	vst v3  }
0xa4: {  	v0 =	vmul.f32 $3.125000000e-02, v0;
	[tilespmem:s18+$0xCDB0] =	vst v4  }
0xa5: {  	p1 =	seq.s32 s17, $0x3;
	[tilespmem:s18+$0xCDC0] =	vst v1;
	v1 =	vmul.f32 $3.125000000e-02, v2  }
0xa6: {  	s19 =	sshrl.u32 @!p1 s18, $0x2;
	[tilespmem:s18+$0xCDF0] =	vst v0  }
0xa7: {  	s20 =	simm.s32 @!p1 $0x80;
	s21 =	simm.s32 @!p1 $0x4C00;
	s19 =	sadd.s32 @!p1 $0x100, s19;
	[tilespmem:s18+$0xCDE0] =	vst v1  }
0xa8: {  	[tilespmem:s21], [sflag:$0x1] =	stream.indirect.gather @!p1 [hbm4b:s1+s20], $0x80, s19, s20, $0xb8;
	[tilespmem:$0x1FC00] =	vst v63  }
0xa9: {  	_ =	swait.ge [sflag:s14], $0x4000  }
0xaa: {  	[sflag:s14] =	ssyncset.done $0x0  }
0xab: {  	s31 =	simm.s32 $0x0;
	[sflag:s14] =	ssyncadd.s32 $0xFFFFC000  }
0xac: {  	v0 =	vld [tilespmem:s31+$0x8C70]  }
0xad: {  	v2 =	vld [tilespmem:s31+$0x8C00]  }
0xae: {  	v3 =	vld [tilespmem:s31+$0x8C10]  }
0xaf: {  	v12 =	vld [tilespmem:s31+$0x8C20]  }
0xb0: {  	v10 =	vld [tilespmem:s31+$0x8C30]  }
0xb1: {  	v9 =	vimm.f32 $0.0e+00;
	v1 =	vimm.f32 $0.0e+00;
	v7 =	vld [tilespmem:s31+$0x8C40]  }
0xb2: {  	v6 =	vimm.f32 $0.0e+00;
	v8 =	vld [tilespmem:s31+$0x8C50];
	v0 =	vadd.f32 v0, v1;
	v5 =	vadd.f32 v2, v1  }
0xb3: {  	s19 =	simm.s32 $0x80;
	s20 =	simm.s32 $0x400;
	v11 =	vld [tilespmem:s31+$0x8C60];
	v4 =	vadd.f32 v3, v1;
	v3 =	vimm.f32 $0.0e+00;
	v2 =	vimm.f32 $0.0e+00  }
.LBB2_32:
0xb4: {  	p2 =	sne.s32 s20, $0x3E00;
	v13 =	vld [tilespmem:s19+$0x8C70];
	v1 =	vadd.f32 v12, v1  }
0xb5: {  	v14 =	vld [tilespmem:s19+$0x8C00];
	v6 =	vadd.f32 v10, v6  }
0xb6: {  	v15 =	vld [tilespmem:s19+$0x8C10];
	v9 =	vadd.f32 v7, v9  }
.Ltmp7:
0xb7: {  	v12 =	vld [tilespmem:s19+$0x8C20];
	v3 =	vadd.f32 v8, v3;
	(pc) =	sbr.rel @p2 .LBB2_32-.Ltmp7, $4  }
0xb8: {  	v10 =	vld [tilespmem:s19+$0x8C30];
	v2 =	vadd.f32 v11, v2  }
0xb9: {  	v7 =	vld [tilespmem:s19+$0x8C40];
	v0 =	vadd.f32 v13, v0  }
0xba: {  	v5 =	vadd.f32 v14, v5;
	v8 =	vld [tilespmem:s19+$0x8C50]  }
0xbb: {  	v4 =	vadd.f32 v15, v4;
	v11 =	vld [tilespmem:s19+$0x8C60];
	s19 =	sshra.s32 s20, $0x2;
	s20 =	sadd.s32 $0x200, s20  }
0xbc: {  	v13 =	vld [tilespmem:s19+$0x8C00]  }
0xbd: {  	v14 =	vld [tilespmem:s19+$0x8C10]  }
0xbe: {  	v15 =	vld [tilespmem:s19+$0x8C20]  }
0xbf: {  	v1 =	vadd.f32 v12, v1;
	v12 =	vld [tilespmem:s19+$0x8C50]  }
0xc0: {  	v16 =	vld [tilespmem:s19+$0x8C30]  }
0xc1: {  	v17 =	vld [tilespmem:s19+$0x8C40];
	v7 =	vadd.f32 v7, v9;
	v5 =	vadd.f32 v13, v5  }
0xc2: {  	v9 =	vld [tilespmem:s19+$0x8C70];
	v3 =	vadd.f32 v8, v3;
	v4 =	vadd.f32 v14, v4  }
0xc3: {  	v6 =	vadd.f32 v10, v6;
	v10 =	vld [tilespmem:s19+$0x8C60];
	v1 =	vadd.f32 v15, v1;
	v5 =	vmul.f32 $3.125000000e-02, v5  }
0xc4: {  	v3 =	vadd.f32 v12, v3;
	v4 =	vmul.f32 $3.125000000e-02, v4  }
0xc5: {  	v6 =	vadd.f32 v16, v6;
	v1 =	vmul.f32 $3.125000000e-02, v1;
	[tilespmem:s18+$0xCE00] =	vst v5  }
0xc6: {  	v2 =	vadd.f32 v11, v2;
	v7 =	vadd.f32 v17, v7;
	v3 =	vmul.f32 $3.125000000e-02, v3;
	[tilespmem:s18+$0xCE10] =	vst v4  }
0xc7: {  	v0 =	vadd.f32 v9, v0;
	v4 =	vmul.f32 $3.125000000e-02, v6;
	[tilespmem:s18+$0xCE20] =	vst v1  }
0xc8: {  	v2 =	vadd.f32 v10, v2;
	v1 =	vmul.f32 $3.125000000e-02, v7;
	[tilespmem:s18+$0xCE50] =	vst v3  }
0xc9: {  	v0 =	vmul.f32 $3.125000000e-02, v0;
	[tilespmem:s18+$0xCE30] =	vst v4  }
0xca: {  	[tilespmem:s18+$0xCE40] =	vst v1;
	v1 =	vmul.f32 $3.125000000e-02, v2  }
0xcb: {  	[tilespmem:s18+$0xCE70] =	vst v0  }
0xcc: {  	s21 =	simm.s32 $0x0;
	[tilespmem:s18+$0xCE60] =	vst v1  }
0xcd: {  	v0 =	vld [tilespmem:s21+$0x9C70]  }
0xce: {  	v2 =	vld [tilespmem:s21+$0x9C00]  }
0xcf: {  	v3 =	vld [tilespmem:s21+$0x9C10]  }
0xd0: {  	v12 =	vld [tilespmem:s21+$0x9C20]  }
0xd1: {  	v10 =	vld [tilespmem:s21+$0x9C30]  }
0xd2: {  	v9 =	vimm.f32 $0.0e+00;
	v1 =	vimm.f32 $0.0e+00;
	v7 =	vld [tilespmem:s21+$0x9C40]  }
0xd3: {  	v6 =	vimm.f32 $0.0e+00;
	v8 =	vld [tilespmem:s21+$0x9C50];
	v0 =	vadd.f32 v0, v1;
	v5 =	vadd.f32 v2, v1  }
0xd4: {  	s20 =	simm.s32 $0x400;
	s19 =	simm.s32 $0x80;
	v11 =	vld [tilespmem:s21+$0x9C60];
	v4 =	vadd.f32 v3, v1;
	v3 =	vimm.f32 $0.0e+00;
	v2 =	vimm.f32 $0.0e+00  }
.LBB2_34:
0xd5: {  	p2 =	sne.s32 s20, $0x3E00;
	v13 =	vld [tilespmem:s19+$0x9C70];
	v1 =	vadd.f32 v12, v1  }
0xd6: {  	v14 =	vld [tilespmem:s19+$0x9C00];
	v6 =	vadd.f32 v10, v6  }
0xd7: {  	v15 =	vld [tilespmem:s19+$0x9C10];
	v9 =	vadd.f32 v7, v9  }
.Ltmp8:
0xd8: {  	v12 =	vld [tilespmem:s19+$0x9C20];
	v3 =	vadd.f32 v8, v3;
	(pc) =	sbr.rel @p2 .LBB2_34-.Ltmp8, $4  }
0xd9: {  	v10 =	vld [tilespmem:s19+$0x9C30];
	v2 =	vadd.f32 v11, v2  }
0xda: {  	v7 =	vld [tilespmem:s19+$0x9C40];
	v0 =	vadd.f32 v13, v0  }
0xdb: {  	v5 =	vadd.f32 v14, v5;
	v8 =	vld [tilespmem:s19+$0x9C50]  }
0xdc: {  	v4 =	vadd.f32 v15, v4;
	v11 =	vld [tilespmem:s19+$0x9C60];
	s19 =	sshra.s32 s20, $0x2;
	s20 =	sadd.s32 $0x200, s20  }
0xdd: {  	v13 =	vld [tilespmem:s19+$0x9C00]  }
0xde: {  	v14 =	vld [tilespmem:s19+$0x9C10]  }
0xdf: {  	v15 =	vld [tilespmem:s19+$0x9C20]  }
0xe0: {  	v1 =	vadd.f32 v12, v1;
	v12 =	vld [tilespmem:s19+$0x9C50]  }
0xe1: {  	v16 =	vld [tilespmem:s19+$0x9C30]  }
0xe2: {  	v17 =	vld [tilespmem:s19+$0x9C40];
	v7 =	vadd.f32 v7, v9;
	v5 =	vadd.f32 v13, v5  }
0xe3: {  	v9 =	vld [tilespmem:s19+$0x9C70];
	v3 =	vadd.f32 v8, v3;
	v4 =	vadd.f32 v14, v4  }
0xe4: {  	v6 =	vadd.f32 v10, v6;
	v10 =	vld [tilespmem:s19+$0x9C60];
	v1 =	vadd.f32 v15, v1;
	v5 =	vmul.f32 $3.125000000e-02, v5  }
0xe5: {  	v3 =	vadd.f32 v12, v3;
	v4 =	vmul.f32 $3.125000000e-02, v4  }
0xe6: {  	v6 =	vadd.f32 v16, v6;
	v1 =	vmul.f32 $3.125000000e-02, v1;
	[tilespmem:s18+$0xCE80] =	vst v5  }
0xe7: {  	v2 =	vadd.f32 v11, v2;
	v7 =	vadd.f32 v17, v7;
	v3 =	vmul.f32 $3.125000000e-02, v3;
	[tilespmem:s18+$0xCE90] =	vst v4  }
0xe8: {  	v0 =	vadd.f32 v9, v0;
	v4 =	vmul.f32 $3.125000000e-02, v6;
	[tilespmem:s18+$0xCEA0] =	vst v1  }
0xe9: {  	v2 =	vadd.f32 v10, v2;
	v1 =	vmul.f32 $3.125000000e-02, v7;
	[tilespmem:s18+$0xCED0] =	vst v3  }
0xea: {  	v0 =	vmul.f32 $3.125000000e-02, v0;
	[tilespmem:s18+$0xCEB0] =	vst v4  }
0xeb: {  	[tilespmem:s18+$0xCEC0] =	vst v1;
	v1 =	vmul.f32 $3.125000000e-02, v2  }
0xec: {  	[tilespmem:s18+$0xCEF0] =	vst v0  }
0xed: {  	s21 =	simm.s32 $0x0;
	[tilespmem:s18+$0xCEE0] =	vst v1  }
0xee: {  	v0 =	vld [tilespmem:s21+$0xAC70]  }
0xef: {  	v2 =	vld [tilespmem:s21+$0xAC00]  }
0xf0: {  	v3 =	vld [tilespmem:s21+$0xAC10]  }
0xf1: {  	v12 =	vld [tilespmem:s21+$0xAC20]  }
0xf2: {  	v10 =	vld [tilespmem:s21+$0xAC30]  }
0xf3: {  	v9 =	vimm.f32 $0.0e+00;
	v1 =	vimm.f32 $0.0e+00;
	v7 =	vld [tilespmem:s21+$0xAC40]  }
0xf4: {  	v6 =	vimm.f32 $0.0e+00;
	v8 =	vld [tilespmem:s21+$0xAC50];
	v0 =	vadd.f32 v0, v1;
	v5 =	vadd.f32 v2, v1  }
0xf5: {  	s20 =	simm.s32 $0x400;
	s19 =	simm.s32 $0x80;
	v11 =	vld [tilespmem:s21+$0xAC60];
	v4 =	vadd.f32 v3, v1;
	v3 =	vimm.f32 $0.0e+00;
	v2 =	vimm.f32 $0.0e+00  }
.LBB2_36:
0xf6: {  	p2 =	sne.s32 s20, $0x3E00;
	v13 =	vld [tilespmem:s19+$0xAC70];
	v1 =	vadd.f32 v12, v1  }
0xf7: {  	v14 =	vld [tilespmem:s19+$0xAC00];
	v6 =	vadd.f32 v10, v6  }
0xf8: {  	v15 =	vld [tilespmem:s19+$0xAC10];
	v9 =	vadd.f32 v7, v9  }
.Ltmp9:
0xf9: {  	v12 =	vld [tilespmem:s19+$0xAC20];
	v3 =	vadd.f32 v8, v3;
	(pc) =	sbr.rel @p2 .LBB2_36-.Ltmp9, $4  }
0xfa: {  	v10 =	vld [tilespmem:s19+$0xAC30];
	v2 =	vadd.f32 v11, v2  }
0xfb: {  	v7 =	vld [tilespmem:s19+$0xAC40];
	v0 =	vadd.f32 v13, v0  }
0xfc: {  	v5 =	vadd.f32 v14, v5;
	v8 =	vld [tilespmem:s19+$0xAC50]  }
0xfd: {  	v4 =	vadd.f32 v15, v4;
	v11 =	vld [tilespmem:s19+$0xAC60];
	s19 =	sshra.s32 s20, $0x2;
	s20 =	sadd.s32 $0x200, s20  }
0xfe: {  	v13 =	vld [tilespmem:s19+$0xAC00]  }
0xff: {  	v14 =	vld [tilespmem:s19+$0xAC10]  }
0x100: {  	v15 =	vld [tilespmem:s19+$0xAC20]  }
0x101: {  	v1 =	vadd.f32 v12, v1;
	v12 =	vld [tilespmem:s19+$0xAC50]  }
0x102: {  	v16 =	vld [tilespmem:s19+$0xAC30]  }
0x103: {  	v17 =	vld [tilespmem:s19+$0xAC40];
	v7 =	vadd.f32 v7, v9;
	v5 =	vadd.f32 v13, v5  }
0x104: {  	v9 =	vld [tilespmem:s19+$0xAC70];
	v3 =	vadd.f32 v8, v3;
	v4 =	vadd.f32 v14, v4  }
0x105: {  	v6 =	vadd.f32 v10, v6;
	v10 =	vld [tilespmem:s19+$0xAC60];
	v1 =	vadd.f32 v15, v1;
	v5 =	vmul.f32 $3.125000000e-02, v5  }
0x106: {  	v3 =	vadd.f32 v12, v3;
	v4 =	vmul.f32 $3.125000000e-02, v4  }
0x107: {  	v6 =	vadd.f32 v16, v6;
	v1 =	vmul.f32 $3.125000000e-02, v1;
	[tilespmem:s18+$0xCF00] =	vst v5  }
0x108: {  	v2 =	vadd.f32 v11, v2;
	v7 =	vadd.f32 v17, v7;
	v3 =	vmul.f32 $3.125000000e-02, v3;
	[tilespmem:s18+$0xCF10] =	vst v4  }
0x109: {  	v0 =	vadd.f32 v9, v0;
	v4 =	vmul.f32 $3.125000000e-02, v6;
	[tilespmem:s18+$0xCF20] =	vst v1  }
0x10a: {  	v2 =	vadd.f32 v10, v2;
	v1 =	vmul.f32 $3.125000000e-02, v7;
	[tilespmem:s18+$0xCF50] =	vst v3  }
0x10b: {  	v0 =	vmul.f32 $3.125000000e-02, v0;
	[tilespmem:s18+$0xCF30] =	vst v4  }
0x10c: {  	[tilespmem:s18+$0xCF40] =	vst v1;
	v1 =	vmul.f32 $3.125000000e-02, v2  }
0x10d: {  	[tilespmem:s18+$0xCF70] =	vst v0  }
0x10e: {  	s21 =	simm.s32 $0x0;
	[tilespmem:s18+$0xCF60] =	vst v1  }
0x10f: {  	v0 =	vld [tilespmem:s21+$0xBC70]  }
0x110: {  	v2 =	vld [tilespmem:s21+$0xBC00]  }
0x111: {  	v3 =	vld [tilespmem:s21+$0xBC10]  }
0x112: {  	v12 =	vld [tilespmem:s21+$0xBC20]  }
0x113: {  	v10 =	vld [tilespmem:s21+$0xBC30]  }
0x114: {  	v9 =	vimm.f32 $0.0e+00;
	v1 =	vimm.f32 $0.0e+00;
	v7 =	vld [tilespmem:s21+$0xBC40]  }
0x115: {  	v6 =	vimm.f32 $0.0e+00;
	v8 =	vld [tilespmem:s21+$0xBC50];
	v0 =	vadd.f32 v0, v1;
	v5 =	vadd.f32 v2, v1  }
0x116: {  	s20 =	simm.s32 $0x400;
	s19 =	simm.s32 $0x80;
	v11 =	vld [tilespmem:s21+$0xBC60];
	v4 =	vadd.f32 v3, v1;
	v3 =	vimm.f32 $0.0e+00;
	v2 =	vimm.f32 $0.0e+00  }
.LBB2_38:
0x117: {  	p2 =	sne.s32 s20, $0x3E00;
	v13 =	vld [tilespmem:s19+$0xBC70];
	v1 =	vadd.f32 v12, v1  }
0x118: {  	v14 =	vld [tilespmem:s19+$0xBC00];
	v6 =	vadd.f32 v10, v6  }
0x119: {  	v15 =	vld [tilespmem:s19+$0xBC10];
	v9 =	vadd.f32 v7, v9  }
.Ltmp10:
0x11a: {  	v12 =	vld [tilespmem:s19+$0xBC20];
	v3 =	vadd.f32 v8, v3;
	(pc) =	sbr.rel @p2 .LBB2_38-.Ltmp10, $4  }
0x11b: {  	v10 =	vld [tilespmem:s19+$0xBC30];
	v2 =	vadd.f32 v11, v2  }
0x11c: {  	v7 =	vld [tilespmem:s19+$0xBC40];
	v0 =	vadd.f32 v13, v0  }
0x11d: {  	v5 =	vadd.f32 v14, v5;
	v8 =	vld [tilespmem:s19+$0xBC50]  }
0x11e: {  	v4 =	vadd.f32 v15, v4;
	v11 =	vld [tilespmem:s19+$0xBC60];
	s19 =	sshra.s32 s20, $0x2;
	s20 =	sadd.s32 $0x200, s20  }
0x11f: {  	v13 =	vld [tilespmem:s19+$0xBC00]  }
0x120: {  	v14 =	vld [tilespmem:s19+$0xBC10]  }
0x121: {  	v15 =	vld [tilespmem:s19+$0xBC20]  }
0x122: {  	v16 =	vld [tilespmem:s19+$0xBC30]  }
0x123: {  	v17 =	vld [tilespmem:s19+$0xBC40]  }
0x124: {  	v1 =	vadd.f32 v12, v1;
	v58 =	vld [tilespmem:s19+$0xBC50];
	v5 =	vadd.f32 v13, v5  }
0x125: {  	v60 =	vld [tilespmem:s19+$0xBC70];
	v6 =	vadd.f32 v10, v6;
	v4 =	vadd.f32 v14, v4  }
0x126: {  	v59 =	vld [tilespmem:s19+$0xBC60];
	v7 =	vadd.f32 v7, v9;
	v1 =	vadd.f32 v15, v1;
	v5 =	vmul.f32 $3.125000000e-02, v5  }
0x127: {  	v3 =	vadd.f32 v8, v3;
	v6 =	vadd.f32 v16, v6;
	v4 =	vmul.f32 $3.125000000e-02, v4  }
0x128: {  	v7 =	vadd.f32 v17, v7;
	v1 =	vmul.f32 $3.125000000e-02, v1;
	[tilespmem:s18+$0xCF80] =	vst v5  }
0x129: {  	v2 =	vadd.f32 v11, v2;
	v3 =	vadd.f32 v58, v3;
	v61 =	vmul.f32 $3.125000000e-02, v6;
	[tilespmem:s18+$0xCF90] =	vst v4  }
0x12a: {  	v0 =	vadd.f32 v60, v0;
	v62 =	vmul.f32 $3.125000000e-02, v7;
	[tilespmem:s18+$0xCFA0] =	vst v1  }
.Ltmp11:
0x12b: {  	v2 =	vadd.f32 v59, v2;
	v3 =	vmul.f32 $3.125000000e-02, v3;
	[tilespmem:s18+$0xCFB0] =	vst v61;
	(pc) =	sbr.rel @p1 .LBB2_41-.Ltmp11, $4  }
0x12c: {  	v0 =	vmul.f32 $3.125000000e-02, v0;
	[tilespmem:s18+$0xCFC0] =	vst v62  }
0x12d: {  	v63 =	vmul.f32 $3.125000000e-02, v2;
	[tilespmem:s18+$0xCFD0] =	vst v3  }
0x12e: {  	[tilespmem:s18+$0xCFF0] =	vst v0  }
0x12f: {  	[tilespmem:s18+$0xCFE0] =	vst v63  }
.Ltmp12:
0x130: {  	(pc) =	sbr.rel .LBB2_23-.Ltmp12, $4  }
0x131: {  	_ = 	snop  }
0x132: {  	s18 =	sshrl.u32 s18, $0x2  }
0x133: {  	s17 =	sadd.s32 $0x1, s17;
	s18 =	sadd.s32 $0x180, s18  }
0x134: {  	[tilespmem:s12], [sflag:$0x2] =	stream.indirect.gather [hbm4b:s1+s10], $0x80, s18, s10, $0xb8;
	[tilespmem:$0x1FC00] =	vst v63  }
.LBB2_2:
0x135: {  	[tilespmem:s17], [sflag:$0x3] =	stream.linear.gather [hbm4b:s4+s17], $0x4C00, $0x38;
	[tilespmem:$0x1FC00] =	vst v63  }
0x136: {  	_ =	swait.ge [sflag:s9], $0x4C00  }
0x137: {  	[sflag:s9] =	ssyncset.done $0x0  }
0x138: {  	[sflag:s9] =	ssyncadd.s32 $0xFFFFB400  }
0x139: {  	[tilespmem:s11], [sflag:$0x1] =	stream.indirect.gather [hbm4b:s1+s10], $0x80, s17, s10, $0xb8;
	[tilespmem:$0x1FC00] =	vst v63  }
0x13a: {  	_ = 	snop  }
0x13b: {  	[tilespmem:s12], [sflag:$0x2] =	stream.indirect.gather [hbm4b:s1+s10], $0x80, s10, s10, $0xb8;
	[tilespmem:$0x1FC00] =	vst v63  }
.LBB2_3:
0x13c: {  	_ =	swait.ge [sflag:s13], $0x4000  }
0x13d: {  	[sflag:s13] =	ssyncset.done $0x0  }
0x13e: {  	s20 =	simm.s32 $0x0;
	[sflag:s13] =	ssyncadd.s32 $0xFFFFC000  }
0x13f: {  	v0 =	vld [tilespmem:s20+$0x4C70]  }
0x140: {  	v1 =	vld [tilespmem:s20+$0x4C00]  }
0x141: {  	v3 =	vld [tilespmem:s20+$0x4C10]  }
0x142: {  	v12 =	vld [tilespmem:s20+$0x4C20]  }
0x143: {  	v11 =	vld [tilespmem:s20+$0x4C30]  }
0x144: {  	v2 =	vimm.f32 $0.0e+00;
	v6 =	vimm.f32 $0.0e+00;
	v7 =	vld [tilespmem:s20+$0x4C40]  }
0x145: {  	v9 =	vimm.f32 $0.0e+00;
	v8 =	vld [tilespmem:s20+$0x4C50];
	v0 =	vadd.f32 v0, v2;
	v5 =	vadd.f32 v1, v2  }
0x146: {  	s18 =	simm.s32 $0x80;
	s19 =	simm.s32 $0x400;
	v10 =	vld [tilespmem:s20+$0x4C60];
	v4 =	vadd.f32 v3, v2;
	v3 =	vimm.f32 $0.0e+00;
	v1 =	vimm.f32 $0.0e+00  }
.LBB2_4:
0x147: {  	p1 =	sne.s32 s19, $0x3E00;
	v13 =	vld [tilespmem:s18+$0x4C70];
	v2 =	vadd.f32 v12, v2  }
0x148: {  	v14 =	vld [tilespmem:s18+$0x4C00];
	v6 =	vadd.f32 v11, v6  }
0x149: {  	v15 =	vld [tilespmem:s18+$0x4C10];
	v9 =	vadd.f32 v7, v9  }
.Ltmp13:
0x14a: {  	v12 =	vld [tilespmem:s18+$0x4C20];
	v3 =	vadd.f32 v8, v3;
	(pc) =	sbr.rel @p1 .LBB2_4-.Ltmp13, $4  }
0x14b: {  	v11 =	vld [tilespmem:s18+$0x4C30];
	v1 =	vadd.f32 v10, v1  }
0x14c: {  	v7 =	vld [tilespmem:s18+$0x4C40];
	v0 =	vadd.f32 v13, v0  }
0x14d: {  	v5 =	vadd.f32 v14, v5;
	v8 =	vld [tilespmem:s18+$0x4C50]  }
0x14e: {  	v4 =	vadd.f32 v15, v4;
	v10 =	vld [tilespmem:s18+$0x4C60];
	s18 =	sshra.s32 s19, $0x2;
	s19 =	sadd.s32 $0x200, s19  }
0x14f: {  	v13 =	vld [tilespmem:s18+$0x4C00]  }
0x150: {  	v14 =	vld [tilespmem:s18+$0x4C10]  }
0x151: {  	v15 =	vld [tilespmem:s18+$0x4C20]  }
0x152: {  	v2 =	vadd.f32 v12, v2;
	v12 =	vld [tilespmem:s18+$0x4C50]  }
0x153: {  	v6 =	vadd.f32 v11, v6;
	v11 =	vld [tilespmem:s18+$0x4C60]  }
0x154: {  	v16 =	vld [tilespmem:s18+$0x4C30];
	v7 =	vadd.f32 v7, v9;
	v5 =	vadd.f32 v13, v5  }
0x155: {  	v17 =	vld [tilespmem:s18+$0x4C40];
	v3 =	vadd.f32 v8, v3;
	v4 =	vadd.f32 v14, v4  }
0x156: {  	v9 =	vld [tilespmem:s18+$0x4C70];
	v1 =	vadd.f32 v10, v1;
	v2 =	vadd.f32 v15, v2;
	v5 =	vmul.f32 $3.125000000e-02, v5  }
0x157: {  	s18 =	sshll.u32 s17, $0xA;
	v3 =	vadd.f32 v12, v3;
	v4 =	vmul.f32 $3.125000000e-02, v4  }
0x158: {  	v1 =	vadd.f32 v11, v1;
	v2 =	vmul.f32 $3.125000000e-02, v2;
	[tilespmem:s18+$0xCC00] =	vst v5  }
0x159: {  	v6 =	vadd.f32 v16, v6;
	v3 =	vmul.f32 $3.125000000e-02, v3;
	[tilespmem:s18+$0xCC10] =	vst v4  }
0x15a: {  	v7 =	vadd.f32 v17, v7;
	v1 =	vmul.f32 $3.125000000e-02, v1;
	[tilespmem:s18+$0xCC20] =	vst v2  }
0x15b: {  	v0 =	vadd.f32 v9, v0;
	v4 =	vmul.f32 $3.125000000e-02, v6;
	[tilespmem:s18+$0xCC50] =	vst v3  }
0x15c: {  	v2 =	vmul.f32 $3.125000000e-02, v7;
	[tilespmem:s18+$0xCC60] =	vst v1  }
0x15d: {  	v0 =	vmul.f32 $3.125000000e-02, v0;
	[tilespmem:s18+$0xCC30] =	vst v4  }
0x15e: {  	[tilespmem:s18+$0xCC40] =	vst v2  }
0x15f: {  	s21 =	simm.s32 $0x0;
	[tilespmem:s18+$0xCC70] =	vst v0  }
0x160: {  	v0 =	vld [tilespmem:s21+$0x5C70]  }
0x161: {  	v2 =	vld [tilespmem:s21+$0x5C00]  }
0x162: {  	v3 =	vld [tilespmem:s21+$0x5C10]  }
0x163: {  	v12 =	vld [tilespmem:s21+$0x5C20]  }
0x164: {  	v10 =	vld [tilespmem:s21+$0x5C30]  }
0x165: {  	v9 =	vimm.f32 $0.0e+00;
	v1 =	vimm.f32 $0.0e+00;
	v7 =	vld [tilespmem:s21+$0x5C40]  }
0x166: {  	v6 =	vimm.f32 $0.0e+00;
	v8 =	vld [tilespmem:s21+$0x5C50];
	v0 =	vadd.f32 v0, v1;
	v5 =	vadd.f32 v2, v1  }
0x167: {  	s19 =	simm.s32 $0x80;
	s20 =	simm.s32 $0x400;
	v11 =	vld [tilespmem:s21+$0x5C60];
	v4 =	vadd.f32 v3, v1;
	v3 =	vimm.f32 $0.0e+00;
	v2 =	vimm.f32 $0.0e+00  }
.LBB2_6:
0x168: {  	p1 =	sne.s32 s20, $0x3E00;
	v13 =	vld [tilespmem:s19+$0x5C70];
	v1 =	vadd.f32 v12, v1  }
0x169: {  	v14 =	vld [tilespmem:s19+$0x5C00];
	v6 =	vadd.f32 v10, v6  }
0x16a: {  	v15 =	vld [tilespmem:s19+$0x5C10];
	v9 =	vadd.f32 v7, v9  }
.Ltmp14:
0x16b: {  	v12 =	vld [tilespmem:s19+$0x5C20];
	v3 =	vadd.f32 v8, v3;
	(pc) =	sbr.rel @p1 .LBB2_6-.Ltmp14, $4  }
0x16c: {  	v10 =	vld [tilespmem:s19+$0x5C30];
	v2 =	vadd.f32 v11, v2  }
0x16d: {  	v7 =	vld [tilespmem:s19+$0x5C40];
	v0 =	vadd.f32 v13, v0  }
0x16e: {  	v5 =	vadd.f32 v14, v5;
	v8 =	vld [tilespmem:s19+$0x5C50]  }
0x16f: {  	v4 =	vadd.f32 v15, v4;
	v11 =	vld [tilespmem:s19+$0x5C60];
	s19 =	sshra.s32 s20, $0x2;
	s20 =	sadd.s32 $0x200, s20  }
0x170: {  	v13 =	vld [tilespmem:s19+$0x5C00]  }
0x171: {  	v14 =	vld [tilespmem:s19+$0x5C10]  }
0x172: {  	v15 =	vld [tilespmem:s19+$0x5C20]  }
0x173: {  	v1 =	vadd.f32 v12, v1;
	v12 =	vld [tilespmem:s19+$0x5C50]  }
0x174: {  	v16 =	vld [tilespmem:s19+$0x5C30]  }
0x175: {  	v17 =	vld [tilespmem:s19+$0x5C40];
	v7 =	vadd.f32 v7, v9;
	v5 =	vadd.f32 v13, v5  }
0x176: {  	v9 =	vld [tilespmem:s19+$0x5C70];
	v3 =	vadd.f32 v8, v3;
	v4 =	vadd.f32 v14, v4  }
0x177: {  	v6 =	vadd.f32 v10, v6;
	v10 =	vld [tilespmem:s19+$0x5C60];
	v1 =	vadd.f32 v15, v1;
	v5 =	vmul.f32 $3.125000000e-02, v5  }
0x178: {  	v3 =	vadd.f32 v12, v3;
	v4 =	vmul.f32 $3.125000000e-02, v4  }
0x179: {  	v6 =	vadd.f32 v16, v6;
	v1 =	vmul.f32 $3.125000000e-02, v1;
	[tilespmem:s18+$0xCC80] =	vst v5  }
0x17a: {  	v2 =	vadd.f32 v11, v2;
	v7 =	vadd.f32 v17, v7;
	v3 =	vmul.f32 $3.125000000e-02, v3;
	[tilespmem:s18+$0xCC90] =	vst v4  }
0x17b: {  	v0 =	vadd.f32 v9, v0;
	v4 =	vmul.f32 $3.125000000e-02, v6;
	[tilespmem:s18+$0xCCA0] =	vst v1  }
0x17c: {  	v2 =	vadd.f32 v10, v2;
	v1 =	vmul.f32 $3.125000000e-02, v7;
	[tilespmem:s18+$0xCCD0] =	vst v3  }
0x17d: {  	v0 =	vmul.f32 $3.125000000e-02, v0;
	[tilespmem:s18+$0xCCB0] =	vst v4  }
0x17e: {  	[tilespmem:s18+$0xCCC0] =	vst v1;
	v1 =	vmul.f32 $3.125000000e-02, v2  }
0x17f: {  	[tilespmem:s18+$0xCCF0] =	vst v0  }
0x180: {  	s21 =	simm.s32 $0x0;
	[tilespmem:s18+$0xCCE0] =	vst v1  }
0x181: {  	v0 =	vld [tilespmem:s21+$0x6C70]  }
0x182: {  	v2 =	vld [tilespmem:s21+$0x6C00]  }
0x183: {  	v3 =	vld [tilespmem:s21+$0x6C10]  }
0x184: {  	v12 =	vld [tilespmem:s21+$0x6C20]  }
0x185: {  	v10 =	vld [tilespmem:s21+$0x6C30]  }
0x186: {  	v9 =	vimm.f32 $0.0e+00;
	v1 =	vimm.f32 $0.0e+00;
	v7 =	vld [tilespmem:s21+$0x6C40]  }
0x187: {  	v6 =	vimm.f32 $0.0e+00;
	v8 =	vld [tilespmem:s21+$0x6C50];
	v0 =	vadd.f32 v0, v1;
	v5 =	vadd.f32 v2, v1  }
0x188: {  	s20 =	simm.s32 $0x400;
	s19 =	simm.s32 $0x80;
	v11 =	vld [tilespmem:s21+$0x6C60];
	v4 =	vadd.f32 v3, v1;
	v3 =	vimm.f32 $0.0e+00;
	v2 =	vimm.f32 $0.0e+00  }
.LBB2_8:
0x189: {  	p1 =	sne.s32 s20, $0x3E00;
	v13 =	vld [tilespmem:s19+$0x6C70];
	v1 =	vadd.f32 v12, v1  }
0x18a: {  	v14 =	vld [tilespmem:s19+$0x6C00];
	v6 =	vadd.f32 v10, v6  }
0x18b: {  	v15 =	vld [tilespmem:s19+$0x6C10];
	v9 =	vadd.f32 v7, v9  }
.Ltmp15:
0x18c: {  	v12 =	vld [tilespmem:s19+$0x6C20];
	v3 =	vadd.f32 v8, v3;
	(pc) =	sbr.rel @p1 .LBB2_8-.Ltmp15, $4  }
0x18d: {  	v10 =	vld [tilespmem:s19+$0x6C30];
	v2 =	vadd.f32 v11, v2  }
0x18e: {  	v7 =	vld [tilespmem:s19+$0x6C40];
	v0 =	vadd.f32 v13, v0  }
0x18f: {  	v5 =	vadd.f32 v14, v5;
	v8 =	vld [tilespmem:s19+$0x6C50]  }
0x190: {  	v4 =	vadd.f32 v15, v4;
	v11 =	vld [tilespmem:s19+$0x6C60];
	s19 =	sshra.s32 s20, $0x2;
	s20 =	sadd.s32 $0x200, s20  }
0x191: {  	v13 =	vld [tilespmem:s19+$0x6C00]  }
0x192: {  	v14 =	vld [tilespmem:s19+$0x6C10]  }
0x193: {  	v15 =	vld [tilespmem:s19+$0x6C20]  }
0x194: {  	v1 =	vadd.f32 v12, v1;
	v12 =	vld [tilespmem:s19+$0x6C50]  }
0x195: {  	v16 =	vld [tilespmem:s19+$0x6C30]  }
0x196: {  	v17 =	vld [tilespmem:s19+$0x6C40];
	v7 =	vadd.f32 v7, v9;
	v5 =	vadd.f32 v13, v5  }
0x197: {  	v9 =	vld [tilespmem:s19+$0x6C70];
	v3 =	vadd.f32 v8, v3;
	v4 =	vadd.f32 v14, v4  }
0x198: {  	v6 =	vadd.f32 v10, v6;
	v10 =	vld [tilespmem:s19+$0x6C60];
	v1 =	vadd.f32 v15, v1;
	v5 =	vmul.f32 $3.125000000e-02, v5  }
0x199: {  	v3 =	vadd.f32 v12, v3;
	v4 =	vmul.f32 $3.125000000e-02, v4  }
0x19a: {  	v6 =	vadd.f32 v16, v6;
	v1 =	vmul.f32 $3.125000000e-02, v1;
	[tilespmem:s18+$0xCD00] =	vst v5  }
0x19b: {  	v2 =	vadd.f32 v11, v2;
	v7 =	vadd.f32 v17, v7;
	v3 =	vmul.f32 $3.125000000e-02, v3;
	[tilespmem:s18+$0xCD10] =	vst v4  }
0x19c: {  	v0 =	vadd.f32 v9, v0;
	v4 =	vmul.f32 $3.125000000e-02, v6;
	[tilespmem:s18+$0xCD20] =	vst v1  }
0x19d: {  	v2 =	vadd.f32 v10, v2;
	v1 =	vmul.f32 $3.125000000e-02, v7;
	[tilespmem:s18+$0xCD50] =	vst v3  }
0x19e: {  	v0 =	vmul.f32 $3.125000000e-02, v0;
	[tilespmem:s18+$0xCD30] =	vst v4  }
0x19f: {  	[tilespmem:s18+$0xCD40] =	vst v1;
	v1 =	vmul.f32 $3.125000000e-02, v2  }
0x1a0: {  	[tilespmem:s18+$0xCD70] =	vst v0  }
0x1a1: {  	s21 =	simm.s32 $0x0;
	[tilespmem:s18+$0xCD60] =	vst v1  }
0x1a2: {  	v0 =	vld [tilespmem:s21+$0x7C70]  }
0x1a3: {  	v2 =	vld [tilespmem:s21+$0x7C00]  }
0x1a4: {  	v3 =	vld [tilespmem:s21+$0x7C10]  }
0x1a5: {  	v12 =	vld [tilespmem:s21+$0x7C20]  }
0x1a6: {  	v10 =	vld [tilespmem:s21+$0x7C30]  }
0x1a7: {  	v9 =	vimm.f32 $0.0e+00;
	v1 =	vimm.f32 $0.0e+00;
	v7 =	vld [tilespmem:s21+$0x7C40]  }
0x1a8: {  	v6 =	vimm.f32 $0.0e+00;
	v8 =	vld [tilespmem:s21+$0x7C50];
	v0 =	vadd.f32 v0, v1;
	v5 =	vadd.f32 v2, v1  }
0x1a9: {  	s20 =	simm.s32 $0x400;
	s19 =	simm.s32 $0x80;
	v11 =	vld [tilespmem:s21+$0x7C60];
	v4 =	vadd.f32 v3, v1;
	v3 =	vimm.f32 $0.0e+00;
	v2 =	vimm.f32 $0.0e+00  }
.LBB2_10:
0x1aa: {  	p1 =	sne.s32 s20, $0x3E00;
	v13 =	vld [tilespmem:s19+$0x7C70];
	v1 =	vadd.f32 v12, v1  }
0x1ab: {  	v14 =	vld [tilespmem:s19+$0x7C00];
	v6 =	vadd.f32 v10, v6  }
0x1ac: {  	v15 =	vld [tilespmem:s19+$0x7C10];
	v9 =	vadd.f32 v7, v9  }
.Ltmp16:
0x1ad: {  	v12 =	vld [tilespmem:s19+$0x7C20];
	v3 =	vadd.f32 v8, v3;
	(pc) =	sbr.rel @p1 .LBB2_10-.Ltmp16, $4  }
0x1ae: {  	v10 =	vld [tilespmem:s19+$0x7C30];
	v2 =	vadd.f32 v11, v2  }
0x1af: {  	v7 =	vld [tilespmem:s19+$0x7C40];
	v0 =	vadd.f32 v13, v0  }
0x1b0: {  	v5 =	vadd.f32 v14, v5;
	v8 =	vld [tilespmem:s19+$0x7C50]  }
0x1b1: {  	v4 =	vadd.f32 v15, v4;
	v11 =	vld [tilespmem:s19+$0x7C60];
	s19 =	sshra.s32 s20, $0x2;
	s20 =	sadd.s32 $0x200, s20  }
0x1b2: {  	v13 =	vld [tilespmem:s19+$0x7C00]  }
0x1b3: {  	v14 =	vld [tilespmem:s19+$0x7C10]  }
0x1b4: {  	v15 =	vld [tilespmem:s19+$0x7C20]  }
0x1b5: {  	v1 =	vadd.f32 v12, v1;
	v12 =	vld [tilespmem:s19+$0x7C50]  }
0x1b6: {  	v16 =	vld [tilespmem:s19+$0x7C30]  }
0x1b7: {  	v17 =	vld [tilespmem:s19+$0x7C40];
	v7 =	vadd.f32 v7, v9;
	v5 =	vadd.f32 v13, v5  }
0x1b8: {  	v9 =	vld [tilespmem:s19+$0x7C70];
	v3 =	vadd.f32 v8, v3;
	v4 =	vadd.f32 v14, v4  }
0x1b9: {  	v6 =	vadd.f32 v10, v6;
	v10 =	vld [tilespmem:s19+$0x7C60];
	v1 =	vadd.f32 v15, v1;
	v5 =	vmul.f32 $3.125000000e-02, v5  }
0x1ba: {  	v3 =	vadd.f32 v12, v3;
	v4 =	vmul.f32 $3.125000000e-02, v4  }
0x1bb: {  	v6 =	vadd.f32 v16, v6;
	v1 =	vmul.f32 $3.125000000e-02, v1;
	[tilespmem:s18+$0xCD80] =	vst v5  }
0x1bc: {  	v2 =	vadd.f32 v11, v2;
	v7 =	vadd.f32 v17, v7;
	v3 =	vmul.f32 $3.125000000e-02, v3;
	[tilespmem:s18+$0xCD90] =	vst v4  }
0x1bd: {  	v0 =	vadd.f32 v9, v0;
	v4 =	vmul.f32 $3.125000000e-02, v6;
	[tilespmem:s18+$0xCDA0] =	vst v1  }
0x1be: {  	v2 =	vadd.f32 v10, v2;
	v1 =	vmul.f32 $3.125000000e-02, v7;
	[tilespmem:s18+$0xCDD0] =	vst v3  }
0x1bf: {  	v0 =	vmul.f32 $3.125000000e-02, v0;
	[tilespmem:s18+$0xCDB0] =	vst v4  }
0x1c0: {  	p1 =	seq.s32 s17, $0x4B;
	[tilespmem:s18+$0xCDC0] =	vst v1;
	v1 =	vmul.f32 $3.125000000e-02, v2  }
0x1c1: {  	s19 =	sshrl.u32 @!p1 s18, $0x2;
	[tilespmem:s18+$0xCDF0] =	vst v0  }
0x1c2: {  	s20 =	simm.s32 @!p1 $0x80;
	s21 =	simm.s32 @!p1 $0x4C00;
	s19 =	sadd.s32 @!p1 $0x100, s19;
	[tilespmem:s18+$0xCDE0] =	vst v1  }
0x1c3: {  	[tilespmem:s21], [sflag:$0x1] =	stream.indirect.gather @!p1 [hbm4b:s1+s20], $0x80, s19, s20, $0xb8;
	[tilespmem:$0x1FC00] =	vst v63  }
0x1c4: {  	_ =	swait.ge [sflag:s14], $0x4000  }
0x1c5: {  	[sflag:s14] =	ssyncset.done $0x0  }
0x1c6: {  	s31 =	simm.s32 $0x0;
	[sflag:s14] =	ssyncadd.s32 $0xFFFFC000  }
0x1c7: {  	v0 =	vld [tilespmem:s31+$0x8C70]  }
0x1c8: {  	v2 =	vld [tilespmem:s31+$0x8C00]  }
0x1c9: {  	v3 =	vld [tilespmem:s31+$0x8C10]  }
0x1ca: {  	v12 =	vld [tilespmem:s31+$0x8C20]  }
0x1cb: {  	v10 =	vld [tilespmem:s31+$0x8C30]  }
0x1cc: {  	v9 =	vimm.f32 $0.0e+00;
	v1 =	vimm.f32 $0.0e+00;
	v7 =	vld [tilespmem:s31+$0x8C40]  }
0x1cd: {  	v6 =	vimm.f32 $0.0e+00;
	v8 =	vld [tilespmem:s31+$0x8C50];
	v0 =	vadd.f32 v0, v1;
	v5 =	vadd.f32 v2, v1  }
0x1ce: {  	s19 =	simm.s32 $0x80;
	s20 =	simm.s32 $0x400;
	v11 =	vld [tilespmem:s31+$0x8C60];
	v4 =	vadd.f32 v3, v1;
	v3 =	vimm.f32 $0.0e+00;
	v2 =	vimm.f32 $0.0e+00  }
.LBB2_12:
0x1cf: {  	p2 =	sne.s32 s20, $0x3E00;
	v13 =	vld [tilespmem:s19+$0x8C70];
	v1 =	vadd.f32 v12, v1  }
0x1d0: {  	v14 =	vld [tilespmem:s19+$0x8C00];
	v6 =	vadd.f32 v10, v6  }
0x1d1: {  	v15 =	vld [tilespmem:s19+$0x8C10];
	v9 =	vadd.f32 v7, v9  }
.Ltmp17:
0x1d2: {  	v12 =	vld [tilespmem:s19+$0x8C20];
	v3 =	vadd.f32 v8, v3;
	(pc) =	sbr.rel @p2 .LBB2_12-.Ltmp17, $4  }
0x1d3: {  	v10 =	vld [tilespmem:s19+$0x8C30];
	v2 =	vadd.f32 v11, v2  }
0x1d4: {  	v7 =	vld [tilespmem:s19+$0x8C40];
	v0 =	vadd.f32 v13, v0  }
0x1d5: {  	v5 =	vadd.f32 v14, v5;
	v8 =	vld [tilespmem:s19+$0x8C50]  }
0x1d6: {  	v4 =	vadd.f32 v15, v4;
	v11 =	vld [tilespmem:s19+$0x8C60];
	s19 =	sshra.s32 s20, $0x2;
	s20 =	sadd.s32 $0x200, s20  }
0x1d7: {  	v13 =	vld [tilespmem:s19+$0x8C00]  }
0x1d8: {  	v14 =	vld [tilespmem:s19+$0x8C10]  }
0x1d9: {  	v15 =	vld [tilespmem:s19+$0x8C20]  }
0x1da: {  	v1 =	vadd.f32 v12, v1;
	v12 =	vld [tilespmem:s19+$0x8C50]  }
0x1db: {  	v16 =	vld [tilespmem:s19+$0x8C30]  }
0x1dc: {  	v17 =	vld [tilespmem:s19+$0x8C40];
	v7 =	vadd.f32 v7, v9;
	v5 =	vadd.f32 v13, v5  }
0x1dd: {  	v9 =	vld [tilespmem:s19+$0x8C70];
	v3 =	vadd.f32 v8, v3;
	v4 =	vadd.f32 v14, v4  }
0x1de: {  	v6 =	vadd.f32 v10, v6;
	v10 =	vld [tilespmem:s19+$0x8C60];
	v1 =	vadd.f32 v15, v1;
	v5 =	vmul.f32 $3.125000000e-02, v5  }
0x1df: {  	v3 =	vadd.f32 v12, v3;
	v4 =	vmul.f32 $3.125000000e-02, v4  }
0x1e0: {  	v6 =	vadd.f32 v16, v6;
	v1 =	vmul.f32 $3.125000000e-02, v1;
	[tilespmem:s18+$0xCE00] =	vst v5  }
0x1e1: {  	v2 =	vadd.f32 v11, v2;
	v7 =	vadd.f32 v17, v7;
	v3 =	vmul.f32 $3.125000000e-02, v3;
	[tilespmem:s18+$0xCE10] =	vst v4  }
0x1e2: {  	v0 =	vadd.f32 v9, v0;
	v4 =	vmul.f32 $3.125000000e-02, v6;
	[tilespmem:s18+$0xCE20] =	vst v1  }
0x1e3: {  	v2 =	vadd.f32 v10, v2;
	v1 =	vmul.f32 $3.125000000e-02, v7;
	[tilespmem:s18+$0xCE50] =	vst v3  }
0x1e4: {  	v0 =	vmul.f32 $3.125000000e-02, v0;
	[tilespmem:s18+$0xCE30] =	vst v4  }
0x1e5: {  	[tilespmem:s18+$0xCE40] =	vst v1;
	v1 =	vmul.f32 $3.125000000e-02, v2  }
0x1e6: {  	[tilespmem:s18+$0xCE70] =	vst v0  }
0x1e7: {  	s21 =	simm.s32 $0x0;
	[tilespmem:s18+$0xCE60] =	vst v1  }
0x1e8: {  	v0 =	vld [tilespmem:s21+$0x9C70]  }
0x1e9: {  	v2 =	vld [tilespmem:s21+$0x9C00]  }
0x1ea: {  	v3 =	vld [tilespmem:s21+$0x9C10]  }
0x1eb: {  	v12 =	vld [tilespmem:s21+$0x9C20]  }
0x1ec: {  	v10 =	vld [tilespmem:s21+$0x9C30]  }
0x1ed: {  	v9 =	vimm.f32 $0.0e+00;
	v1 =	vimm.f32 $0.0e+00;
	v7 =	vld [tilespmem:s21+$0x9C40]  }
0x1ee: {  	v6 =	vimm.f32 $0.0e+00;
	v8 =	vld [tilespmem:s21+$0x9C50];
	v0 =	vadd.f32 v0, v1;
	v5 =	vadd.f32 v2, v1  }
0x1ef: {  	s20 =	simm.s32 $0x400;
	s19 =	simm.s32 $0x80;
	v11 =	vld [tilespmem:s21+$0x9C60];
	v4 =	vadd.f32 v3, v1;
	v3 =	vimm.f32 $0.0e+00;
	v2 =	vimm.f32 $0.0e+00  }
.LBB2_14:
0x1f0: {  	p2 =	sne.s32 s20, $0x3E00;
	v13 =	vld [tilespmem:s19+$0x9C70];
	v1 =	vadd.f32 v12, v1  }
0x1f1: {  	v14 =	vld [tilespmem:s19+$0x9C00];
	v6 =	vadd.f32 v10, v6  }
0x1f2: {  	v15 =	vld [tilespmem:s19+$0x9C10];
	v9 =	vadd.f32 v7, v9  }
.Ltmp18:
0x1f3: {  	v12 =	vld [tilespmem:s19+$0x9C20];
	v3 =	vadd.f32 v8, v3;
	(pc) =	sbr.rel @p2 .LBB2_14-.Ltmp18, $4  }
0x1f4: {  	v10 =	vld [tilespmem:s19+$0x9C30];
	v2 =	vadd.f32 v11, v2  }
0x1f5: {  	v7 =	vld [tilespmem:s19+$0x9C40];
	v0 =	vadd.f32 v13, v0  }
0x1f6: {  	v5 =	vadd.f32 v14, v5;
	v8 =	vld [tilespmem:s19+$0x9C50]  }
0x1f7: {  	v4 =	vadd.f32 v15, v4;
	v11 =	vld [tilespmem:s19+$0x9C60];
	s19 =	sshra.s32 s20, $0x2;
	s20 =	sadd.s32 $0x200, s20  }
0x1f8: {  	v13 =	vld [tilespmem:s19+$0x9C00]  }
0x1f9: {  	v14 =	vld [tilespmem:s19+$0x9C10]  }
0x1fa: {  	v15 =	vld [tilespmem:s19+$0x9C20]  }
0x1fb: {  	v1 =	vadd.f32 v12, v1;
	v12 =	vld [tilespmem:s19+$0x9C50]  }
0x1fc: {  	v16 =	vld [tilespmem:s19+$0x9C30]  }
0x1fd: {  	v17 =	vld [tilespmem:s19+$0x9C40];
	v7 =	vadd.f32 v7, v9;
	v5 =	vadd.f32 v13, v5  }
0x1fe: {  	v9 =	vld [tilespmem:s19+$0x9C70];
	v3 =	vadd.f32 v8, v3;
	v4 =	vadd.f32 v14, v4  }
0x1ff: {  	v6 =	vadd.f32 v10, v6;
	v10 =	vld [tilespmem:s19+$0x9C60];
	v1 =	vadd.f32 v15, v1;
	v5 =	vmul.f32 $3.125000000e-02, v5  }
0x200: {  	v3 =	vadd.f32 v12, v3;
	v4 =	vmul.f32 $3.125000000e-02, v4  }
0x201: {  	v6 =	vadd.f32 v16, v6;
	v1 =	vmul.f32 $3.125000000e-02, v1;
	[tilespmem:s18+$0xCE80] =	vst v5  }
0x202: {  	v2 =	vadd.f32 v11, v2;
	v7 =	vadd.f32 v17, v7;
	v3 =	vmul.f32 $3.125000000e-02, v3;
	[tilespmem:s18+$0xCE90] =	vst v4  }
0x203: {  	v0 =	vadd.f32 v9, v0;
	v4 =	vmul.f32 $3.125000000e-02, v6;
	[tilespmem:s18+$0xCEA0] =	vst v1  }
0x204: {  	v2 =	vadd.f32 v10, v2;
	v1 =	vmul.f32 $3.125000000e-02, v7;
	[tilespmem:s18+$0xCED0] =	vst v3  }
0x205: {  	v0 =	vmul.f32 $3.125000000e-02, v0;
	[tilespmem:s18+$0xCEB0] =	vst v4  }
0x206: {  	[tilespmem:s18+$0xCEC0] =	vst v1;
	v1 =	vmul.f32 $3.125000000e-02, v2  }
0x207: {  	[tilespmem:s18+$0xCEF0] =	vst v0  }
0x208: {  	s21 =	simm.s32 $0x0;
	[tilespmem:s18+$0xCEE0] =	vst v1  }
0x209: {  	v0 =	vld [tilespmem:s21+$0xAC70]  }
0x20a: {  	v2 =	vld [tilespmem:s21+$0xAC00]  }
0x20b: {  	v3 =	vld [tilespmem:s21+$0xAC10]  }
0x20c: {  	v12 =	vld [tilespmem:s21+$0xAC20]  }
0x20d: {  	v10 =	vld [tilespmem:s21+$0xAC30]  }
0x20e: {  	v9 =	vimm.f32 $0.0e+00;
	v1 =	vimm.f32 $0.0e+00;
	v7 =	vld [tilespmem:s21+$0xAC40]  }
0x20f: {  	v6 =	vimm.f32 $0.0e+00;
	v8 =	vld [tilespmem:s21+$0xAC50];
	v0 =	vadd.f32 v0, v1;
	v5 =	vadd.f32 v2, v1  }
0x210: {  	s20 =	simm.s32 $0x400;
	s19 =	simm.s32 $0x80;
	v11 =	vld [tilespmem:s21+$0xAC60];
	v4 =	vadd.f32 v3, v1;
	v3 =	vimm.f32 $0.0e+00;
	v2 =	vimm.f32 $0.0e+00  }
.LBB2_16:
0x211: {  	p2 =	sne.s32 s20, $0x3E00;
	v13 =	vld [tilespmem:s19+$0xAC70];
	v1 =	vadd.f32 v12, v1  }
0x212: {  	v14 =	vld [tilespmem:s19+$0xAC00];
	v6 =	vadd.f32 v10, v6  }
0x213: {  	v15 =	vld [tilespmem:s19+$0xAC10];
	v9 =	vadd.f32 v7, v9  }
.Ltmp19:
0x214: {  	v12 =	vld [tilespmem:s19+$0xAC20];
	v3 =	vadd.f32 v8, v3;
	(pc) =	sbr.rel @p2 .LBB2_16-.Ltmp19, $4  }
0x215: {  	v10 =	vld [tilespmem:s19+$0xAC30];
	v2 =	vadd.f32 v11, v2  }
0x216: {  	v7 =	vld [tilespmem:s19+$0xAC40];
	v0 =	vadd.f32 v13, v0  }
0x217: {  	v5 =	vadd.f32 v14, v5;
	v8 =	vld [tilespmem:s19+$0xAC50]  }
0x218: {  	v4 =	vadd.f32 v15, v4;
	v11 =	vld [tilespmem:s19+$0xAC60];
	s19 =	sshra.s32 s20, $0x2;
	s20 =	sadd.s32 $0x200, s20  }
0x219: {  	v13 =	vld [tilespmem:s19+$0xAC00]  }
0x21a: {  	v14 =	vld [tilespmem:s19+$0xAC10]  }
0x21b: {  	v15 =	vld [tilespmem:s19+$0xAC20]  }
0x21c: {  	v1 =	vadd.f32 v12, v1;
	v12 =	vld [tilespmem:s19+$0xAC50]  }
0x21d: {  	v16 =	vld [tilespmem:s19+$0xAC30]  }
0x21e: {  	v17 =	vld [tilespmem:s19+$0xAC40];
	v7 =	vadd.f32 v7, v9;
	v5 =	vadd.f32 v13, v5  }
0x21f: {  	v9 =	vld [tilespmem:s19+$0xAC70];
	v3 =	vadd.f32 v8, v3;
	v4 =	vadd.f32 v14, v4  }
0x220: {  	v6 =	vadd.f32 v10, v6;
	v10 =	vld [tilespmem:s19+$0xAC60];
	v1 =	vadd.f32 v15, v1;
	v5 =	vmul.f32 $3.125000000e-02, v5  }
0x221: {  	v3 =	vadd.f32 v12, v3;
	v4 =	vmul.f32 $3.125000000e-02, v4  }
0x222: {  	v6 =	vadd.f32 v16, v6;
	v1 =	vmul.f32 $3.125000000e-02, v1;
	[tilespmem:s18+$0xCF00] =	vst v5  }
0x223: {  	v2 =	vadd.f32 v11, v2;
	v7 =	vadd.f32 v17, v7;
	v3 =	vmul.f32 $3.125000000e-02, v3;
	[tilespmem:s18+$0xCF10] =	vst v4  }
0x224: {  	v0 =	vadd.f32 v9, v0;
	v4 =	vmul.f32 $3.125000000e-02, v6;
	[tilespmem:s18+$0xCF20] =	vst v1  }
0x225: {  	v2 =	vadd.f32 v10, v2;
	v1 =	vmul.f32 $3.125000000e-02, v7;
	[tilespmem:s18+$0xCF50] =	vst v3  }
0x226: {  	v0 =	vmul.f32 $3.125000000e-02, v0;
	[tilespmem:s18+$0xCF30] =	vst v4  }
0x227: {  	[tilespmem:s18+$0xCF40] =	vst v1;
	v1 =	vmul.f32 $3.125000000e-02, v2  }
0x228: {  	[tilespmem:s18+$0xCF70] =	vst v0  }
0x229: {  	s21 =	simm.s32 $0x0;
	[tilespmem:s18+$0xCF60] =	vst v1  }
0x22a: {  	v0 =	vld [tilespmem:s21+$0xBC70]  }
0x22b: {  	v2 =	vld [tilespmem:s21+$0xBC00]  }
0x22c: {  	v3 =	vld [tilespmem:s21+$0xBC10]  }
0x22d: {  	v12 =	vld [tilespmem:s21+$0xBC20]  }
0x22e: {  	v10 =	vld [tilespmem:s21+$0xBC30]  }
0x22f: {  	v9 =	vimm.f32 $0.0e+00;
	v1 =	vimm.f32 $0.0e+00;
	v7 =	vld [tilespmem:s21+$0xBC40]  }
0x230: {  	v6 =	vimm.f32 $0.0e+00;
	v8 =	vld [tilespmem:s21+$0xBC50];
	v0 =	vadd.f32 v0, v1;
	v5 =	vadd.f32 v2, v1  }
0x231: {  	s20 =	simm.s32 $0x400;
	s19 =	simm.s32 $0x80;
	v11 =	vld [tilespmem:s21+$0xBC60];
	v4 =	vadd.f32 v3, v1;
	v3 =	vimm.f32 $0.0e+00;
	v2 =	vimm.f32 $0.0e+00  }
.LBB2_18:
0x232: {  	p2 =	sne.s32 s20, $0x3E00;
	v13 =	vld [tilespmem:s19+$0xBC70];
	v1 =	vadd.f32 v12, v1  }
0x233: {  	v14 =	vld [tilespmem:s19+$0xBC00];
	v6 =	vadd.f32 v10, v6  }
0x234: {  	v15 =	vld [tilespmem:s19+$0xBC10];
	v9 =	vadd.f32 v7, v9  }
.Ltmp20:
0x235: {  	v12 =	vld [tilespmem:s19+$0xBC20];
	v3 =	vadd.f32 v8, v3;
	(pc) =	sbr.rel @p2 .LBB2_18-.Ltmp20, $4  }
0x236: {  	v10 =	vld [tilespmem:s19+$0xBC30];
	v2 =	vadd.f32 v11, v2  }
0x237: {  	v7 =	vld [tilespmem:s19+$0xBC40];
	v0 =	vadd.f32 v13, v0  }
0x238: {  	v5 =	vadd.f32 v14, v5;
	v8 =	vld [tilespmem:s19+$0xBC50]  }
0x239: {  	v4 =	vadd.f32 v15, v4;
	v11 =	vld [tilespmem:s19+$0xBC60];
	s19 =	sshra.s32 s20, $0x2;
	s20 =	sadd.s32 $0x200, s20  }
0x23a: {  	v13 =	vld [tilespmem:s19+$0xBC00]  }
0x23b: {  	v14 =	vld [tilespmem:s19+$0xBC10]  }
0x23c: {  	v15 =	vld [tilespmem:s19+$0xBC20]  }
0x23d: {  	v16 =	vld [tilespmem:s19+$0xBC30]  }
0x23e: {  	v17 =	vld [tilespmem:s19+$0xBC40]  }
0x23f: {  	v1 =	vadd.f32 v12, v1;
	v58 =	vld [tilespmem:s19+$0xBC50];
	v5 =	vadd.f32 v13, v5  }
0x240: {  	v60 =	vld [tilespmem:s19+$0xBC70];
	v6 =	vadd.f32 v10, v6;
	v4 =	vadd.f32 v14, v4  }
0x241: {  	v59 =	vld [tilespmem:s19+$0xBC60];
	v7 =	vadd.f32 v7, v9;
	v1 =	vadd.f32 v15, v1;
	v5 =	vmul.f32 $3.125000000e-02, v5  }
0x242: {  	v3 =	vadd.f32 v8, v3;
	v6 =	vadd.f32 v16, v6;
	v4 =	vmul.f32 $3.125000000e-02, v4  }
0x243: {  	v7 =	vadd.f32 v17, v7;
	v1 =	vmul.f32 $3.125000000e-02, v1;
	[tilespmem:s18+$0xCF80] =	vst v5  }
0x244: {  	v2 =	vadd.f32 v11, v2;
	v3 =	vadd.f32 v58, v3;
	v61 =	vmul.f32 $3.125000000e-02, v6;
	[tilespmem:s18+$0xCF90] =	vst v4  }
0x245: {  	v0 =	vadd.f32 v60, v0;
	v62 =	vmul.f32 $3.125000000e-02, v7;
	[tilespmem:s18+$0xCFA0] =	vst v1  }
.Ltmp21:
0x246: {  	v2 =	vadd.f32 v59, v2;
	v3 =	vmul.f32 $3.125000000e-02, v3;
	[tilespmem:s18+$0xCFB0] =	vst v61;
	(pc) =	sbr.rel @p1 .LBB2_21-.Ltmp21, $4  }
0x247: {  	v0 =	vmul.f32 $3.125000000e-02, v0;
	[tilespmem:s18+$0xCFC0] =	vst v62  }
0x248: {  	v63 =	vmul.f32 $3.125000000e-02, v2;
	[tilespmem:s18+$0xCFD0] =	vst v3  }
0x249: {  	[tilespmem:s18+$0xCFF0] =	vst v0  }
0x24a: {  	[tilespmem:s18+$0xCFE0] =	vst v63  }
.Ltmp22:
0x24b: {  	(pc) =	sbr.rel .LBB2_3-.Ltmp22, $4  }
0x24c: {  	_ = 	snop  }
0x24d: {  	s18 =	sshrl.u32 s18, $0x2  }
0x24e: {  	s17 =	sadd.s32 $0x1, s17;
	s18 =	sadd.s32 $0x180, s18  }
0x24f: {  	[tilespmem:s12], [sflag:$0x2] =	stream.indirect.gather [hbm4b:s1+s10], $0x80, s18, s10, $0xb8;
	[tilespmem:$0x1FC00] =	vst v63  }
.LBB2_21:
.Ltmp23:
0x250: {  	(pc) =	sbr.rel .LBB2_42-.Ltmp23, $4  }
0x251: {  	[hbm4b:s5+s2] =	stream.linear.scatter [tilespmem:s15], [sflag:$0x3], $0x13000, $0x38;
	[tilespmem:$0x1FC00] =	vst v63  }
0x252: {  	_ =	swait.ge [sflag:s9], $0x13000  }
0x253: {  	[sflag:s9] =	ssyncset.done $0x0  }
0x254: {  	[sflag:s9] =	ssyncadd.s32 $0xFFFED000  }
.LBB2_43:
0x255: {  	_ =	sfence.sel $0x180000  }
0x256: {  	[bflag:$0x0] =	sbarrier.arrive $0xFFFF  }
0x257: {  	p0 =	sne.s32 s3, $0x0;
	_ =	strace $0x90000047  }
0x258: {  	s0 =	sadd.s32 @!p0 $0x100000, s0;
	[bflag:$0x2] =	sbarrier.arrive $0xFFFF  }
0x259: {  	[sflag:s0] =	ssyncadd.tile.s32 @!p0 $0x1;
	_ =	shalt  }
.Lfunc_end2:
_tile_overlayer_lowered:
.L_overlay_start_2:
0x25a: {  	(tag) =	ssettag $0x2  }
0x25b: {  	s0 =	rddreg [dreg:$0x0];
	s2 =	stileid.u32  }
0x25c: {  	s1 =	rddreg [dreg:$0x1];
	p0 =	sne.s32 s2, $0x0  }
0x25d: {  	s3 =	rddreg [dreg:$0x2];
	[bflag:$0x3] =	sbarrier.arrive $0xFFFF;
	s2 =	simm.s32 @!p0 $0x1C03  }
0x25e: {  	[timem:s3], [sflag:s2] =	dma.local @!p0 [hbm:s0], s1  }
0x25f: {  	s0 =	simm.s32 @!p0 $0x3  }
0x260: {  	_ =	swait.ge @!p0 [sflag:s0], s1  }
0x261: {  	s1 =	ssub.s32 @!p0 $0x0, s1;
	[sflag:s0] =	ssyncset.done @!p0 $0x0  }
0x262: {  	[sflag:s0] =	ssyncadd.s32 @!p0 s1  }
0x263: {  	[bflag:$0x3] =	sbarrier.arrive $0xFFFF  }
0x264: {  	_ =	shalt  }

</sc_bundles>
